<compile_context>
chip_gen: v7x
topology: tpu7x:2x2x1
jax: 0.10.2.dev20260603
libtpu: 0.0.44.dev20260713+nightly
codegen_flags: <defaults>
</compile_context>

<pallas_src>
import functools

import jax
import jax.numpy as jnp
from jax import lax
from jax.experimental import pallas as pl
from jax.experimental.pallas import tpu as pltpu
from jax.experimental.pallas import tpu_sc as plsc

N = 10000
D = 128
L = 3
CB = 16
NC = 2
NS = 16
NW = NC * NS
EB = 128
NBLK = 80
EPAD = NW * NBLK * EB
ROWS_PT = 624
ROWS_TL = N - NS * ROWS_PT
NPAD = N + CB
REP = 64
BLK = 1000
NBLKS = N // BLK

_mesh = plsc.VectorSubcoreMesh(core_axis_name="c", subcore_axis_name="s",
                               num_cores=NC, num_subcores=NS)
_f32 = jnp.float32
_i32 = jnp.int32



def _part_copy(sid, src, dst):
    pltpu.sync_copy(src.at[pl.ds(sid * ROWS_PT, ROWS_PT)],
                    dst.at[pl.ds(sid * ROWS_PT, ROWS_PT)])

    @pl.when(sid == NS - 1)
    def _():
        pltpu.sync_copy(src.at[pl.ds(NS * ROWS_PT, ROWS_TL)],
                        dst.at[pl.ds(NS * ROWS_PT, ROWS_TL)])


def _edge_loop(tab_hbm, src_hbm, dst_hbm, acc, idx_s, rows0, rows1, d0, d1,
               g0, g1, s0, s1, wid):
    pltpu.sync_copy(src_hbm.at[wid], idx_s)
    pltpu.async_copy(tab_hbm.at[idx_s.at[0]], rows0, g0)
    pltpu.async_copy(dst_hbm.at[wid, 0], d0, s0)

    def step(t, carry):
        j = 2 * t
        pltpu.async_copy(tab_hbm.at[idx_s.at[j + 1]], rows1, g1)
        pltpu.async_copy(dst_hbm.at[wid, j + 1], d1, s1)
        pltpu.make_async_copy(tab_hbm.at[idx_s.at[j]], rows0, g0).wait()
        pltpu.make_async_copy(dst_hbm.at[wid, j], d0, s0).wait()
        pltpu.sync_copy(rows0, acc.at[d0], add=True)

        @pl.when(j + 2 < NBLK)
        def _():
            pltpu.async_copy(tab_hbm.at[idx_s.at[j + 2]], rows0, g0)
            pltpu.async_copy(dst_hbm.at[wid, j + 2], d0, s0)

        pltpu.make_async_copy(tab_hbm.at[idx_s.at[j + 1]], rows1, g1).wait()
        pltpu.make_async_copy(dst_hbm.at[wid, j + 1], d1, s1).wait()
        pltpu.sync_copy(rows1, acc.at[d1], add=True)
        return carry

    lax.fori_loop(0, NBLK // 2, step, 0)


def _writeout(cid, sid, acc, out0, out1):
    @pl.when(cid == 0)
    def _():
        _part_copy(sid, acc, out0)

    @pl.when(cid == 1)
    def _():
        _part_copy(sid, acc, out1)


def _gs_body(init_hbm, tab_hbm, src_hbm, dst_hbm, out0, out1, idx_s, rows0,
             rows1, d0, d1, acc, g0, g1, s0, s1):
    cid = lax.axis_index("c")
    sid = lax.axis_index("s")
    wid = cid * NS + sid
    _part_copy(sid, init_hbm, acc)
    plsc.subcore_barrier()
    _edge_loop(tab_hbm, src_hbm, dst_hbm, acc, idx_s, rows0, rows1, d0, d1,
               g0, g1, s0, s1, wid)
    plsc.subcore_barrier()
    _writeout(cid, sid, acc, out0, out1)


_GS_SCRATCH = [
    pltpu.VMEM((NBLK, EB), _i32),
    pltpu.VMEM((EB, D), _f32),
    pltpu.VMEM((EB, D), _f32),
    pltpu.VMEM((EB,), _i32),
    pltpu.VMEM((EB,), _i32),
    pltpu.VMEM_SHARED((NPAD, D), _f32),
    pltpu.SemaphoreType.DMA,
    pltpu.SemaphoreType.DMA,
    pltpu.SemaphoreType.DMA,
    pltpu.SemaphoreType.DMA,
]

_gs_call = pl.kernel(
    _gs_body,
    out_type=(jax.ShapeDtypeStruct((N, D), _f32),
              jax.ShapeDtypeStruct((N, D), _f32)),
    mesh=_mesh,
    scratch_types=_GS_SCRATCH,
)



def _h0_body(x0_ref, x1_ref, emb_ref, o_ref):
    cols = lax.broadcasted_iota(_i32, (BLK, 128), 1)
    oh = ((x0_ref[...] == cols).astype(_f32)
          + (x1_ref[...] == cols).astype(_f32))
    o_ref[...] = jnp.dot(oh, emb_ref[...], preferred_element_type=_f32,
                         precision=lax.Precision.HIGHEST)


_h0_call = pl.pallas_call(
    _h0_body,
    grid=(NBLKS,),
    in_specs=[
        pl.BlockSpec((BLK, 1), lambda i: (i, 0)),
        pl.BlockSpec((BLK, 1), lambda i: (i, 0)),
        pl.BlockSpec((128, D), lambda i: (0, 0)),
    ],
    out_specs=pl.BlockSpec((BLK, D), lambda i: (i, 0)),
    out_shape=jax.ShapeDtypeStruct((N, D), _f32),
)


def _c1_body(p0, p1, h, c0, c1, v, sv, w1, b1, w2, b2, h2o, stats):
    i = pl.program_id(0)
    cnt = c0[...] + c1[...]
    agg = (p0[...] + p1[...] - h[...] + sv[...]
           + jnp.dot(cnt, v[...], preferred_element_type=_f32,
                     precision=lax.Precision.HIGHEST))
    hmid = jnp.maximum(
        jnp.dot(agg, w1[...], preferred_element_type=_f32) + b1[...], 0.0)
    h2 = jnp.dot(hmid, w2[...], preferred_element_type=_f32) + b2[...]
    h2o[...] = h2
    st = jnp.concatenate([jnp.sum(h2, axis=0, keepdims=True),
                          jnp.sum(h2 * h2, axis=0, keepdims=True)], axis=0)

    @pl.when(i == 0)
    def _():
        stats[...] = st

    @pl.when(i > 0)
    def _():
        stats[...] = stats[...] + st


_c1_call = pl.pallas_call(
    _c1_body,
    grid=(NBLKS,),
    in_specs=[
        pl.BlockSpec((BLK, D), lambda i: (i, 0)),
        pl.BlockSpec((BLK, D), lambda i: (i, 0)),
        pl.BlockSpec((BLK, D), lambda i: (i, 0)),
        pl.BlockSpec((BLK, D), lambda i: (i, 0)),
        pl.BlockSpec((BLK, D), lambda i: (i, 0)),
        pl.BlockSpec((128, D), lambda i: (0, 0)),
        pl.BlockSpec((1, D), lambda i: (0, 0)),
        pl.BlockSpec((D, 2 * D), lambda i: (0, 0)),
        pl.BlockSpec((1, 2 * D), lambda i: (0, 0)),
        pl.BlockSpec((2 * D, D), lambda i: (0, 0)),
        pl.BlockSpec((1, D), lambda i: (0, 0)),
    ],
    out_specs=(pl.BlockSpec((BLK, D), lambda i: (i, 0)),
               pl.BlockSpec((2, D), lambda i: (0, 0))),
    out_shape=(jax.ShapeDtypeStruct((N, D), _f32),
               jax.ShapeDtypeStruct((2, D), _f32)),
)


def _c2_body(h2, stats, g, b, o, *, use_elu):
    mu = stats[0:1, :] * (1.0 / N)
    var = stats[1:2, :] * (1.0 / N) - mu * mu
    inv = 1.0 / jnp.sqrt(var + 1e-5)
    y = (h2[...] - mu) * (inv * g[...]) + b[...]
    if use_elu:
        y = jnp.where(y > 0, y, jnp.exp(y) - 1.0)
    o[...] = y


def _make_c2(use_elu):
    return pl.pallas_call(
        functools.partial(_c2_body, use_elu=use_elu),
        grid=(NBLKS,),
        in_specs=[
            pl.BlockSpec((BLK, D), lambda i: (i, 0)),
            pl.BlockSpec((2, D), lambda i: (0, 0)),
            pl.BlockSpec((1, D), lambda i: (0, 0)),
            pl.BlockSpec((1, D), lambda i: (0, 0)),
        ],
        out_specs=pl.BlockSpec((BLK, D), lambda i: (i, 0)),
        out_shape=jax.ShapeDtypeStruct((N, D), _f32),
    )


_c2_elu = _make_c2(True)
_c2_last = _make_c2(False)



def kernel(x, edge_index, edge_attr, x_emb, e1, e2, W1, b1, W2, b2, gamma,
           beta):
    x = x.astype(_i32)
    ei = edge_index.astype(_i32)
    ea = edge_attr.astype(_i32)
    e = ei.shape[1]
    npad = EPAD - e
    src = jnp.concatenate([ei[0], jnp.zeros((npad,), _i32)])
    dst = jnp.concatenate([ei[1], jnp.full((npad,), N, _i32)])
    combo = jnp.concatenate([ea[:, 0] * 3 + ea[:, 1], jnp.zeros((npad,), _i32)])
    combo = combo + CB * (jnp.arange(EPAD, dtype=_i32) % REP)
    src = src.reshape(NW, NBLK, EB)
    dst = dst.reshape(NW, NBLK, EB)
    combo = combo.reshape(NW, NBLK, EB)
    emb_pad = jnp.zeros((128, D), _f32).at[: x_emb.shape[0]].set(x_emb)
    ohtab = jnp.tile(jnp.eye(CB, D, dtype=_f32), (REP, 1))
    zn = jnp.zeros((N, D), _f32)

    h = _h0_call(x[:, 0:1], x[:, 1:2], emb_pad)

    c0, c1 = _gs_call(zn, ohtab, combo, dst)

    combos = jnp.arange(9)
    for l in range(L):
        v = jnp.zeros((128, D), _f32).at[:9].set(
            e1[l][combos // 3] + e2[l][combos % 3])
        sv = (e1[l][4] + e2[l][0]).reshape(1, D)
        p0, p1 = _gs_call(h, h, src, dst)
        h2, stats = _c1_call(p0, p1, h, c0, c1, v, sv, W1[l],
                             b1[l].reshape(1, -1), W2[l], b2[l].reshape(1, -1))
        c2 = _c2_elu if l < L - 1 else _c2_last
        h = c2(h2, stats, gamma[l].reshape(1, -1), beta[l].reshape(1, -1))
    return h

# --- scband reference (transcript-rebuilt; emitter-appended) ---
"""Pipeline reference for scband-gnn-49297634624011 (READ-ONLY COPY).

The authoritative reference and input builder live on the scoring server;
editing this copy changes nothing except your own understanding.
"""

import jax, jax.numpy as jnp
import numpy as np

N = 10000
E = 320000
D = 128
L = 3
VOCAB_X = 119
VOCAB_E1 = 6
VOCAB_E2 = 3


def setup_inputs(seed: int = 0) -> dict:
    key = jax.random.key(seed)
    ks = jax.random.split(key, 12)
    x = jax.random.randint(ks[0], (N, 2), 0, VOCAB_X, dtype=jnp.int64)
    edge_index = jax.random.randint(ks[1], (2, E), 0, N, dtype=jnp.int64)
    edge_attr = jax.random.randint(ks[2], (E, 2), 0, VOCAB_E2, dtype=jnp.int64)
    # learned parameters
    bound_x = float(np.sqrt(6.0 / (VOCAB_X + D)))
    x_emb = jax.random.uniform(ks[3], (VOCAB_X, D), minval=-bound_x, maxval=bound_x, dtype=jnp.float32)
    bound_e1 = float(np.sqrt(6.0 / (VOCAB_E1 + D)))
    e1 = jax.random.uniform(ks[4], (L, VOCAB_E1, D), minval=-bound_e1, maxval=bound_e1, dtype=jnp.float32)
    bound_e2 = float(np.sqrt(6.0 / (VOCAB_E2 + D)))
    e2 = jax.random.uniform(ks[5], (L, VOCAB_E2, D), minval=-bound_e2, maxval=bound_e2, dtype=jnp.float32)
    b1w = 1.0 / np.sqrt(D)
    W1 = jax.random.uniform(ks[6], (L, D, 2 * D), minval=-b1w, maxval=b1w, dtype=jnp.float32)
    b1 = jax.random.uniform(ks[7], (L, 2 * D), minval=-b1w, maxval=b1w, dtype=jnp.float32)
    b2w = 1.0 / np.sqrt(2 * D)
    W2 = jax.random.uniform(ks[8], (L, 2 * D, D), minval=-b2w, maxval=b2w, dtype=jnp.float32)
    b2 = jax.random.uniform(ks[9], (L, D), minval=-b2w, maxval=b2w, dtype=jnp.float32)
    gamma = jnp.ones((L, D), dtype=jnp.float32)
    beta = jnp.zeros((L, D), dtype=jnp.float32)
    return {"x": x, "edge_index": edge_index, "edge_attr": edge_attr,
            "x_emb": x_emb, "e1": e1, "e2": e2, "W1": W1, "b1": b1,
            "W2": W2, "b2": b2, "gamma": gamma, "beta": beta}


def _gin_layer(h, edge_index, edge_attr, e1, e2, W1, b1, W2, b2):
    n = h.shape[0]
    # add self loops with edge_attr [4, 0] (pretrain-gnns GINConv convention)
    loop = jnp.arange(n, dtype=edge_index.dtype)
    src = jnp.concatenate([edge_index[0], loop])
    dst = jnp.concatenate([edge_index[1], loop])
    self_attr = jnp.concatenate([
        jnp.full((n, 1), 4, dtype=edge_attr.dtype),
        jnp.zeros((n, 1), dtype=edge_attr.dtype)], axis=1)
    attr = jnp.concatenate([edge_attr, self_attr], axis=0)
    edge_emb = jnp.take(e1, attr[:, 0], axis=0) + jnp.take(e2, attr[:, 1], axis=0)
    msg = jnp.take(h, src, axis=0) + edge_emb
    agg = jax.ops.segment_sum(msg, dst, num_segments=n)
    hmid = jax.nn.relu(agg @ W1 + b1)
    return hmid @ W2 + b2


def _batch_norm(h, gamma, beta, eps=1e-5):
    mu = jnp.mean(h, axis=0)
    var = jnp.var(h, axis=0)
    return gamma * (h - mu) / jnp.sqrt(var + eps) + beta


def reference(x, edge_index, edge_attr, x_emb, e1, e2, W1, b1, W2, b2, gamma, beta):
    # x_embedding(x).sum(dim=1)
    h = jnp.take(x_emb, x, axis=0).sum(axis=1)
    for l in range(L):
        h = _gin_layer(h, edge_index, edge_attr, e1[l], e2[l], W1[l], b1[l], W2[l], b2[l])
        h = _batch_norm(h, gamma[l], beta[l])
        if l < L - 1:
            h = jax.nn.elu(h)
        # drop_ratio = 0 -> dropout is identity
    return h  # JK == 'last'

if __name__ == "__main__":
    import jax
    _d = setup_inputs()
    print(jax.jit(kernel)(*tuple(_d.values())))

</pallas_src>

<mosaic_0001>
#map = affine_map<(d0, d1) -> (0, 0)>
#map1 = affine_map<(d0, d1) -> (0, 0, 0)>
module attributes {stable_mosaic.version = 14 : i64} {
  func.func @_gs_body(%arg0: i32, %arg1: i32, %arg2: memref<10000x128xf32, #tpu.memory_space<hbm>>, %arg3: memref<10000x128xf32, #tpu.memory_space<hbm>>, %arg4: memref<32x80x128xi32, #tpu.memory_space<hbm>>, %arg5: memref<32x80x128xi32, #tpu.memory_space<hbm>>, %arg6: memref<10000x128xf32, #tpu.memory_space<hbm>>, %arg7: memref<10000x128xf32, #tpu.memory_space<hbm>>, %arg8: memref<80x128xi32, #tpu.memory_space<vmem>>, %arg9: memref<128x128xf32, #tpu.memory_space<vmem>>, %arg10: memref<128x128xf32, #tpu.memory_space<vmem>>, %arg11: memref<128xi32, #tpu.memory_space<vmem>>, %arg12: memref<128xi32, #tpu.memory_space<vmem>>, %arg13: memref<10016x128xf32, #tpu.memory_space<vmem_shared>>, %arg14: memref<!tpu.dma_semaphore, #tpu.memory_space<semaphore_mem>>, %arg15: memref<!tpu.dma_semaphore, #tpu.memory_space<semaphore_mem>>, %arg16: memref<!tpu.dma_semaphore, #tpu.memory_space<semaphore_mem>>, %arg17: memref<!tpu.dma_semaphore, #tpu.memory_space<semaphore_mem>>) attributes {dimension_semantics = [#tpu.dimension_semantics<core_parallel>, #tpu.dimension_semantics<subcore_parallel>], iteration_bounds = array<i64: 2, 16>, scalar_prefetch = 0 : i64, scratch_operands = 10 : i64, tpu.core_type = #tpu.core_type<sc_vector_subcore>, window_params = [{transform_indices = #map}, {transform_indices = #map}, {transform_indices = #map1}, {transform_indices = #map1}, {transform_indices = #map}, {transform_indices = #map}]} {
    %mul3A = arith.constant 16 : i32
    %mul3A_0 = arith.muli %arg0, %mul3A : i32
    %add3A = arith.addi %mul3A_0, %arg1 : i32
    %mul3A_1 = arith.constant 624 : i32
    %mul3A_2 = arith.muli %arg1, %mul3A_1 : i32
    %mul3A_3 = arith.constant 624 : i32
    %mul3A_4 = arith.muli %arg1, %mul3A_3 : i32
    "tpu.region"() ({
      %run_scoped3A = tpu.sem_alloc : memref<!tpu.dma_semaphore, #tpu.memory_space<semaphore_mem>>
      %dma_start3A_36 = arith.constant 0 : i32
      %dma_start3A_37 = tpu.memref_slice %arg13[%mul3A_4, %dma_start3A_36] : memref<10016x128xf32, #tpu.memory_space<vmem_shared>> -> memref<624x128xf32, #tpu.memory_space<vmem_shared>>
      %dma_start3A_38 = arith.constant 0 : i32
      %dma_start3A_39 = tpu.memref_slice %arg2[%mul3A_2, %dma_start3A_38] : memref<10000x128xf32, #tpu.memory_space<hbm>> -> memref<624x128xf32, #tpu.memory_space<hbm>>
      tpu.enqueue_dma source(%dma_start3A_39 : memref<624x128xf32, #tpu.memory_space<hbm>>) target(%dma_start3A_37 : memref<624x128xf32, #tpu.memory_space<vmem_shared>>) target_semaphore(%run_scoped3A : memref<!tpu.dma_semaphore, #tpu.memory_space<semaphore_mem>>)
      %dma_wait3A = arith.constant 0 : i32
      %dma_wait3A_40 = tpu.memref_slice %arg13[%mul3A_4, %dma_wait3A] : memref<10016x128xf32, #tpu.memory_space<vmem_shared>> -> memref<624x128xf32, #tpu.memory_space<vmem_shared>>
      %dma_wait3A_41 = arith.constant 0 : i32
      %dma_wait3A_42 = tpu.memref_slice %arg2[%mul3A_2, %dma_wait3A_41] : memref<10000x128xf32, #tpu.memory_space<hbm>> -> memref<624x128xf32, #tpu.memory_space<hbm>>
      tpu.wait_dma2 semaphore(%run_scoped3A : memref<!tpu.dma_semaphore, #tpu.memory_space<semaphore_mem>>) src(%dma_wait3A_42 : memref<624x128xf32, #tpu.memory_space<hbm>>) dst(%dma_wait3A_40 : memref<624x128xf32, #tpu.memory_space<vmem_shared>>)
      tpu.yield
    }) : () -> ()
    %eq3A = arith.constant 15 : i32
    %eq3A_5 = arith.cmpi eq, %arg1, %eq3A : i32
    %convert_element_type3A = arith.extui %eq3A_5 : i1 to i32
    %cond3A = arith.constant 0 : i32
    %cond3A_6 = arith.cmpi ne, %convert_element_type3A, %cond3A : i32
    scf.if %cond3A_6 {
      "tpu.region"() ({
        %run_scoped3A = tpu.sem_alloc : memref<!tpu.dma_semaphore, #tpu.memory_space<semaphore_mem>>
        %dma_start3A_36 = arith.constant 9984 : i32
        %dma_start3A_37 = arith.constant 0 : i32
        %dma_start3A_38 = tpu.memref_slice %arg13[%dma_start3A_36, %dma_start3A_37] : memref<10016x128xf32, #tpu.memory_space<vmem_shared>> -> memref<16x128xf32, #tpu.memory_space<vmem_shared>>
        %dma_start3A_39 = arith.constant 9984 : i32
        %dma_start3A_40 = arith.constant 0 : i32
        %dma_start3A_41 = tpu.memref_slice %arg2[%dma_start3A_39, %dma_start3A_40] : memref<10000x128xf32, #tpu.memory_space<hbm>> -> memref<16x128xf32, #tpu.memory_space<hbm>>
        tpu.enqueue_dma source(%dma_start3A_41 : memref<16x128xf32, #tpu.memory_space<hbm>>) target(%dma_start3A_38 : memref<16x128xf32, #tpu.memory_space<vmem_shared>>) target_semaphore(%run_scoped3A : memref<!tpu.dma_semaphore, #tpu.memory_space<semaphore_mem>>)
        %dma_wait3A = arith.constant 9984 : i32
        %dma_wait3A_42 = arith.constant 0 : i32
        %dma_wait3A_43 = tpu.memref_slice %arg13[%dma_wait3A, %dma_wait3A_42] : memref<10016x128xf32, #tpu.memory_space<vmem_shared>> -> memref<16x128xf32, #tpu.memory_space<vmem_shared>>
        %dma_wait3A_44 = arith.constant 9984 : i32
        %dma_wait3A_45 = arith.constant 0 : i32
        %dma_wait3A_46 = tpu.memref_slice %arg2[%dma_wait3A_44, %dma_wait3A_45] : memref<10000x128xf32, #tpu.memory_space<hbm>> -> memref<16x128xf32, #tpu.memory_space<hbm>>
        tpu.wait_dma2 semaphore(%run_scoped3A : memref<!tpu.dma_semaphore, #tpu.memory_space<semaphore_mem>>) src(%dma_wait3A_46 : memref<16x128xf32, #tpu.memory_space<hbm>>) dst(%dma_wait3A_43 : memref<16x128xf32, #tpu.memory_space<vmem_shared>>)
        tpu.yield
      }) : () -> ()
    } else {
    }
    %barrier3A = arith.constant 0 : index
    tpu.barrier barrier_id(%barrier3A)
    "tpu.region"() ({
      %run_scoped3A = tpu.sem_alloc : memref<!tpu.dma_semaphore, #tpu.memory_space<semaphore_mem>>
      %dma_start3A_36 = arith.constant 0 : i32
      %dma_start3A_37 = arith.constant 0 : i32
      %dma_start3A_38 = tpu.memref_slice %arg4[%add3A, %dma_start3A_36, %dma_start3A_37] : memref<32x80x128xi32, #tpu.memory_space<hbm>> -> memref<1x80x128xi32, #tpu.memory_space<hbm>>
      %dma_start3A_39 = tpu.memref_squeeze %dma_start3A_38 : memref<1x80x128xi32, #tpu.memory_space<hbm>> -> memref<80x128xi32, #tpu.memory_space<hbm>>
      %dma_start3A_40 = arith.constant 0 : i32
      %dma_start3A_41 = arith.constant 0 : i32
      %dma_start3A_42 = tpu.memref_slice %arg4[%add3A, %dma_start3A_40, %dma_start3A_41] : memref<32x80x128xi32, #tpu.memory_space<hbm>> -> memref<1x80x128xi32, #tpu.memory_space<hbm>>
      %dma_start3A_43 = tpu.memref_squeeze %dma_start3A_42 : memref<1x80x128xi32, #tpu.memory_space<hbm>> -> memref<80x128xi32, #tpu.memory_space<hbm>>
      tpu.enqueue_dma source(%dma_start3A_43 : memref<80x128xi32, #tpu.memory_space<hbm>>) target(%arg8 : memref<80x128xi32, #tpu.memory_space<vmem>>) target_semaphore(%run_scoped3A : memref<!tpu.dma_semaphore, #tpu.memory_space<semaphore_mem>>)
      %dma_wait3A = arith.constant 0 : i32
      %dma_wait3A_44 = arith.constant 0 : i32
      %dma_wait3A_45 = tpu.memref_slice %arg4[%add3A, %dma_wait3A, %dma_wait3A_44] : memref<32x80x128xi32, #tpu.memory_space<hbm>> -> memref<1x80x128xi32, #tpu.memory_space<hbm>>
      %dma_wait3A_46 = tpu.memref_squeeze %dma_wait3A_45 : memref<1x80x128xi32, #tpu.memory_space<hbm>> -> memref<80x128xi32, #tpu.memory_space<hbm>>
      %dma_wait3A_47 = arith.constant 0 : i32
      %dma_wait3A_48 = arith.constant 0 : i32
      %dma_wait3A_49 = tpu.memref_slice %arg4[%add3A, %dma_wait3A_47, %dma_wait3A_48] : memref<32x80x128xi32, #tpu.memory_space<hbm>> -> memref<1x80x128xi32, #tpu.memory_space<hbm>>
      %dma_wait3A_50 = tpu.memref_squeeze %dma_wait3A_49 : memref<1x80x128xi32, #tpu.memory_space<hbm>> -> memref<80x128xi32, #tpu.memory_space<hbm>>
      tpu.wait_dma2 semaphore(%run_scoped3A : memref<!tpu.dma_semaphore, #tpu.memory_space<semaphore_mem>>) src(%dma_wait3A_50 : memref<80x128xi32, #tpu.memory_space<hbm>>) dst(%arg8 : memref<80x128xi32, #tpu.memory_space<vmem>>)
      tpu.yield
    }) : () -> ()
    %dma_start3A = arith.constant 0 : i32
    %dma_start3A_7 = arith.constant 0 : i32
    %dma_start3A_8 = tpu.memref_slice %arg8[%dma_start3A, %dma_start3A_7] : memref<80x128xi32, #tpu.memory_space<vmem>> -> memref<1x128xi32, #tpu.memory_space<vmem>>
    %dma_start3A_9 = tpu.memref_squeeze %dma_start3A_8 : memref<1x128xi32, #tpu.memory_space<vmem>> -> memref<128xi32, #tpu.memory_space<vmem>>
    %dma_start3A_10 = arith.constant 0 : i32
    %dma_start3A_11 = arith.constant 0 : i32
    %dma_start3A_12 = tpu.memref_slice %arg3[%dma_start3A_10, %dma_start3A_11] : memref<10000x128xf32, #tpu.memory_space<hbm>> -> memref<10000x128xf32, #tpu.memory_space<hbm>>
    tpu.enqueue_indirect_dma source(%dma_start3A_12 : memref<10000x128xf32, #tpu.memory_space<hbm>>) target(%arg9 : memref<128x128xf32, #tpu.memory_space<vmem>>) offsets(%dma_start3A_9 : memref<128xi32, #tpu.memory_space<vmem>>) semaphore(%arg14 : memref<!tpu.dma_semaphore, #tpu.memory_space<semaphore_mem>>)
    %dma_start3A_13 = arith.constant 0 : i32
    %dma_start3A_14 = arith.constant 0 : i32
    %dma_start3A_15 = tpu.memref_slice %arg5[%add3A, %dma_start3A_13, %dma_start3A_14] : memref<32x80x128xi32, #tpu.memory_space<hbm>> -> memref<1x1x128xi32, #tpu.memory_space<hbm>>
    %dma_start3A_16 = tpu.memref_squeeze %dma_start3A_15 : memref<1x1x128xi32, #tpu.memory_space<hbm>> -> memref<128xi32, #tpu.memory_space<hbm>>
    %dma_start3A_17 = arith.constant 0 : i32
    %dma_start3A_18 = tpu.memref_slice %arg5[%add3A, %dma_start3A_13, %dma_start3A_17] : memref<32x80x128xi32, #tpu.memory_space<hbm>> -> memref<1x1x128xi32, #tpu.memory_space<hbm>>
    %dma_start3A_19 = tpu.memref_squeeze %dma_start3A_18 : memref<1x1x128xi32, #tpu.memory_space<hbm>> -> memref<128xi32, #tpu.memory_space<hbm>>
    tpu.enqueue_dma source(%dma_start3A_19 : memref<128xi32, #tpu.memory_space<hbm>>) target(%arg11 : memref<128xi32, #tpu.memory_space<vmem>>) target_semaphore(%arg16 : memref<!tpu.dma_semaphore, #tpu.memory_space<semaphore_mem>>)
    %scan3A = arith.constant 0 : i32
    %scan3A_20 = arith.constant 0 : i32
    %scan3A_21 = arith.constant 40 : i32
    %scan3A_22 = arith.addi %scan3A_20, %scan3A_21 : i32
    %scan3A_23 = arith.constant 1 : i32
    scf.for %scan3A_36 = %scan3A_20 to %scan3A_22 step %scan3A_23  : i32 {
      %mul3A_37 = arith.constant 2 : i32
      %mul3A_38 = arith.muli %mul3A_37, %scan3A_36 : i32
      %add3A_39 = arith.constant 1 : i32
      %add3A_40 = arith.addi %mul3A_38, %add3A_39 : i32
      %dma_start3A_41 = arith.constant 0 : i32
      %dma_start3A_42 = tpu.memref_slice %arg8[%add3A_40, %dma_start3A_41] : memref<80x128xi32, #tpu.memory_space<vmem>> -> memref<1x128xi32, #tpu.memory_space<vmem>>
      %dma_start3A_43 = tpu.memref_squeeze %dma_start3A_42 : memref<1x128xi32, #tpu.memory_space<vmem>> -> memref<128xi32, #tpu.memory_space<vmem>>
      %dma_start3A_44 = arith.constant 0 : i32
      %dma_start3A_45 = arith.constant 0 : i32
      %dma_start3A_46 = tpu.memref_slice %arg3[%dma_start3A_44, %dma_start3A_45] : memref<10000x128xf32, #tpu.memory_space<hbm>> -> memref<10000x128xf32, #tpu.memory_space<hbm>>
      tpu.enqueue_indirect_dma source(%dma_start3A_46 : memref<10000x128xf32, #tpu.memory_space<hbm>>) target(%arg10 : memref<128x128xf32, #tpu.memory_space<vmem>>) offsets(%dma_start3A_43 : memref<128xi32, #tpu.memory_space<vmem>>) semaphore(%arg15 : memref<!tpu.dma_semaphore, #tpu.memory_space<semaphore_mem>>)
      %add3A_47 = arith.constant 1 : i32
      %add3A_48 = arith.addi %mul3A_38, %add3A_47 : i32
      %dma_start3A_49 = arith.constant 0 : i32
      %dma_start3A_50 = tpu.memref_slice %arg5[%add3A, %add3A_48, %dma_start3A_49] : memref<32x80x128xi32, #tpu.memory_space<hbm>> -> memref<1x1x128xi32, #tpu.memory_space<hbm>>
      %dma_start3A_51 = tpu.memref_squeeze %dma_start3A_50 : memref<1x1x128xi32, #tpu.memory_space<hbm>> -> memref<128xi32, #tpu.memory_space<hbm>>
      %dma_start3A_52 = arith.constant 0 : i32
      %dma_start3A_53 = tpu.memref_slice %arg5[%add3A, %add3A_48, %dma_start3A_52] : memref<32x80x128xi32, #tpu.memory_space<hbm>> -> memref<1x1x128xi32, #tpu.memory_space<hbm>>
      %dma_start3A_54 = tpu.memref_squeeze %dma_start3A_53 : memref<1x1x128xi32, #tpu.memory_space<hbm>> -> memref<128xi32, #tpu.memory_space<hbm>>
      tpu.enqueue_dma source(%dma_start3A_54 : memref<128xi32, #tpu.memory_space<hbm>>) target(%arg12 : memref<128xi32, #tpu.memory_space<vmem>>) target_semaphore(%arg17 : memref<!tpu.dma_semaphore, #tpu.memory_space<semaphore_mem>>)
      %dma_wait3A = arith.constant 0 : i32
      %dma_wait3A_55 = tpu.memref_slice %arg8[%mul3A_38, %dma_wait3A] : memref<80x128xi32, #tpu.memory_space<vmem>> -> memref<1x128xi32, #tpu.memory_space<vmem>>
      %dma_wait3A_56 = tpu.memref_squeeze %dma_wait3A_55 : memref<1x128xi32, #tpu.memory_space<vmem>> -> memref<128xi32, #tpu.memory_space<vmem>>
      %dma_wait3A_57 = arith.constant 0 : i32
      %dma_wait3A_58 = arith.constant 0 : i32
      %dma_wait3A_59 = tpu.memref_slice %arg3[%dma_wait3A_57, %dma_wait3A_58] : memref<10000x128xf32, #tpu.memory_space<hbm>> -> memref<10000x128xf32, #tpu.memory_space<hbm>>
      tpu.wait_indirect_dma semaphore(%arg14 : memref<!tpu.dma_semaphore, #tpu.memory_space<semaphore_mem>>) src(%dma_wait3A_59 : memref<10000x128xf32, #tpu.memory_space<hbm>>) dst(%arg9 : memref<128x128xf32, #tpu.memory_space<vmem>>)
      %dma_wait3A_60 = arith.constant 0 : i32
      %dma_wait3A_61 = tpu.memref_slice %arg5[%add3A, %mul3A_38, %dma_wait3A_60] : memref<32x80x128xi32, #tpu.memory_space<hbm>> -> memref<1x1x128xi32, #tpu.memory_space<hbm>>
      %dma_wait3A_62 = tpu.memref_squeeze %dma_wait3A_61 : memref<1x1x128xi32, #tpu.memory_space<hbm>> -> memref<128xi32, #tpu.memory_space<hbm>>
      %dma_wait3A_63 = arith.constant 0 : i32
      %dma_wait3A_64 = tpu.memref_slice %arg5[%add3A, %mul3A_38, %dma_wait3A_63] : memref<32x80x128xi32, #tpu.memory_space<hbm>> -> memref<1x1x128xi32, #tpu.memory_space<hbm>>
      %dma_wait3A_65 = tpu.memref_squeeze %dma_wait3A_64 : memref<1x1x128xi32, #tpu.memory_space<hbm>> -> memref<128xi32, #tpu.memory_space<hbm>>
      tpu.wait_dma2 semaphore(%arg16 : memref<!tpu.dma_semaphore, #tpu.memory_space<semaphore_mem>>) src(%dma_wait3A_65 : memref<128xi32, #tpu.memory_space<hbm>>) dst(%arg11 : memref<128xi32, #tpu.memory_space<vmem>>)
      "tpu.region"() ({
        %run_scoped3A = tpu.sem_alloc : memref<!tpu.dma_semaphore, #tpu.memory_space<semaphore_mem>>
        %dma_start3A_88 = arith.constant 0 : i32
        %dma_start3A_89 = arith.constant 0 : i32
        %dma_start3A_90 = tpu.memref_slice %arg13[%dma_start3A_88, %dma_start3A_89] : memref<10016x128xf32, #tpu.memory_space<vmem_shared>> -> memref<10016x128xf32, #tpu.memory_space<vmem_shared>>
        tpu.enqueue_indirect_dma source(%arg9 : memref<128x128xf32, #tpu.memory_space<vmem>>) target(%dma_start3A_90 : memref<10016x128xf32, #tpu.memory_space<vmem_shared>>) offsets(%arg11 : memref<128xi32, #tpu.memory_space<vmem>>) semaphore(%run_scoped3A : memref<!tpu.dma_semaphore, #tpu.memory_space<semaphore_mem>>) {add = true}
        %dma_wait3A_91 = arith.constant 0 : i32
        %dma_wait3A_92 = arith.constant 0 : i32
        %dma_wait3A_93 = tpu.memref_slice %arg13[%dma_wait3A_91, %dma_wait3A_92] : memref<10016x128xf32, #tpu.memory_space<vmem_shared>> -> memref<10016x128xf32, #tpu.memory_space<vmem_shared>>
        tpu.wait_indirect_dma semaphore(%run_scoped3A : memref<!tpu.dma_semaphore, #tpu.memory_space<semaphore_mem>>) src(%arg9 : memref<128x128xf32, #tpu.memory_space<vmem>>) dst(%dma_wait3A_93 : memref<10016x128xf32, #tpu.memory_space<vmem_shared>>)
        tpu.yield
      }) : () -> ()
      %add3A_66 = arith.constant 2 : i32
      %add3A_67 = arith.addi %mul3A_38, %add3A_66 : i32
      %lt3A = arith.constant 80 : i32
      %lt3A_68 = arith.cmpi slt, %add3A_67, %lt3A : i32
      %convert_element_type3A_69 = arith.extui %lt3A_68 : i1 to i32
      %cond3A_70 = arith.constant 0 : i32
      %cond3A_71 = arith.cmpi ne, %convert_element_type3A_69, %cond3A_70 : i32
      scf.if %cond3A_71 {
        %add3A_88 = arith.constant 2 : i32
        %add3A_89 = arith.addi %mul3A_38, %add3A_88 : i32
        %dma_start3A_90 = arith.constant 0 : i32
        %dma_start3A_91 = tpu.memref_slice %arg8[%add3A_89, %dma_start3A_90] : memref<80x128xi32, #tpu.memory_space<vmem>> -> memref<1x128xi32, #tpu.memory_space<vmem>>
        %dma_start3A_92 = tpu.memref_squeeze %dma_start3A_91 : memref<1x128xi32, #tpu.memory_space<vmem>> -> memref<128xi32, #tpu.memory_space<vmem>>
        %dma_start3A_93 = arith.constant 0 : i32
        %dma_start3A_94 = arith.constant 0 : i32
        %dma_start3A_95 = tpu.memref_slice %arg3[%dma_start3A_93, %dma_start3A_94] : memref<10000x128xf32, #tpu.memory_space<hbm>> -> memref<10000x128xf32, #tpu.memory_space<hbm>>
        tpu.enqueue_indirect_dma source(%dma_start3A_95 : memref<10000x128xf32, #tpu.memory_space<hbm>>) target(%arg9 : memref<128x128xf32, #tpu.memory_space<vmem>>) offsets(%dma_start3A_92 : memref<128xi32, #tpu.memory_space<vmem>>) semaphore(%arg14 : memref<!tpu.dma_semaphore, #tpu.memory_space<semaphore_mem>>)
        %add3A_96 = arith.constant 2 : i32
        %add3A_97 = arith.addi %mul3A_38, %add3A_96 : i32
        %dma_start3A_98 = arith.constant 0 : i32
        %dma_start3A_99 = tpu.memref_slice %arg5[%add3A, %add3A_97, %dma_start3A_98] : memref<32x80x128xi32, #tpu.memory_space<hbm>> -> memref<1x1x128xi32, #tpu.memory_space<hbm>>
        %dma_start3A_100 = tpu.memref_squeeze %dma_start3A_99 : memref<1x1x128xi32, #tpu.memory_space<hbm>> -> memref<128xi32, #tpu.memory_space<hbm>>
        %dma_start3A_101 = arith.constant 0 : i32
        %dma_start3A_102 = tpu.memref_slice %arg5[%add3A, %add3A_97, %dma_start3A_101] : memref<32x80x128xi32, #tpu.memory_space<hbm>> -> memref<1x1x128xi32, #tpu.memory_space<hbm>>
        %dma_start3A_103 = tpu.memref_squeeze %dma_start3A_102 : memref<1x1x128xi32, #tpu.memory_space<hbm>> -> memref<128xi32, #tpu.memory_space<hbm>>
        tpu.enqueue_dma source(%dma_start3A_103 : memref<128xi32, #tpu.memory_space<hbm>>) target(%arg11 : memref<128xi32, #tpu.memory_space<vmem>>) target_semaphore(%arg16 : memref<!tpu.dma_semaphore, #tpu.memory_space<semaphore_mem>>)
      } else {
      }
      %add3A_72 = arith.constant 1 : i32
      %add3A_73 = arith.addi %mul3A_38, %add3A_72 : i32
      %dma_wait3A_74 = arith.constant 0 : i32
      %dma_wait3A_75 = tpu.memref_slice %arg8[%add3A_73, %dma_wait3A_74] : memref<80x128xi32, #tpu.memory_space<vmem>> -> memref<1x128xi32, #tpu.memory_space<vmem>>
      %dma_wait3A_76 = tpu.memref_squeeze %dma_wait3A_75 : memref<1x128xi32, #tpu.memory_space<vmem>> -> memref<128xi32, #tpu.memory_space<vmem>>
      %dma_wait3A_77 = arith.constant 0 : i32
      %dma_wait3A_78 = arith.constant 0 : i32
      %dma_wait3A_79 = tpu.memref_slice %arg3[%dma_wait3A_77, %dma_wait3A_78] : memref<10000x128xf32, #tpu.memory_space<hbm>> -> memref<10000x128xf32, #tpu.memory_space<hbm>>
      tpu.wait_indirect_dma semaphore(%arg15 : memref<!tpu.dma_semaphore, #tpu.memory_space<semaphore_mem>>) src(%dma_wait3A_79 : memref<10000x128xf32, #tpu.memory_space<hbm>>) dst(%arg10 : memref<128x128xf32, #tpu.memory_space<vmem>>)
      %add3A_80 = arith.constant 1 : i32
      %add3A_81 = arith.addi %mul3A_38, %add3A_80 : i32
      %dma_wait3A_82 = arith.constant 0 : i32
      %dma_wait3A_83 = tpu.memref_slice %arg5[%add3A, %add3A_81, %dma_wait3A_82] : memref<32x80x128xi32, #tpu.memory_space<hbm>> -> memref<1x1x128xi32, #tpu.memory_space<hbm>>
      %dma_wait3A_84 = tpu.memref_squeeze %dma_wait3A_83 : memref<1x1x128xi32, #tpu.memory_space<hbm>> -> memref<128xi32, #tpu.memory_space<hbm>>
      %dma_wait3A_85 = arith.constant 0 : i32
      %dma_wait3A_86 = tpu.memref_slice %arg5[%add3A, %add3A_81, %dma_wait3A_85] : memref<32x80x128xi32, #tpu.memory_space<hbm>> -> memref<1x1x128xi32, #tpu.memory_space<hbm>>
      %dma_wait3A_87 = tpu.memref_squeeze %dma_wait3A_86 : memref<1x1x128xi32, #tpu.memory_space<hbm>> -> memref<128xi32, #tpu.memory_space<hbm>>
      tpu.wait_dma2 semaphore(%arg17 : memref<!tpu.dma_semaphore, #tpu.memory_space<semaphore_mem>>) src(%dma_wait3A_87 : memref<128xi32, #tpu.memory_space<hbm>>) dst(%arg12 : memref<128xi32, #tpu.memory_space<vmem>>)
      "tpu.region"() ({
        %run_scoped3A = tpu.sem_alloc : memref<!tpu.dma_semaphore, #tpu.memory_space<semaphore_mem>>
        %dma_start3A_88 = arith.constant 0 : i32
        %dma_start3A_89 = arith.constant 0 : i32
        %dma_start3A_90 = tpu.memref_slice %arg13[%dma_start3A_88, %dma_start3A_89] : memref<10016x128xf32, #tpu.memory_space<vmem_shared>> -> memref<10016x128xf32, #tpu.memory_space<vmem_shared>>
        tpu.enqueue_indirect_dma source(%arg10 : memref<128x128xf32, #tpu.memory_space<vmem>>) target(%dma_start3A_90 : memref<10016x128xf32, #tpu.memory_space<vmem_shared>>) offsets(%arg12 : memref<128xi32, #tpu.memory_space<vmem>>) semaphore(%run_scoped3A : memref<!tpu.dma_semaphore, #tpu.memory_space<semaphore_mem>>) {add = true}
        %dma_wait3A_91 = arith.constant 0 : i32
        %dma_wait3A_92 = arith.constant 0 : i32
        %dma_wait3A_93 = tpu.memref_slice %arg13[%dma_wait3A_91, %dma_wait3A_92] : memref<10016x128xf32, #tpu.memory_space<vmem_shared>> -> memref<10016x128xf32, #tpu.memory_space<vmem_shared>>
        tpu.wait_indirect_dma semaphore(%run_scoped3A : memref<!tpu.dma_semaphore, #tpu.memory_space<semaphore_mem>>) src(%arg10 : memref<128x128xf32, #tpu.memory_space<vmem>>) dst(%dma_wait3A_93 : memref<10016x128xf32, #tpu.memory_space<vmem_shared>>)
        tpu.yield
      }) : () -> ()
    }
    %scan3A_24 = arith.constant 40 : i32
    %barrier3A_25 = arith.constant 0 : index
    tpu.barrier barrier_id(%barrier3A_25)
    %eq3A_26 = arith.constant 0 : i32
    %eq3A_27 = arith.cmpi eq, %arg0, %eq3A_26 : i32
    %convert_element_type3A_28 = arith.extui %eq3A_27 : i1 to i32
    %cond3A_29 = arith.constant 0 : i32
    %cond3A_30 = arith.cmpi ne, %convert_element_type3A_28, %cond3A_29 : i32
    scf.if %cond3A_30 {
      %mul3A_36 = arith.constant 624 : i32
      %mul3A_37 = arith.muli %arg1, %mul3A_36 : i32
      %mul3A_38 = arith.constant 624 : i32
      %mul3A_39 = arith.muli %arg1, %mul3A_38 : i32
      "tpu.region"() ({
        %run_scoped3A = tpu.sem_alloc : memref<!tpu.dma_semaphore, #tpu.memory_space<semaphore_mem>>
        %dma_start3A_45 = arith.constant 0 : i32
        %dma_start3A_46 = tpu.memref_slice %arg6[%mul3A_39, %dma_start3A_45] : memref<10000x128xf32, #tpu.memory_space<hbm>> -> memref<624x128xf32, #tpu.memory_space<hbm>>
        %dma_start3A_47 = arith.constant 0 : i32
        %dma_start3A_48 = tpu.memref_slice %arg13[%mul3A_37, %dma_start3A_47] : memref<10016x128xf32, #tpu.memory_space<vmem_shared>> -> memref<624x128xf32, #tpu.memory_space<vmem_shared>>
        tpu.enqueue_dma source(%dma_start3A_48 : memref<624x128xf32, #tpu.memory_space<vmem_shared>>) target(%dma_start3A_46 : memref<624x128xf32, #tpu.memory_space<hbm>>) target_semaphore(%run_scoped3A : memref<!tpu.dma_semaphore, #tpu.memory_space<semaphore_mem>>)
        %dma_wait3A = arith.constant 0 : i32
        %dma_wait3A_49 = tpu.memref_slice %arg6[%mul3A_39, %dma_wait3A] : memref<10000x128xf32, #tpu.memory_space<hbm>> -> memref<624x128xf32, #tpu.memory_space<hbm>>
        %dma_wait3A_50 = arith.constant 0 : i32
        %dma_wait3A_51 = tpu.memref_slice %arg13[%mul3A_37, %dma_wait3A_50] : memref<10016x128xf32, #tpu.memory_space<vmem_shared>> -> memref<624x128xf32, #tpu.memory_space<vmem_shared>>
        tpu.wait_dma2 semaphore(%run_scoped3A : memref<!tpu.dma_semaphore, #tpu.memory_space<semaphore_mem>>) src(%dma_wait3A_51 : memref<624x128xf32, #tpu.memory_space<vmem_shared>>) dst(%dma_wait3A_49 : memref<624x128xf32, #tpu.memory_space<hbm>>)
        tpu.yield
      }) : () -> ()
      %eq3A_40 = arith.constant 15 : i32
      %eq3A_41 = arith.cmpi eq, %arg1, %eq3A_40 : i32
      %convert_element_type3A_42 = arith.extui %eq3A_41 : i1 to i32
      %cond3A_43 = arith.constant 0 : i32
      %cond3A_44 = arith.cmpi ne, %convert_element_type3A_42, %cond3A_43 : i32
      scf.if %cond3A_44 {
        "tpu.region"() ({
          %run_scoped3A = tpu.sem_alloc : memref<!tpu.dma_semaphore, #tpu.memory_space<semaphore_mem>>
          %dma_start3A_45 = arith.constant 9984 : i32
          %dma_start3A_46 = arith.constant 0 : i32
          %dma_start3A_47 = tpu.memref_slice %arg6[%dma_start3A_45, %dma_start3A_46] : memref<10000x128xf32, #tpu.memory_space<hbm>> -> memref<16x128xf32, #tpu.memory_space<hbm>>
          %dma_start3A_48 = arith.constant 9984 : i32
          %dma_start3A_49 = arith.constant 0 : i32
          %dma_start3A_50 = tpu.memref_slice %arg13[%dma_start3A_48, %dma_start3A_49] : memref<10016x128xf32, #tpu.memory_space<vmem_shared>> -> memref<16x128xf32, #tpu.memory_space<vmem_shared>>
          tpu.enqueue_dma source(%dma_start3A_50 : memref<16x128xf32, #tpu.memory_space<vmem_shared>>) target(%dma_start3A_47 : memref<16x128xf32, #tpu.memory_space<hbm>>) target_semaphore(%run_scoped3A : memref<!tpu.dma_semaphore, #tpu.memory_space<semaphore_mem>>)
          %dma_wait3A = arith.constant 9984 : i32
          %dma_wait3A_51 = arith.constant 0 : i32
          %dma_wait3A_52 = tpu.memref_slice %arg6[%dma_wait3A, %dma_wait3A_51] : memref<10000x128xf32, #tpu.memory_space<hbm>> -> memref<16x128xf32, #tpu.memory_space<hbm>>
          %dma_wait3A_53 = arith.constant 9984 : i32
          %dma_wait3A_54 = arith.constant 0 : i32
          %dma_wait3A_55 = tpu.memref_slice %arg13[%dma_wait3A_53, %dma_wait3A_54] : memref<10016x128xf32, #tpu.memory_space<vmem_shared>> -> memref<16x128xf32, #tpu.memory_space<vmem_shared>>
          tpu.wait_dma2 semaphore(%run_scoped3A : memref<!tpu.dma_semaphore, #tpu.memory_space<semaphore_mem>>) src(%dma_wait3A_55 : memref<16x128xf32, #tpu.memory_space<vmem_shared>>) dst(%dma_wait3A_52 : memref<16x128xf32, #tpu.memory_space<hbm>>)
          tpu.yield
        }) : () -> ()
      } else {
      }
    } else {
    }
    %eq3A_31 = arith.constant 1 : i32
    %eq3A_32 = arith.cmpi eq, %arg0, %eq3A_31 : i32
    %convert_element_type3A_33 = arith.extui %eq3A_32 : i1 to i32
    %cond3A_34 = arith.constant 0 : i32
    %cond3A_35 = arith.cmpi ne, %convert_element_type3A_33, %cond3A_34 : i32
    scf.if %cond3A_35 {
      %mul3A_36 = arith.constant 624 : i32
      %mul3A_37 = arith.muli %arg1, %mul3A_36 : i32
      %mul3A_38 = arith.constant 624 : i32
      %mul3A_39 = arith.muli %arg1, %mul3A_38 : i32
      "tpu.region"() ({
        %run_scoped3A = tpu.sem_alloc : memref<!tpu.dma_semaphore, #tpu.memory_space<semaphore_mem>>
        %dma_start3A_45 = arith.constant 0 : i32
        %dma_start3A_46 = tpu.memref_slice %arg7[%mul3A_39, %dma_start3A_45] : memref<10000x128xf32, #tpu.memory_space<hbm>> -> memref<624x128xf32, #tpu.memory_space<hbm>>
        %dma_start3A_47 = arith.constant 0 : i32
        %dma_start3A_48 = tpu.memref_slice %arg13[%mul3A_37, %dma_start3A_47] : memref<10016x128xf32, #tpu.memory_space<vmem_shared>> -> memref<624x128xf32, #tpu.memory_space<vmem_shared>>
        tpu.enqueue_dma source(%dma_start3A_48 : memref<624x128xf32, #tpu.memory_space<vmem_shared>>) target(%dma_start3A_46 : memref<624x128xf32, #tpu.memory_space<hbm>>) target_semaphore(%run_scoped3A : memref<!tpu.dma_semaphore, #tpu.memory_space<semaphore_mem>>)
        %dma_wait3A = arith.constant 0 : i32
        %dma_wait3A_49 = tpu.memref_slice %arg7[%mul3A_39, %dma_wait3A] : memref<10000x128xf32, #tpu.memory_space<hbm>> -> memref<624x128xf32, #tpu.memory_space<hbm>>
        %dma_wait3A_50 = arith.constant 0 : i32
        %dma_wait3A_51 = tpu.memref_slice %arg13[%mul3A_37, %dma_wait3A_50] : memref<10016x128xf32, #tpu.memory_space<vmem_shared>> -> memref<624x128xf32, #tpu.memory_space<vmem_shared>>
        tpu.wait_dma2 semaphore(%run_scoped3A : memref<!tpu.dma_semaphore, #tpu.memory_space<semaphore_mem>>) src(%dma_wait3A_51 : memref<624x128xf32, #tpu.memory_space<vmem_shared>>) dst(%dma_wait3A_49 : memref<624x128xf32, #tpu.memory_space<hbm>>)
        tpu.yield
      }) : () -> ()
      %eq3A_40 = arith.constant 15 : i32
      %eq3A_41 = arith.cmpi eq, %arg1, %eq3A_40 : i32
      %convert_element_type3A_42 = arith.extui %eq3A_41 : i1 to i32
      %cond3A_43 = arith.constant 0 : i32
      %cond3A_44 = arith.cmpi ne, %convert_element_type3A_42, %cond3A_43 : i32
      scf.if %cond3A_44 {
        "tpu.region"() ({
          %run_scoped3A = tpu.sem_alloc : memref<!tpu.dma_semaphore, #tpu.memory_space<semaphore_mem>>
          %dma_start3A_45 = arith.constant 9984 : i32
          %dma_start3A_46 = arith.constant 0 : i32
          %dma_start3A_47 = tpu.memref_slice %arg7[%dma_start3A_45, %dma_start3A_46] : memref<10000x128xf32, #tpu.memory_space<hbm>> -> memref<16x128xf32, #tpu.memory_space<hbm>>
          %dma_start3A_48 = arith.constant 9984 : i32
          %dma_start3A_49 = arith.constant 0 : i32
          %dma_start3A_50 = tpu.memref_slice %arg13[%dma_start3A_48, %dma_start3A_49] : memref<10016x128xf32, #tpu.memory_space<vmem_shared>> -> memref<16x128xf32, #tpu.memory_space<vmem_shared>>
          tpu.enqueue_dma source(%dma_start3A_50 : memref<16x128xf32, #tpu.memory_space<vmem_shared>>) target(%dma_start3A_47 : memref<16x128xf32, #tpu.memory_space<hbm>>) target_semaphore(%run_scoped3A : memref<!tpu.dma_semaphore, #tpu.memory_space<semaphore_mem>>)
          %dma_wait3A = arith.constant 9984 : i32
          %dma_wait3A_51 = arith.constant 0 : i32
          %dma_wait3A_52 = tpu.memref_slice %arg7[%dma_wait3A, %dma_wait3A_51] : memref<10000x128xf32, #tpu.memory_space<hbm>> -> memref<16x128xf32, #tpu.memory_space<hbm>>
          %dma_wait3A_53 = arith.constant 9984 : i32
          %dma_wait3A_54 = arith.constant 0 : i32
          %dma_wait3A_55 = tpu.memref_slice %arg13[%dma_wait3A_53, %dma_wait3A_54] : memref<10016x128xf32, #tpu.memory_space<vmem_shared>> -> memref<16x128xf32, #tpu.memory_space<vmem_shared>>
          tpu.wait_dma2 semaphore(%run_scoped3A : memref<!tpu.dma_semaphore, #tpu.memory_space<semaphore_mem>>) src(%dma_wait3A_55 : memref<16x128xf32, #tpu.memory_space<vmem_shared>>) dst(%dma_wait3A_52 : memref<16x128xf32, #tpu.memory_space<hbm>>)
          tpu.yield
        }) : () -> ()
      } else {
      }
    } else {
    }
    return
  }
}

#map = affine_map<(d0, d1) -> (0, 0)>
#map1 = affine_map<(d0, d1) -> (0, 0, 0)>
module attributes {stable_mosaic.version = 14 : i64} {
  func.func @_gs_body(%arg0: i32, %arg1: i32, %arg2: memref<10000x128xf32, #tpu.memory_space<hbm>>, %arg3: memref<10000x128xf32, #tpu.memory_space<hbm>>, %arg4: memref<32x80x128xi32, #tpu.memory_space<hbm>>, %arg5: memref<32x80x128xi32, #tpu.memory_space<hbm>>, %arg6: memref<10000x128xf32, #tpu.memory_space<hbm>>, %arg7: memref<10000x128xf32, #tpu.memory_space<hbm>>, %arg8: memref<80x128xi32, #tpu.memory_space<vmem>>, %arg9: memref<128x128xf32, #tpu.memory_space<vmem>>, %arg10: memref<128x128xf32, #tpu.memory_space<vmem>>, %arg11: memref<128xi32, #tpu.memory_space<vmem>>, %arg12: memref<128xi32, #tpu.memory_space<vmem>>, %arg13: memref<10016x128xf32, #tpu.memory_space<vmem_shared>>, %arg14: memref<!tpu.dma_semaphore, #tpu.memory_space<semaphore_mem>>, %arg15: memref<!tpu.dma_semaphore, #tpu.memory_space<semaphore_mem>>, %arg16: memref<!tpu.dma_semaphore, #tpu.memory_space<semaphore_mem>>, %arg17: memref<!tpu.dma_semaphore, #tpu.memory_space<semaphore_mem>>) attributes {dimension_semantics = [#tpu.dimension_semantics<core_parallel>, #tpu.dimension_semantics<subcore_parallel>], iteration_bounds = array<i64: 2, 16>, scalar_prefetch = 0 : i64, scratch_operands = 10 : i64, tpu.core_type = #tpu.core_type<sc_vector_subcore>, window_params = [{transform_indices = #map}, {transform_indices = #map}, {transform_indices = #map1}, {transform_indices = #map1}, {transform_indices = #map}, {transform_indices = #map}]} {
    %mul3A = arith.constant 16 : i32
    %mul3A_0 = arith.muli %arg0, %mul3A : i32
    %add3A = arith.addi %mul3A_0, %arg1 : i32
    %mul3A_1 = arith.constant 624 : i32
    %mul3A_2 = arith.muli %arg1, %mul3A_1 : i32
    %mul3A_3 = arith.constant 624 : i32
    %mul3A_4 = arith.muli %arg1, %mul3A_3 : i32
    "tpu.region"() ({
      %run_scoped3A = tpu.sem_alloc : memref<!tpu.dma_semaphore, #tpu.memory_space<semaphore_mem>>
      %dma_start3A_36 = arith.constant 0 : i32
      %dma_start3A_37 = tpu.memref_slice %arg13[%mul3A_4, %dma_start3A_36] : memref<10016x128xf32, #tpu.memory_space<vmem_shared>> -> memref<624x128xf32, #tpu.memory_space<vmem_shared>>
      %dma_start3A_38 = arith.constant 0 : i32
      %dma_start3A_39 = tpu.memref_slice %arg2[%mul3A_2, %dma_start3A_38] : memref<10000x128xf32, #tpu.memory_space<hbm>> -> memref<624x128xf32, #tpu.memory_space<hbm>>
      tpu.enqueue_dma source(%dma_start3A_39 : memref<624x128xf32, #tpu.memory_space<hbm>>) target(%dma_start3A_37 : memref<624x128xf32, #tpu.memory_space<vmem_shared>>) target_semaphore(%run_scoped3A : memref<!tpu.dma_semaphore, #tpu.memory_space<semaphore_mem>>)
      %dma_wait3A = arith.constant 0 : i32
      %dma_wait3A_40 = tpu.memref_slice %arg13[%mul3A_4, %dma_wait3A] : memref<10016x128xf32, #tpu.memory_space<vmem_shared>> -> memref<624x128xf32, #tpu.memory_space<vmem_shared>>
      %dma_wait3A_41 = arith.constant 0 : i32
      %dma_wait3A_42 = tpu.memref_slice %arg2[%mul3A_2, %dma_wait3A_41] : memref<10000x128xf32, #tpu.memory_space<hbm>> -> memref<624x128xf32, #tpu.memory_space<hbm>>
      tpu.wait_dma2 semaphore(%run_scoped3A : memref<!tpu.dma_semaphore, #tpu.memory_space<semaphore_mem>>) src(%dma_wait3A_42 : memref<624x128xf32, #tpu.memory_space<hbm>>) dst(%dma_wait3A_40 : memref<624x128xf32, #tpu.memory_space<vmem_shared>>)
      tpu.yield
    }) : () -> ()
    %eq3A = arith.constant 15 : i32
    %eq3A_5 = arith.cmpi eq, %arg1, %eq3A : i32
    %convert_element_type3A = arith.extui %eq3A_5 : i1 to i32
    %cond3A = arith.constant 0 : i32
    %cond3A_6 = arith.cmpi ne, %convert_element_type3A, %cond3A : i32
    scf.if %cond3A_6 {
      "tpu.region"() ({
        %run_scoped3A = tpu.sem_alloc : memref<!tpu.dma_semaphore, #tpu.memory_space<semaphore_mem>>
        %dma_start3A_36 = arith.constant 9984 : i32
        %dma_start3A_37 = arith.constant 0 : i32
        %dma_start3A_38 = tpu.memref_slice %arg13[%dma_start3A_36, %dma_start3A_37] : memref<10016x128xf32, #tpu.memory_space<vmem_shared>> -> memref<16x128xf32, #tpu.memory_space<vmem_shared>>
        %dma_start3A_39 = arith.constant 9984 : i32
        %dma_start3A_40 = arith.constant 0 : i32
        %dma_start3A_41 = tpu.memref_slice %arg2[%dma_start3A_39, %dma_start3A_40] : memref<10000x128xf32, #tpu.memory_space<hbm>> -> memref<16x128xf32, #tpu.memory_space<hbm>>
        tpu.enqueue_dma source(%dma_start3A_41 : memref<16x128xf32, #tpu.memory_space<hbm>>) target(%dma_start3A_38 : memref<16x128xf32, #tpu.memory_space<vmem_shared>>) target_semaphore(%run_scoped3A : memref<!tpu.dma_semaphore, #tpu.memory_space<semaphore_mem>>)
        %dma_wait3A = arith.constant 9984 : i32
        %dma_wait3A_42 = arith.constant 0 : i32
        %dma_wait3A_43 = tpu.memref_slice %arg13[%dma_wait3A, %dma_wait3A_42] : memref<10016x128xf32, #tpu.memory_space<vmem_shared>> -> memref<16x128xf32, #tpu.memory_space<vmem_shared>>
        %dma_wait3A_44 = arith.constant 9984 : i32
        %dma_wait3A_45 = arith.constant 0 : i32
        %dma_wait3A_46 = tpu.memref_slice %arg2[%dma_wait3A_44, %dma_wait3A_45] : memref<10000x128xf32, #tpu.memory_space<hbm>> -> memref<16x128xf32, #tpu.memory_space<hbm>>
        tpu.wait_dma2 semaphore(%run_scoped3A : memref<!tpu.dma_semaphore, #tpu.memory_space<semaphore_mem>>) src(%dma_wait3A_46 : memref<16x128xf32, #tpu.memory_space<hbm>>) dst(%dma_wait3A_43 : memref<16x128xf32, #tpu.memory_space<vmem_shared>>)
        tpu.yield
      }) : () -> ()
    } else {
    }
    %barrier3A = arith.constant 0 : index
    tpu.barrier barrier_id(%barrier3A)
    "tpu.region"() ({
      %run_scoped3A = tpu.sem_alloc : memref<!tpu.dma_semaphore, #tpu.memory_space<semaphore_mem>>
      %dma_start3A_36 = arith.constant 0 : i32
      %dma_start3A_37 = arith.constant 0 : i32
      %dma_start3A_38 = tpu.memref_slice %arg4[%add3A, %dma_start3A_36, %dma_start3A_37] : memref<32x80x128xi32, #tpu.memory_space<hbm>> -> memref<1x80x128xi32, #tpu.memory_space<hbm>>
      %dma_start3A_39 = tpu.memref_squeeze %dma_start3A_38 : memref<1x80x128xi32, #tpu.memory_space<hbm>> -> memref<80x128xi32, #tpu.memory_space<hbm>>
      %dma_start3A_40 = arith.constant 0 : i32
      %dma_start3A_41 = arith.constant 0 : i32
      %dma_start3A_42 = tpu.memref_slice %arg4[%add3A, %dma_start3A_40, %dma_start3A_41] : memref<32x80x128xi32, #tpu.memory_space<hbm>> -> memref<1x80x128xi32, #tpu.memory_space<hbm>>
      %dma_start3A_43 = tpu.memref_squeeze %dma_start3A_42 : memref<1x80x128xi32, #tpu.memory_space<hbm>> -> memref<80x128xi32, #tpu.memory_space<hbm>>
      tpu.enqueue_dma source(%dma_start3A_43 : memref<80x128xi32, #tpu.memory_space<hbm>>) target(%arg8 : memref<80x128xi32, #tpu.memory_space<vmem>>) target_semaphore(%run_scoped3A : memref<!tpu.dma_semaphore, #tpu.memory_space<semaphore_mem>>)
      %dma_wait3A = arith.constant 0 : i32
      %dma_wait3A_44 = arith.constant 0 : i32
      %dma_wait3A_45 = tpu.memref_slice %arg4[%add3A, %dma_wait3A, %dma_wait3A_44] : memref<32x80x128xi32, #tpu.memory_space<hbm>> -> memref<1x80x128xi32, #tpu.memory_space<hbm>>
      %dma_wait3A_46 = tpu.memref_squeeze %dma_wait3A_45 : memref<1x80x128xi32, #tpu.memory_space<hbm>> -> memref<80x128xi32, #tpu.memory_space<hbm>>
      %dma_wait3A_47 = arith.constant 0 : i32
      %dma_wait3A_48 = arith.constant 0 : i32
      %dma_wait3A_49 = tpu.memref_slice %arg4[%add3A, %dma_wait3A_47, %dma_wait3A_48] : memref<32x80x128xi32, #tpu.memory_space<hbm>> -> memref<1x80x128xi32, #tpu.memory_space<hbm>>
      %dma_wait3A_50 = tpu.memref_squeeze %dma_wait3A_49 : memref<1x80x128xi32, #tpu.memory_space<hbm>> -> memref<80x128xi32, #tpu.memory_space<hbm>>
      tpu.wait_dma2 semaphore(%run_scoped3A : memref<!tpu.dma_semaphore, #tpu.memory_space<semaphore_mem>>) src(%dma_wait3A_50 : memref<80x128xi32, #tpu.memory_space<hbm>>) dst(%arg8 : memref<80x128xi32, #tpu.memory_space<vmem>>)
      tpu.yield
    }) : () -> ()
    %dma_start3A = arith.constant 0 : i32
    %dma_start3A_7 = arith.constant 0 : i32
    %dma_start3A_8 = tpu.memref_slice %arg8[%dma_start3A, %dma_start3A_7] : memref<80x128xi32, #tpu.memory_space<vmem>> -> memref<1x128xi32, #tpu.memory_space<vmem>>
    %dma_start3A_9 = tpu.memref_squeeze %dma_start3A_8 : memref<1x128xi32, #tpu.memory_space<vmem>> -> memref<128xi32, #tpu.memory_space<vmem>>
    %dma_start3A_10 = arith.constant 0 : i32
    %dma_start3A_11 = arith.constant 0 : i32
    %dma_start3A_12 = tpu.memref_slice %arg3[%dma_start3A_10, %dma_start3A_11] : memref<10000x128xf32, #tpu.memory_space<hbm>> -> memref<10000x128xf32, #tpu.memory_space<hbm>>
    tpu.enqueue_indirect_dma source(%dma_start3A_12 : memref<10000x128xf32, #tpu.memory_space<hbm>>) target(%arg9 : memref<128x128xf32, #tpu.memory_space<vmem>>) offsets(%dma_start3A_9 : memref<128xi32, #tpu.memory_space<vmem>>) semaphore(%arg14 : memref<!tpu.dma_semaphore, #tpu.memory_space<semaphore_mem>>)
    %dma_start3A_13 = arith.constant 0 : i32
    %dma_start3A_14 = arith.constant 0 : i32
    %dma_start3A_15 = tpu.memref_slice %arg5[%add3A, %dma_start3A_13, %dma_start3A_14] : memref<32x80x128xi32, #tpu.memory_space<hbm>> -> memref<1x1x128xi32, #tpu.memory_space<hbm>>
    %dma_start3A_16 = tpu.memref_squeeze %dma_start3A_15 : memref<1x1x128xi32, #tpu.memory_space<hbm>> -> memref<128xi32, #tpu.memory_space<hbm>>
    %dma_start3A_17 = arith.constant 0 : i32
    %dma_start3A_18 = tpu.memref_slice %arg5[%add3A, %dma_start3A_13, %dma_start3A_17] : memref<32x80x128xi32, #tpu.memory_space<hbm>> -> memref<1x1x128xi32, #tpu.memory_space<hbm>>
    %dma_start3A_19 = tpu.memref_squeeze %dma_start3A_18 : memref<1x1x128xi32, #tpu.memory_space<hbm>> -> memref<128xi32, #tpu.memory_space<hbm>>
    tpu.enqueue_dma source(%dma_start3A_19 : memref<128xi32, #tpu.memory_space<hbm>>) target(%arg11 : memref<128xi32, #tpu.memory_space<vmem>>) target_semaphore(%arg16 : memref<!tpu.dma_semaphore, #tpu.memory_space<semaphore_mem>>)
    %scan3A = arith.constant 0 : i32
    %scan3A_20 = arith.constant 0 : i32
    %scan3A_21 = arith.constant 40 : i32
    %scan3A_22 = arith.addi %scan3A_20, %scan3A_21 : i32
    %scan3A_23 = arith.constant 1 : i32
    scf.for %scan3A_36 = %scan3A_20 to %scan3A_22 step %scan3A_23  : i32 {
      %mul3A_37 = arith.constant 2 : i32
      %mul3A_38 = arith.muli %mul3A_37, %scan3A_36 : i32
      %add3A_39 = arith.constant 1 : i32
      %add3A_40 = arith.addi %mul3A_38, %add3A_39 : i32
      %dma_start3A_41 = arith.constant 0 : i32
      %dma_start3A_42 = tpu.memref_slice %arg8[%add3A_40, %dma_start3A_41] : memref<80x128xi32, #tpu.memory_space<vmem>> -> memref<1x128xi32, #tpu.memory_space<vmem>>
      %dma_start3A_43 = tpu.memref_squeeze %dma_start3A_42 : memref<1x128xi32, #tpu.memory_space<vmem>> -> memref<128xi32, #tpu.memory_space<vmem>>
      %dma_start3A_44 = arith.constant 0 : i32
      %dma_start3A_45 = arith.constant 0 : i32
      %dma_start3A_46 = tpu.memref_slice %arg3[%dma_start3A_44, %dma_start3A_45] : memref<10000x128xf32, #tpu.memory_space<hbm>> -> memref<10000x128xf32, #tpu.memory_space<hbm>>
      tpu.enqueue_indirect_dma source(%dma_start3A_46 : memref<10000x128xf32, #tpu.memory_space<hbm>>) target(%arg10 : memref<128x128xf32, #tpu.memory_space<vmem>>) offsets(%dma_start3A_43 : memref<128xi32, #tpu.memory_space<vmem>>) semaphore(%arg15 : memref<!tpu.dma_semaphore, #tpu.memory_space<semaphore_mem>>)
      %add3A_47 = arith.constant 1 : i32
      %add3A_48 = arith.addi %mul3A_38, %add3A_47 : i32
      %dma_start3A_49 = arith.constant 0 : i32
      %dma_start3A_50 = tpu.memref_slice %arg5[%add3A, %add3A_48, %dma_start3A_49] : memref<32x80x128xi32, #tpu.memory_space<hbm>> -> memref<1x1x128xi32, #tpu.memory_space<hbm>>
      %dma_start3A_51 = tpu.memref_squeeze %dma_start3A_50 : memref<1x1x128xi32, #tpu.memory_space<hbm>> -> memref<128xi32, #tpu.memory_space<hbm>>
      %dma_start3A_52 = arith.constant 0 : i32
      %dma_start3A_53 = tpu.memref_slice %arg5[%add3A, %add3A_48, %dma_start3A_52] : memref<32x80x128xi32, #tpu.memory_space<hbm>> -> memref<1x1x128xi32, #tpu.memory_space<hbm>>
      %dma_start3A_54 = tpu.memref_squeeze %dma_start3A_53 : memref<1x1x128xi32, #tpu.memory_space<hbm>> -> memref<128xi32, #tpu.memory_space<hbm>>
      tpu.enqueue_dma source(%dma_start3A_54 : memref<128xi32, #tpu.memory_space<hbm>>) target(%arg12 : memref<128xi32, #tpu.memory_space<vmem>>) target_semaphore(%arg17 : memref<!tpu.dma_semaphore, #tpu.memory_space<semaphore_mem>>)
      %dma_wait3A = arith.constant 0 : i32
      %dma_wait3A_55 = tpu.memref_slice %arg8[%mul3A_38, %dma_wait3A] : memref<80x128xi32, #tpu.memory_space<vmem>> -> memref<1x128xi32, #tpu.memory_space<vmem>>
      %dma_wait3A_56 = tpu.memref_squeeze %dma_wait3A_55 : memref<1x128xi32, #tpu.memory_space<vmem>> -> memref<128xi32, #tpu.memory_space<vmem>>
      %dma_wait3A_57 = arith.constant 0 : i32
      %dma_wait3A_58 = arith.constant 0 : i32
      %dma_wait3A_59 = tpu.memref_slice %arg3[%dma_wait3A_57, %dma_wait3A_58] : memref<10000x128xf32, #tpu.memory_space<hbm>> -> memref<10000x128xf32, #tpu.memory_space<hbm>>
      tpu.wait_indirect_dma semaphore(%arg14 : memref<!tpu.dma_semaphore, #tpu.memory_space<semaphore_mem>>) src(%dma_wait3A_59 : memref<10000x128xf32, #tpu.memory_space<hbm>>) dst(%arg9 : memref<128x128xf32, #tpu.memory_space<vmem>>)
      %dma_wait3A_60 = arith.constant 0 : i32
      %dma_wait3A_61 = tpu.memref_slice %arg5[%add3A, %mul3A_38, %dma_wait3A_60] : memref<32x80x128xi32, #tpu.memory_space<hbm>> -> memref<1x1x128xi32, #tpu.memory_space<hbm>>
      %dma_wait3A_62 = tpu.memref_squeeze %dma_wait3A_61 : memref<1x1x128xi32, #tpu.memory_space<hbm>> -> memref<128xi32, #tpu.memory_space<hbm>>
      %dma_wait3A_63 = arith.constant 0 : i32
      %dma_wait3A_64 = tpu.memref_slice %arg5[%add3A, %mul3A_38, %dma_wait3A_63] : memref<32x80x128xi32, #tpu.memory_space<hbm>> -> memref<1x1x128xi32, #tpu.memory_space<hbm>>
      %dma_wait3A_65 = tpu.memref_squeeze %dma_wait3A_64 : memref<1x1x128xi32, #tpu.memory_space<hbm>> -> memref<128xi32, #tpu.memory_space<hbm>>
      tpu.wait_dma2 semaphore(%arg16 : memref<!tpu.dma_semaphore, #tpu.memory_space<semaphore_mem>>) src(%dma_wait3A_65 : memref<128xi32, #tpu.memory_space<hbm>>) dst(%arg11 : memref<128xi32, #tpu.memory_space<vmem>>)
      "tpu.region"() ({
        %run_scoped3A = tpu.sem_alloc : memref<!tpu.dma_semaphore, #tpu.memory_space<semaphore_mem>>
        %dma_start3A_88 = arith.constant 0 : i32
        %dma_start3A_89 = arith.constant 0 : i32
        %dma_start3A_90 = tpu.memref_slice %arg13[%dma_start3A_88, %dma_start3A_89] : memref<10016x128xf32, #tpu.memory_space<vmem_shared>> -> memref<10016x128xf32, #tpu.memory_space<vmem_shared>>
        tpu.enqueue_indirect_dma source(%arg9 : memref<128x128xf32, #tpu.memory_space<vmem>>) target(%dma_start3A_90 : memref<10016x128xf32, #tpu.memory_space<vmem_shared>>) offsets(%arg11 : memref<128xi32, #tpu.memory_space<vmem>>) semaphore(%run_scoped3A : memref<!tpu.dma_semaphore, #tpu.memory_space<semaphore_mem>>) {add = true}
        %dma_wait3A_91 = arith.constant 0 : i32
        %dma_wait3A_92 = arith.constant 0 : i32
        %dma_wait3A_93 = tpu.memref_slice %arg13[%dma_wait3A_91, %dma_wait3A_92] : memref<10016x128xf32, #tpu.memory_space<vmem_shared>> -> memref<10016x128xf32, #tpu.memory_space<vmem_shared>>
        tpu.wait_indirect_dma semaphore(%run_scoped3A : memref<!tpu.dma_semaphore, #tpu.memory_space<semaphore_mem>>) src(%arg9 : memref<128x128xf32, #tpu.memory_space<vmem>>) dst(%dma_wait3A_93 : memref<10016x128xf32, #tpu.memory_space<vmem_shared>>)
        tpu.yield
      }) : () -> ()
      %add3A_66 = arith.constant 2 : i32
      %add3A_67 = arith.addi %mul3A_38, %add3A_66 : i32
      %lt3A = arith.constant 80 : i32
      %lt3A_68 = arith.cmpi slt, %add3A_67, %lt3A : i32
      %convert_element_type3A_69 = arith.extui %lt3A_68 : i1 to i32
      %cond3A_70 = arith.constant 0 : i32
      %cond3A_71 = arith.cmpi ne, %convert_element_type3A_69, %cond3A_70 : i32
      scf.if %cond3A_71 {
        %add3A_88 = arith.constant 2 : i32
        %add3A_89 = arith.addi %mul3A_38, %add3A_88 : i32
        %dma_start3A_90 = arith.constant 0 : i32
        %dma_start3A_91 = tpu.memref_slice %arg8[%add3A_89, %dma_start3A_90] : memref<80x128xi32, #tpu.memory_space<vmem>> -> memref<1x128xi32, #tpu.memory_space<vmem>>
        %dma_start3A_92 = tpu.memref_squeeze %dma_start3A_91 : memref<1x128xi32, #tpu.memory_space<vmem>> -> memref<128xi32, #tpu.memory_space<vmem>>
        %dma_start3A_93 = arith.constant 0 : i32
        %dma_start3A_94 = arith.constant 0 : i32
        %dma_start3A_95 = tpu.memref_slice %arg3[%dma_start3A_93, %dma_start3A_94] : memref<10000x128xf32, #tpu.memory_space<hbm>> -> memref<10000x128xf32, #tpu.memory_space<hbm>>
        tpu.enqueue_indirect_dma source(%dma_start3A_95 : memref<10000x128xf32, #tpu.memory_space<hbm>>) target(%arg9 : memref<128x128xf32, #tpu.memory_space<vmem>>) offsets(%dma_start3A_92 : memref<128xi32, #tpu.memory_space<vmem>>) semaphore(%arg14 : memref<!tpu.dma_semaphore, #tpu.memory_space<semaphore_mem>>)
        %add3A_96 = arith.constant 2 : i32
        %add3A_97 = arith.addi %mul3A_38, %add3A_96 : i32
        %dma_start3A_98 = arith.constant 0 : i32
        %dma_start3A_99 = tpu.memref_slice %arg5[%add3A, %add3A_97, %dma_start3A_98] : memref<32x80x128xi32, #tpu.memory_space<hbm>> -> memref<1x1x128xi32, #tpu.memory_space<hbm>>
        %dma_start3A_100 = tpu.memref_squeeze %dma_start3A_99 : memref<1x1x128xi32, #tpu.memory_space<hbm>> -> memref<128xi32, #tpu.memory_space<hbm>>
        %dma_start3A_101 = arith.constant 0 : i32
        %dma_start3A_102 = tpu.memref_slice %arg5[%add3A, %add3A_97, %dma_start3A_101] : memref<32x80x128xi32, #tpu.memory_space<hbm>> -> memref<1x1x128xi32, #tpu.memory_space<hbm>>
        %dma_start3A_103 = tpu.memref_squeeze %dma_start3A_102 : memref<1x1x128xi32, #tpu.memory_space<hbm>> -> memref<128xi32, #tpu.memory_space<hbm>>
        tpu.enqueue_dma source(%dma_start3A_103 : memref<128xi32, #tpu.memory_space<hbm>>) target(%arg11 : memref<128xi32, #tpu.memory_space<vmem>>) target_semaphore(%arg16 : memref<!tpu.dma_semaphore, #tpu.memory_space<semaphore_mem>>)
      } else {
      }
      %add3A_72 = arith.constant 1 : i32
      %add3A_73 = arith.addi %mul3A_38, %add3A_72 : i32
      %dma_wait3A_74 = arith.constant 0 : i32
      %dma_wait3A_75 = tpu.memref_slice %arg8[%add3A_73, %dma_wait3A_74] : memref<80x128xi32, #tpu.memory_space<vmem>> -> memref<1x128xi32, #tpu.memory_space<vmem>>
      %dma_wait3A_76 = tpu.memref_squeeze %dma_wait3A_75 : memref<1x128xi32, #tpu.memory_space<vmem>> -> memref<128xi32, #tpu.memory_space<vmem>>
      %dma_wait3A_77 = arith.constant 0 : i32
      %dma_wait3A_78 = arith.constant 0 : i32
      %dma_wait3A_79 = tpu.memref_slice %arg3[%dma_wait3A_77, %dma_wait3A_78] : memref<10000x128xf32, #tpu.memory_space<hbm>> -> memref<10000x128xf32, #tpu.memory_space<hbm>>
      tpu.wait_indirect_dma semaphore(%arg15 : memref<!tpu.dma_semaphore, #tpu.memory_space<semaphore_mem>>) src(%dma_wait3A_79 : memref<10000x128xf32, #tpu.memory_space<hbm>>) dst(%arg10 : memref<128x128xf32, #tpu.memory_space<vmem>>)
      %add3A_80 = arith.constant 1 : i32
      %add3A_81 = arith.addi %mul3A_38, %add3A_80 : i32
      %dma_wait3A_82 = arith.constant 0 : i32
      %dma_wait3A_83 = tpu.memref_slice %arg5[%add3A, %add3A_81, %dma_wait3A_82] : memref<32x80x128xi32, #tpu.memory_space<hbm>> -> memref<1x1x128xi32, #tpu.memory_space<hbm>>
      %dma_wait3A_84 = tpu.memref_squeeze %dma_wait3A_83 : memref<1x1x128xi32, #tpu.memory_space<hbm>> -> memref<128xi32, #tpu.memory_space<hbm>>
      %dma_wait3A_85 = arith.constant 0 : i32
      %dma_wait3A_86 = tpu.memref_slice %arg5[%add3A, %add3A_81, %dma_wait3A_85] : memref<32x80x128xi32, #tpu.memory_space<hbm>> -> memref<1x1x128xi32, #tpu.memory_space<hbm>>
      %dma_wait3A_87 = tpu.memref_squeeze %dma_wait3A_86 : memref<1x1x128xi32, #tpu.memory_space<hbm>> -> memref<128xi32, #tpu.memory_space<hbm>>
      tpu.wait_dma2 semaphore(%arg17 : memref<!tpu.dma_semaphore, #tpu.memory_space<semaphore_mem>>) src(%dma_wait3A_87 : memref<128xi32, #tpu.memory_space<hbm>>) dst(%arg12 : memref<128xi32, #tpu.memory_space<vmem>>)
      "tpu.region"() ({
        %run_scoped3A = tpu.sem_alloc : memref<!tpu.dma_semaphore, #tpu.memory_space<semaphore_mem>>
        %dma_start3A_88 = arith.constant 0 : i32
        %dma_start3A_89 = arith.constant 0 : i32
        %dma_start3A_90 = tpu.memref_slice %arg13[%dma_start3A_88, %dma_start3A_89] : memref<10016x128xf32, #tpu.memory_space<vmem_shared>> -> memref<10016x128xf32, #tpu.memory_space<vmem_shared>>
        tpu.enqueue_indirect_dma source(%arg10 : memref<128x128xf32, #tpu.memory_space<vmem>>) target(%dma_start3A_90 : memref<10016x128xf32, #tpu.memory_space<vmem_shared>>) offsets(%arg12 : memref<128xi32, #tpu.memory_space<vmem>>) semaphore(%run_scoped3A : memref<!tpu.dma_semaphore, #tpu.memory_space<semaphore_mem>>) {add = true}
        %dma_wait3A_91 = arith.constant 0 : i32
        %dma_wait3A_92 = arith.constant 0 : i32
        %dma_wait3A_93 = tpu.memref_slice %arg13[%dma_wait3A_91, %dma_wait3A_92] : memref<10016x128xf32, #tpu.memory_space<vmem_shared>> -> memref<10016x128xf32, #tpu.memory_space<vmem_shared>>
        tpu.wait_indirect_dma semaphore(%run_scoped3A : memref<!tpu.dma_semaphore, #tpu.memory_space<semaphore_mem>>) src(%arg10 : memref<128x128xf32, #tpu.memory_space<vmem>>) dst(%dma_wait3A_93 : memref<10016x128xf32, #tpu.memory_space<vmem_shared>>)
        tpu.yield
      }) : () -> ()
    }
    %scan3A_24 = arith.constant 40 : i32
    %barrier3A_25 = arith.constant 0 : index
    tpu.barrier barrier_id(%barrier3A_25)
    %eq3A_26 = arith.constant 0 : i32
    %eq3A_27 = arith.cmpi eq, %arg0, %eq3A_26 : i32
    %convert_element_type3A_28 = arith.extui %eq3A_27 : i1 to i32
    %cond3A_29 = arith.constant 0 : i32
    %cond3A_30 = arith.cmpi ne, %convert_element_type3A_28, %cond3A_29 : i32
    scf.if %cond3A_30 {
      %mul3A_36 = arith.constant 624 : i32
      %mul3A_37 = arith.muli %arg1, %mul3A_36 : i32
      %mul3A_38 = arith.constant 624 : i32
      %mul3A_39 = arith.muli %arg1, %mul3A_38 : i32
      "tpu.region"() ({
        %run_scoped3A = tpu.sem_alloc : memref<!tpu.dma_semaphore, #tpu.memory_space<semaphore_mem>>
        %dma_start3A_45 = arith.constant 0 : i32
        %dma_start3A_46 = tpu.memref_slice %arg6[%mul3A_39, %dma_start3A_45] : memref<10000x128xf32, #tpu.memory_space<hbm>> -> memref<624x128xf32, #tpu.memory_space<hbm>>
        %dma_start3A_47 = arith.constant 0 : i32
        %dma_start3A_48 = tpu.memref_slice %arg13[%mul3A_37, %dma_start3A_47] : memref<10016x128xf32, #tpu.memory_space<vmem_shared>> -> memref<624x128xf32, #tpu.memory_space<vmem_shared>>
        tpu.enqueue_dma source(%dma_start3A_48 : memref<624x128xf32, #tpu.memory_space<vmem_shared>>) target(%dma_start3A_46 : memref<624x128xf32, #tpu.memory_space<hbm>>) target_semaphore(%run_scoped3A : memref<!tpu.dma_semaphore, #tpu.memory_space<semaphore_mem>>)
        %dma_wait3A = arith.constant 0 : i32
        %dma_wait3A_49 = tpu.memref_slice %arg6[%mul3A_39, %dma_wait3A] : memref<10000x128xf32, #tpu.memory_space<hbm>> -> memref<624x128xf32, #tpu.memory_space<hbm>>
        %dma_wait3A_50 = arith.constant 0 : i32
        %dma_wait3A_51 = tpu.memref_slice %arg13[%mul3A_37, %dma_wait3A_50] : memref<10016x128xf32, #tpu.memory_space<vmem_shared>> -> memref<624x128xf32, #tpu.memory_space<vmem_shared>>
        tpu.wait_dma2 semaphore(%run_scoped3A : memref<!tpu.dma_semaphore, #tpu.memory_space<semaphore_mem>>) src(%dma_wait3A_51 : memref<624x128xf32, #tpu.memory_space<vmem_shared>>) dst(%dma_wait3A_49 : memref<624x128xf32, #tpu.memory_space<hbm>>)
        tpu.yield
      }) : () -> ()
      %eq3A_40 = arith.constant 15 : i32
      %eq3A_41 = arith.cmpi eq, %arg1, %eq3A_40 : i32
      %convert_element_type3A_42 = arith.extui %eq3A_41 : i1 to i32
      %cond3A_43 = arith.constant 0 : i32
      %cond3A_44 = arith.cmpi ne, %convert_element_type3A_42, %cond3A_43 : i32
      scf.if %cond3A_44 {
        "tpu.region"() ({
          %run_scoped3A = tpu.sem_alloc : memref<!tpu.dma_semaphore, #tpu.memory_space<semaphore_mem>>
          %dma_start3A_45 = arith.constant 9984 : i32
          %dma_start3A_46 = arith.constant 0 : i32
          %dma_start3A_47 = tpu.memref_slice %arg6[%dma_start3A_45, %dma_start3A_46] : memref<10000x128xf32, #tpu.memory_space<hbm>> -> memref<16x128xf32, #tpu.memory_space<hbm>>
          %dma_start3A_48 = arith.constant 9984 : i32
          %dma_start3A_49 = arith.constant 0 : i32
          %dma_start3A_50 = tpu.memref_slice %arg13[%dma_start3A_48, %dma_start3A_49] : memref<10016x128xf32, #tpu.memory_space<vmem_shared>> -> memref<16x128xf32, #tpu.memory_space<vmem_shared>>
          tpu.enqueue_dma source(%dma_start3A_50 : memref<16x128xf32, #tpu.memory_space<vmem_shared>>) target(%dma_start3A_47 : memref<16x128xf32, #tpu.memory_space<hbm>>) target_semaphore(%run_scoped3A : memref<!tpu.dma_semaphore, #tpu.memory_space<semaphore_mem>>)
          %dma_wait3A = arith.constant 9984 : i32
          %dma_wait3A_51 = arith.constant 0 : i32
          %dma_wait3A_52 = tpu.memref_slice %arg6[%dma_wait3A, %dma_wait3A_51] : memref<10000x128xf32, #tpu.memory_space<hbm>> -> memref<16x128xf32, #tpu.memory_space<hbm>>
          %dma_wait3A_53 = arith.constant 9984 : i32
          %dma_wait3A_54 = arith.constant 0 : i32
          %dma_wait3A_55 = tpu.memref_slice %arg13[%dma_wait3A_53, %dma_wait3A_54] : memref<10016x128xf32, #tpu.memory_space<vmem_shared>> -> memref<16x128xf32, #tpu.memory_space<vmem_shared>>
          tpu.wait_dma2 semaphore(%run_scoped3A : memref<!tpu.dma_semaphore, #tpu.memory_space<semaphore_mem>>) src(%dma_wait3A_55 : memref<16x128xf32, #tpu.memory_space<vmem_shared>>) dst(%dma_wait3A_52 : memref<16x128xf32, #tpu.memory_space<hbm>>)
          tpu.yield
        }) : () -> ()
      } else {
      }
    } else {
    }
    %eq3A_31 = arith.constant 1 : i32
    %eq3A_32 = arith.cmpi eq, %arg0, %eq3A_31 : i32
    %convert_element_type3A_33 = arith.extui %eq3A_32 : i1 to i32
    %cond3A_34 = arith.constant 0 : i32
    %cond3A_35 = arith.cmpi ne, %convert_element_type3A_33, %cond3A_34 : i32
    scf.if %cond3A_35 {
      %mul3A_36 = arith.constant 624 : i32
      %mul3A_37 = arith.muli %arg1, %mul3A_36 : i32
      %mul3A_38 = arith.constant 624 : i32
      %mul3A_39 = arith.muli %arg1, %mul3A_38 : i32
      "tpu.region"() ({
        %run_scoped3A = tpu.sem_alloc : memref<!tpu.dma_semaphore, #tpu.memory_space<semaphore_mem>>
        %dma_start3A_45 = arith.constant 0 : i32
        %dma_start3A_46 = tpu.memref_slice %arg7[%mul3A_39, %dma_start3A_45] : memref<10000x128xf32, #tpu.memory_space<hbm>> -> memref<624x128xf32, #tpu.memory_space<hbm>>
        %dma_start3A_47 = arith.constant 0 : i32
        %dma_start3A_48 = tpu.memref_slice %arg13[%mul3A_37, %dma_start3A_47] : memref<10016x128xf32, #tpu.memory_space<vmem_shared>> -> memref<624x128xf32, #tpu.memory_space<vmem_shared>>
        tpu.enqueue_dma source(%dma_start3A_48 : memref<624x128xf32, #tpu.memory_space<vmem_shared>>) target(%dma_start3A_46 : memref<624x128xf32, #tpu.memory_space<hbm>>) target_semaphore(%run_scoped3A : memref<!tpu.dma_semaphore, #tpu.memory_space<semaphore_mem>>)
        %dma_wait3A = arith.constant 0 : i32
        %dma_wait3A_49 = tpu.memref_slice %arg7[%mul3A_39, %dma_wait3A] : memref<10000x128xf32, #tpu.memory_space<hbm>> -> memref<624x128xf32, #tpu.memory_space<hbm>>
        %dma_wait3A_50 = arith.constant 0 : i32
        %dma_wait3A_51 = tpu.memref_slice %arg13[%mul3A_37, %dma_wait3A_50] : memref<10016x128xf32, #tpu.memory_space<vmem_shared>> -> memref<624x128xf32, #tpu.memory_space<vmem_shared>>
        tpu.wait_dma2 semaphore(%run_scoped3A : memref<!tpu.dma_semaphore, #tpu.memory_space<semaphore_mem>>) src(%dma_wait3A_51 : memref<624x128xf32, #tpu.memory_space<vmem_shared>>) dst(%dma_wait3A_49 : memref<624x128xf32, #tpu.memory_space<hbm>>)
        tpu.yield
      }) : () -> ()
      %eq3A_40 = arith.constant 15 : i32
      %eq3A_41 = arith.cmpi eq, %arg1, %eq3A_40 : i32
      %convert_element_type3A_42 = arith.extui %eq3A_41 : i1 to i32
      %cond3A_43 = arith.constant 0 : i32
      %cond3A_44 = arith.cmpi ne, %convert_element_type3A_42, %cond3A_43 : i32
      scf.if %cond3A_44 {
        "tpu.region"() ({
          %run_scoped3A = tpu.sem_alloc : memref<!tpu.dma_semaphore, #tpu.memory_space<semaphore_mem>>
          %dma_start3A_45 = arith.constant 9984 : i32
          %dma_start3A_46 = arith.constant 0 : i32
          %dma_start3A_47 = tpu.memref_slice %arg7[%dma_start3A_45, %dma_start3A_46] : memref<10000x128xf32, #tpu.memory_space<hbm>> -> memref<16x128xf32, #tpu.memory_space<hbm>>
          %dma_start3A_48 = arith.constant 9984 : i32
          %dma_start3A_49 = arith.constant 0 : i32
          %dma_start3A_50 = tpu.memref_slice %arg13[%dma_start3A_48, %dma_start3A_49] : memref<10016x128xf32, #tpu.memory_space<vmem_shared>> -> memref<16x128xf32, #tpu.memory_space<vmem_shared>>
          tpu.enqueue_dma source(%dma_start3A_50 : memref<16x128xf32, #tpu.memory_space<vmem_shared>>) target(%dma_start3A_47 : memref<16x128xf32, #tpu.memory_space<hbm>>) target_semaphore(%run_scoped3A : memref<!tpu.dma_semaphore, #tpu.memory_space<semaphore_mem>>)
          %dma_wait3A = arith.constant 9984 : i32
          %dma_wait3A_51 = arith.constant 0 : i32
          %dma_wait3A_52 = tpu.memref_slice %arg7[%dma_wait3A, %dma_wait3A_51] : memref<10000x128xf32, #tpu.memory_space<hbm>> -> memref<16x128xf32, #tpu.memory_space<hbm>>
          %dma_wait3A_53 = arith.constant 9984 : i32
          %dma_wait3A_54 = arith.constant 0 : i32
          %dma_wait3A_55 = tpu.memref_slice %arg13[%dma_wait3A_53, %dma_wait3A_54] : memref<10016x128xf32, #tpu.memory_space<vmem_shared>> -> memref<16x128xf32, #tpu.memory_space<vmem_shared>>
          tpu.wait_dma2 semaphore(%run_scoped3A : memref<!tpu.dma_semaphore, #tpu.memory_space<semaphore_mem>>) src(%dma_wait3A_55 : memref<16x128xf32, #tpu.memory_space<vmem_shared>>) dst(%dma_wait3A_52 : memref<16x128xf32, #tpu.memory_space<hbm>>)
          tpu.yield
        }) : () -> ()
      } else {
      }
    } else {
    }
    return
  }
}

#map = affine_map<(d0, d1) -> (0, 0)>
#map1 = affine_map<(d0, d1) -> (0, 0, 0)>
module attributes {stable_mosaic.version = 14 : i64} {
  func.func @_gs_body(%arg0: i32, %arg1: i32, %arg2: memref<10000x128xf32, #tpu.memory_space<hbm>>, %arg3: memref<1024x128xf32, #tpu.memory_space<hbm>>, %arg4: memref<32x80x128xi32, #tpu.memory_space<hbm>>, %arg5: memref<32x80x128xi32, #tpu.memory_space<hbm>>, %arg6: memref<10000x128xf32, #tpu.memory_space<hbm>>, %arg7: memref<10000x128xf32, #tpu.memory_space<hbm>>, %arg8: memref<80x128xi32, #tpu.memory_space<vmem>>, %arg9: memref<128x128xf32, #tpu.memory_space<vmem>>, %arg10: memref<128x128xf32, #tpu.memory_space<vmem>>, %arg11: memref<128xi32, #tpu.memory_space<vmem>>, %arg12: memref<128xi32, #tpu.memory_space<vmem>>, %arg13: memref<10016x128xf32, #tpu.memory_space<vmem_shared>>, %arg14: memref<!tpu.dma_semaphore, #tpu.memory_space<semaphore_mem>>, %arg15: memref<!tpu.dma_semaphore, #tpu.memory_space<semaphore_mem>>, %arg16: memref<!tpu.dma_semaphore, #tpu.memory_space<semaphore_mem>>, %arg17: memref<!tpu.dma_semaphore, #tpu.memory_space<semaphore_mem>>) attributes {dimension_semantics = [#tpu.dimension_semantics<core_parallel>, #tpu.dimension_semantics<subcore_parallel>], iteration_bounds = array<i64: 2, 16>, scalar_prefetch = 0 : i64, scratch_operands = 10 : i64, tpu.core_type = #tpu.core_type<sc_vector_subcore>, window_params = [{transform_indices = #map}, {transform_indices = #map}, {transform_indices = #map1}, {transform_indices = #map1}, {transform_indices = #map}, {transform_indices = #map}]} {
    %mul3A = arith.constant 16 : i32
    %mul3A_0 = arith.muli %arg0, %mul3A : i32
    %add3A = arith.addi %mul3A_0, %arg1 : i32
    %mul3A_1 = arith.constant 624 : i32
    %mul3A_2 = arith.muli %arg1, %mul3A_1 : i32
    %mul3A_3 = arith.constant 624 : i32
    %mul3A_4 = arith.muli %arg1, %mul3A_3 : i32
    "tpu.region"() ({
      %run_scoped3A = tpu.sem_alloc : memref<!tpu.dma_semaphore, #tpu.memory_space<semaphore_mem>>
      %dma_start3A_36 = arith.constant 0 : i32
      %dma_start3A_37 = tpu.memref_slice %arg13[%mul3A_4, %dma_start3A_36] : memref<10016x128xf32, #tpu.memory_space<vmem_shared>> -> memref<624x128xf32, #tpu.memory_space<vmem_shared>>
      %dma_start3A_38 = arith.constant 0 : i32
      %dma_start3A_39 = tpu.memref_slice %arg2[%mul3A_2, %dma_start3A_38] : memref<10000x128xf32, #tpu.memory_space<hbm>> -> memref<624x128xf32, #tpu.memory_space<hbm>>
      tpu.enqueue_dma source(%dma_start3A_39 : memref<624x128xf32, #tpu.memory_space<hbm>>) target(%dma_start3A_37 : memref<624x128xf32, #tpu.memory_space<vmem_shared>>) target_semaphore(%run_scoped3A : memref<!tpu.dma_semaphore, #tpu.memory_space<semaphore_mem>>)
      %dma_wait3A = arith.constant 0 : i32
      %dma_wait3A_40 = tpu.memref_slice %arg13[%mul3A_4, %dma_wait3A] : memref<10016x128xf32, #tpu.memory_space<vmem_shared>> -> memref<624x128xf32, #tpu.memory_space<vmem_shared>>
      %dma_wait3A_41 = arith.constant 0 : i32
      %dma_wait3A_42 = tpu.memref_slice %arg2[%mul3A_2, %dma_wait3A_41] : memref<10000x128xf32, #tpu.memory_space<hbm>> -> memref<624x128xf32, #tpu.memory_space<hbm>>
      tpu.wait_dma2 semaphore(%run_scoped3A : memref<!tpu.dma_semaphore, #tpu.memory_space<semaphore_mem>>) src(%dma_wait3A_42 : memref<624x128xf32, #tpu.memory_space<hbm>>) dst(%dma_wait3A_40 : memref<624x128xf32, #tpu.memory_space<vmem_shared>>)
      tpu.yield
    }) : () -> ()
    %eq3A = arith.constant 15 : i32
    %eq3A_5 = arith.cmpi eq, %arg1, %eq3A : i32
    %convert_element_type3A = arith.extui %eq3A_5 : i1 to i32
    %cond3A = arith.constant 0 : i32
    %cond3A_6 = arith.cmpi ne, %convert_element_type3A, %cond3A : i32
    scf.if %cond3A_6 {
      "tpu.region"() ({
        %run_scoped3A = tpu.sem_alloc : memref<!tpu.dma_semaphore, #tpu.memory_space<semaphore_mem>>
        %dma_start3A_36 = arith.constant 9984 : i32
        %dma_start3A_37 = arith.constant 0 : i32
        %dma_start3A_38 = tpu.memref_slice %arg13[%dma_start3A_36, %dma_start3A_37] : memref<10016x128xf32, #tpu.memory_space<vmem_shared>> -> memref<16x128xf32, #tpu.memory_space<vmem_shared>>
        %dma_start3A_39 = arith.constant 9984 : i32
        %dma_start3A_40 = arith.constant 0 : i32
        %dma_start3A_41 = tpu.memref_slice %arg2[%dma_start3A_39, %dma_start3A_40] : memref<10000x128xf32, #tpu.memory_space<hbm>> -> memref<16x128xf32, #tpu.memory_space<hbm>>
        tpu.enqueue_dma source(%dma_start3A_41 : memref<16x128xf32, #tpu.memory_space<hbm>>) target(%dma_start3A_38 : memref<16x128xf32, #tpu.memory_space<vmem_shared>>) target_semaphore(%run_scoped3A : memref<!tpu.dma_semaphore, #tpu.memory_space<semaphore_mem>>)
        %dma_wait3A = arith.constant 9984 : i32
        %dma_wait3A_42 = arith.constant 0 : i32
        %dma_wait3A_43 = tpu.memref_slice %arg13[%dma_wait3A, %dma_wait3A_42] : memref<10016x128xf32, #tpu.memory_space<vmem_shared>> -> memref<16x128xf32, #tpu.memory_space<vmem_shared>>
        %dma_wait3A_44 = arith.constant 9984 : i32
        %dma_wait3A_45 = arith.constant 0 : i32
        %dma_wait3A_46 = tpu.memref_slice %arg2[%dma_wait3A_44, %dma_wait3A_45] : memref<10000x128xf32, #tpu.memory_space<hbm>> -> memref<16x128xf32, #tpu.memory_space<hbm>>
        tpu.wait_dma2 semaphore(%run_scoped3A : memref<!tpu.dma_semaphore, #tpu.memory_space<semaphore_mem>>) src(%dma_wait3A_46 : memref<16x128xf32, #tpu.memory_space<hbm>>) dst(%dma_wait3A_43 : memref<16x128xf32, #tpu.memory_space<vmem_shared>>)
        tpu.yield
      }) : () -> ()
    } else {
    }
    %barrier3A = arith.constant 0 : index
    tpu.barrier barrier_id(%barrier3A)
    "tpu.region"() ({
      %run_scoped3A = tpu.sem_alloc : memref<!tpu.dma_semaphore, #tpu.memory_space<semaphore_mem>>
      %dma_start3A_36 = arith.constant 0 : i32
      %dma_start3A_37 = arith.constant 0 : i32
      %dma_start3A_38 = tpu.memref_slice %arg4[%add3A, %dma_start3A_36, %dma_start3A_37] : memref<32x80x128xi32, #tpu.memory_space<hbm>> -> memref<1x80x128xi32, #tpu.memory_space<hbm>>
      %dma_start3A_39 = tpu.memref_squeeze %dma_start3A_38 : memref<1x80x128xi32, #tpu.memory_space<hbm>> -> memref<80x128xi32, #tpu.memory_space<hbm>>
      %dma_start3A_40 = arith.constant 0 : i32
      %dma_start3A_41 = arith.constant 0 : i32
      %dma_start3A_42 = tpu.memref_slice %arg4[%add3A, %dma_start3A_40, %dma_start3A_41] : memref<32x80x128xi32, #tpu.memory_space<hbm>> -> memref<1x80x128xi32, #tpu.memory_space<hbm>>
      %dma_start3A_43 = tpu.memref_squeeze %dma_start3A_42 : memref<1x80x128xi32, #tpu.memory_space<hbm>> -> memref<80x128xi32, #tpu.memory_space<hbm>>
      tpu.enqueue_dma source(%dma_start3A_43 : memref<80x128xi32, #tpu.memory_space<hbm>>) target(%arg8 : memref<80x128xi32, #tpu.memory_space<vmem>>) target_semaphore(%run_scoped3A : memref<!tpu.dma_semaphore, #tpu.memory_space<semaphore_mem>>)
      %dma_wait3A = arith.constant 0 : i32
      %dma_wait3A_44 = arith.constant 0 : i32
      %dma_wait3A_45 = tpu.memref_slice %arg4[%add3A, %dma_wait3A, %dma_wait3A_44] : memref<32x80x128xi32, #tpu.memory_space<hbm>> -> memref<1x80x128xi32, #tpu.memory_space<hbm>>
      %dma_wait3A_46 = tpu.memref_squeeze %dma_wait3A_45 : memref<1x80x128xi32, #tpu.memory_space<hbm>> -> memref<80x128xi32, #tpu.memory_space<hbm>>
      %dma_wait3A_47 = arith.constant 0 : i32
      %dma_wait3A_48 = arith.constant 0 : i32
      %dma_wait3A_49 = tpu.memref_slice %arg4[%add3A, %dma_wait3A_47, %dma_wait3A_48] : memref<32x80x128xi32, #tpu.memory_space<hbm>> -> memref<1x80x128xi32, #tpu.memory_space<hbm>>
      %dma_wait3A_50 = tpu.memref_squeeze %dma_wait3A_49 : memref<1x80x128xi32, #tpu.memory_space<hbm>> -> memref<80x128xi32, #tpu.memory_space<hbm>>
      tpu.wait_dma2 semaphore(%run_scoped3A : memref<!tpu.dma_semaphore, #tpu.memory_space<semaphore_mem>>) src(%dma_wait3A_50 : memref<80x128xi32, #tpu.memory_space<hbm>>) dst(%arg8 : memref<80x128xi32, #tpu.memory_space<vmem>>)
      tpu.yield
    }) : () -> ()
    %dma_start3A = arith.constant 0 : i32
    %dma_start3A_7 = arith.constant 0 : i32
    %dma_start3A_8 = tpu.memref_slice %arg8[%dma_start3A, %dma_start3A_7] : memref<80x128xi32, #tpu.memory_space<vmem>> -> memref<1x128xi32, #tpu.memory_space<vmem>>
    %dma_start3A_9 = tpu.memref_squeeze %dma_start3A_8 : memref<1x128xi32, #tpu.memory_space<vmem>> -> memref<128xi32, #tpu.memory_space<vmem>>
    %dma_start3A_10 = arith.constant 0 : i32
    %dma_start3A_11 = arith.constant 0 : i32
    %dma_start3A_12 = tpu.memref_slice %arg3[%dma_start3A_10, %dma_start3A_11] : memref<1024x128xf32, #tpu.memory_space<hbm>> -> memref<1024x128xf32, #tpu.memory_space<hbm>>
    tpu.enqueue_indirect_dma source(%dma_start3A_12 : memref<1024x128xf32, #tpu.memory_space<hbm>>) target(%arg9 : memref<128x128xf32, #tpu.memory_space<vmem>>) offsets(%dma_start3A_9 : memref<128xi32, #tpu.memory_space<vmem>>) semaphore(%arg14 : memref<!tpu.dma_semaphore, #tpu.memory_space<semaphore_mem>>)
    %dma_start3A_13 = arith.constant 0 : i32
    %dma_start3A_14 = arith.constant 0 : i32
    %dma_start3A_15 = tpu.memref_slice %arg5[%add3A, %dma_start3A_13, %dma_start3A_14] : memref<32x80x128xi32, #tpu.memory_space<hbm>> -> memref<1x1x128xi32, #tpu.memory_space<hbm>>
    %dma_start3A_16 = tpu.memref_squeeze %dma_start3A_15 : memref<1x1x128xi32, #tpu.memory_space<hbm>> -> memref<128xi32, #tpu.memory_space<hbm>>
    %dma_start3A_17 = arith.constant 0 : i32
    %dma_start3A_18 = tpu.memref_slice %arg5[%add3A, %dma_start3A_13, %dma_start3A_17] : memref<32x80x128xi32, #tpu.memory_space<hbm>> -> memref<1x1x128xi32, #tpu.memory_space<hbm>>
    %dma_start3A_19 = tpu.memref_squeeze %dma_start3A_18 : memref<1x1x128xi32, #tpu.memory_space<hbm>> -> memref<128xi32, #tpu.memory_space<hbm>>
    tpu.enqueue_dma source(%dma_start3A_19 : memref<128xi32, #tpu.memory_space<hbm>>) target(%arg11 : memref<128xi32, #tpu.memory_space<vmem>>) target_semaphore(%arg16 : memref<!tpu.dma_semaphore, #tpu.memory_space<semaphore_mem>>)
    %scan3A = arith.constant 0 : i32
    %scan3A_20 = arith.constant 0 : i32
    %scan3A_21 = arith.constant 40 : i32
    %scan3A_22 = arith.addi %scan3A_20, %scan3A_21 : i32
    %scan3A_23 = arith.constant 1 : i32
    scf.for %scan3A_36 = %scan3A_20 to %scan3A_22 step %scan3A_23  : i32 {
      %mul3A_37 = arith.constant 2 : i32
      %mul3A_38 = arith.muli %mul3A_37, %scan3A_36 : i32
      %add3A_39 = arith.constant 1 : i32
      %add3A_40 = arith.addi %mul3A_38, %add3A_39 : i32
      %dma_start3A_41 = arith.constant 0 : i32
      %dma_start3A_42 = tpu.memref_slice %arg8[%add3A_40, %dma_start3A_41] : memref<80x128xi32, #tpu.memory_space<vmem>> -> memref<1x128xi32, #tpu.memory_space<vmem>>
      %dma_start3A_43 = tpu.memref_squeeze %dma_start3A_42 : memref<1x128xi32, #tpu.memory_space<vmem>> -> memref<128xi32, #tpu.memory_space<vmem>>
      %dma_start3A_44 = arith.constant 0 : i32
      %dma_start3A_45 = arith.constant 0 : i32
      %dma_start3A_46 = tpu.memref_slice %arg3[%dma_start3A_44, %dma_start3A_45] : memref<1024x128xf32, #tpu.memory_space<hbm>> -> memref<1024x128xf32, #tpu.memory_space<hbm>>
      tpu.enqueue_indirect_dma source(%dma_start3A_46 : memref<1024x128xf32, #tpu.memory_space<hbm>>) target(%arg10 : memref<128x128xf32, #tpu.memory_space<vmem>>) offsets(%dma_start3A_43 : memref<128xi32, #tpu.memory_space<vmem>>) semaphore(%arg15 : memref<!tpu.dma_semaphore, #tpu.memory_space<semaphore_mem>>)
      %add3A_47 = arith.constant 1 : i32
      %add3A_48 = arith.addi %mul3A_38, %add3A_47 : i32
      %dma_start3A_49 = arith.constant 0 : i32
      %dma_start3A_50 = tpu.memref_slice %arg5[%add3A, %add3A_48, %dma_start3A_49] : memref<32x80x128xi32, #tpu.memory_space<hbm>> -> memref<1x1x128xi32, #tpu.memory_space<hbm>>
      %dma_start3A_51 = tpu.memref_squeeze %dma_start3A_50 : memref<1x1x128xi32, #tpu.memory_space<hbm>> -> memref<128xi32, #tpu.memory_space<hbm>>
      %dma_start3A_52 = arith.constant 0 : i32
      %dma_start3A_53 = tpu.memref_slice %arg5[%add3A, %add3A_48, %dma_start3A_52] : memref<32x80x128xi32, #tpu.memory_space<hbm>> -> memref<1x1x128xi32, #tpu.memory_space<hbm>>
      %dma_start3A_54 = tpu.memref_squeeze %dma_start3A_53 : memref<1x1x128xi32, #tpu.memory_space<hbm>> -> memref<128xi32, #tpu.memory_space<hbm>>
      tpu.enqueue_dma source(%dma_start3A_54 : memref<128xi32, #tpu.memory_space<hbm>>) target(%arg12 : memref<128xi32, #tpu.memory_space<vmem>>) target_semaphore(%arg17 : memref<!tpu.dma_semaphore, #tpu.memory_space<semaphore_mem>>)
      %dma_wait3A = arith.constant 0 : i32
      %dma_wait3A_55 = tpu.memref_slice %arg8[%mul3A_38, %dma_wait3A] : memref<80x128xi32, #tpu.memory_space<vmem>> -> memref<1x128xi32, #tpu.memory_space<vmem>>
      %dma_wait3A_56 = tpu.memref_squeeze %dma_wait3A_55 : memref<1x128xi32, #tpu.memory_space<vmem>> -> memref<128xi32, #tpu.memory_space<vmem>>
      %dma_wait3A_57 = arith.constant 0 : i32
      %dma_wait3A_58 = arith.constant 0 : i32
      %dma_wait3A_59 = tpu.memref_slice %arg3[%dma_wait3A_57, %dma_wait3A_58] : memref<1024x128xf32, #tpu.memory_space<hbm>> -> memref<1024x128xf32, #tpu.memory_space<hbm>>
      tpu.wait_indirect_dma semaphore(%arg14 : memref<!tpu.dma_semaphore, #tpu.memory_space<semaphore_mem>>) src(%dma_wait3A_59 : memref<1024x128xf32, #tpu.memory_space<hbm>>) dst(%arg9 : memref<128x128xf32, #tpu.memory_space<vmem>>)
      %dma_wait3A_60 = arith.constant 0 : i32
      %dma_wait3A_61 = tpu.memref_slice %arg5[%add3A, %mul3A_38, %dma_wait3A_60] : memref<32x80x128xi32, #tpu.memory_space<hbm>> -> memref<1x1x128xi32, #tpu.memory_space<hbm>>
      %dma_wait3A_62 = tpu.memref_squeeze %dma_wait3A_61 : memref<1x1x128xi32, #tpu.memory_space<hbm>> -> memref<128xi32, #tpu.memory_space<hbm>>
      %dma_wait3A_63 = arith.constant 0 : i32
      %dma_wait3A_64 = tpu.memref_slice %arg5[%add3A, %mul3A_38, %dma_wait3A_63] : memref<32x80x128xi32, #tpu.memory_space<hbm>> -> memref<1x1x128xi32, #tpu.memory_space<hbm>>
      %dma_wait3A_65 = tpu.memref_squeeze %dma_wait3A_64 : memref<1x1x128xi32, #tpu.memory_space<hbm>> -> memref<128xi32, #tpu.memory_space<hbm>>
      tpu.wait_dma2 semaphore(%arg16 : memref<!tpu.dma_semaphore, #tpu.memory_space<semaphore_mem>>) src(%dma_wait3A_65 : memref<128xi32, #tpu.memory_space<hbm>>) dst(%arg11 : memref<128xi32, #tpu.memory_space<vmem>>)
      "tpu.region"() ({
        %run_scoped3A = tpu.sem_alloc : memref<!tpu.dma_semaphore, #tpu.memory_space<semaphore_mem>>
        %dma_start3A_88 = arith.constant 0 : i32
        %dma_start3A_89 = arith.constant 0 : i32
        %dma_start3A_90 = tpu.memref_slice %arg13[%dma_start3A_88, %dma_start3A_89] : memref<10016x128xf32, #tpu.memory_space<vmem_shared>> -> memref<10016x128xf32, #tpu.memory_space<vmem_shared>>
        tpu.enqueue_indirect_dma source(%arg9 : memref<128x128xf32, #tpu.memory_space<vmem>>) target(%dma_start3A_90 : memref<10016x128xf32, #tpu.memory_space<vmem_shared>>) offsets(%arg11 : memref<128xi32, #tpu.memory_space<vmem>>) semaphore(%run_scoped3A : memref<!tpu.dma_semaphore, #tpu.memory_space<semaphore_mem>>) {add = true}
        %dma_wait3A_91 = arith.constant 0 : i32
        %dma_wait3A_92 = arith.constant 0 : i32
        %dma_wait3A_93 = tpu.memref_slice %arg13[%dma_wait3A_91, %dma_wait3A_92] : memref<10016x128xf32, #tpu.memory_space<vmem_shared>> -> memref<10016x128xf32, #tpu.memory_space<vmem_shared>>
        tpu.wait_indirect_dma semaphore(%run_scoped3A : memref<!tpu.dma_semaphore, #tpu.memory_space<semaphore_mem>>) src(%arg9 : memref<128x128xf32, #tpu.memory_space<vmem>>) dst(%dma_wait3A_93 : memref<10016x128xf32, #tpu.memory_space<vmem_shared>>)
        tpu.yield
      }) : () -> ()
      %add3A_66 = arith.constant 2 : i32
      %add3A_67 = arith.addi %mul3A_38, %add3A_66 : i32
      %lt3A = arith.constant 80 : i32
      %lt3A_68 = arith.cmpi slt, %add3A_67, %lt3A : i32
      %convert_element_type3A_69 = arith.extui %lt3A_68 : i1 to i32
      %cond3A_70 = arith.constant 0 : i32
      %cond3A_71 = arith.cmpi ne, %convert_element_type3A_69, %cond3A_70 : i32
      scf.if %cond3A_71 {
        %add3A_88 = arith.constant 2 : i32
        %add3A_89 = arith.addi %mul3A_38, %add3A_88 : i32
        %dma_start3A_90 = arith.constant 0 : i32
        %dma_start3A_91 = tpu.memref_slice %arg8[%add3A_89, %dma_start3A_90] : memref<80x128xi32, #tpu.memory_space<vmem>> -> memref<1x128xi32, #tpu.memory_space<vmem>>
        %dma_start3A_92 = tpu.memref_squeeze %dma_start3A_91 : memref<1x128xi32, #tpu.memory_space<vmem>> -> memref<128xi32, #tpu.memory_space<vmem>>
        %dma_start3A_93 = arith.constant 0 : i32
        %dma_start3A_94 = arith.constant 0 : i32
        %dma_start3A_95 = tpu.memref_slice %arg3[%dma_start3A_93, %dma_start3A_94] : memref<1024x128xf32, #tpu.memory_space<hbm>> -> memref<1024x128xf32, #tpu.memory_space<hbm>>
        tpu.enqueue_indirect_dma source(%dma_start3A_95 : memref<1024x128xf32, #tpu.memory_space<hbm>>) target(%arg9 : memref<128x128xf32, #tpu.memory_space<vmem>>) offsets(%dma_start3A_92 : memref<128xi32, #tpu.memory_space<vmem>>) semaphore(%arg14 : memref<!tpu.dma_semaphore, #tpu.memory_space<semaphore_mem>>)
        %add3A_96 = arith.constant 2 : i32
        %add3A_97 = arith.addi %mul3A_38, %add3A_96 : i32
        %dma_start3A_98 = arith.constant 0 : i32
        %dma_start3A_99 = tpu.memref_slice %arg5[%add3A, %add3A_97, %dma_start3A_98] : memref<32x80x128xi32, #tpu.memory_space<hbm>> -> memref<1x1x128xi32, #tpu.memory_space<hbm>>
        %dma_start3A_100 = tpu.memref_squeeze %dma_start3A_99 : memref<1x1x128xi32, #tpu.memory_space<hbm>> -> memref<128xi32, #tpu.memory_space<hbm>>
        %dma_start3A_101 = arith.constant 0 : i32
        %dma_start3A_102 = tpu.memref_slice %arg5[%add3A, %add3A_97, %dma_start3A_101] : memref<32x80x128xi32, #tpu.memory_space<hbm>> -> memref<1x1x128xi32, #tpu.memory_space<hbm>>
        %dma_start3A_103 = tpu.memref_squeeze %dma_start3A_102 : memref<1x1x128xi32, #tpu.memory_space<hbm>> -> memref<128xi32, #tpu.memory_space<hbm>>
        tpu.enqueue_dma source(%dma_start3A_103 : memref<128xi32, #tpu.memory_space<hbm>>) target(%arg11 : memref<128xi32, #tpu.memory_space<vmem>>) target_semaphore(%arg16 : memref<!tpu.dma_semaphore, #tpu.memory_space<semaphore_mem>>)
      } else {
      }
      %add3A_72 = arith.constant 1 : i32
      %add3A_73 = arith.addi %mul3A_38, %add3A_72 : i32
      %dma_wait3A_74 = arith.constant 0 : i32
      %dma_wait3A_75 = tpu.memref_slice %arg8[%add3A_73, %dma_wait3A_74] : memref<80x128xi32, #tpu.memory_space<vmem>> -> memref<1x128xi32, #tpu.memory_space<vmem>>
      %dma_wait3A_76 = tpu.memref_squeeze %dma_wait3A_75 : memref<1x128xi32, #tpu.memory_space<vmem>> -> memref<128xi32, #tpu.memory_space<vmem>>
      %dma_wait3A_77 = arith.constant 0 : i32
      %dma_wait3A_78 = arith.constant 0 : i32
      %dma_wait3A_79 = tpu.memref_slice %arg3[%dma_wait3A_77, %dma_wait3A_78] : memref<1024x128xf32, #tpu.memory_space<hbm>> -> memref<1024x128xf32, #tpu.memory_space<hbm>>
      tpu.wait_indirect_dma semaphore(%arg15 : memref<!tpu.dma_semaphore, #tpu.memory_space<semaphore_mem>>) src(%dma_wait3A_79 : memref<1024x128xf32, #tpu.memory_space<hbm>>) dst(%arg10 : memref<128x128xf32, #tpu.memory_space<vmem>>)
      %add3A_80 = arith.constant 1 : i32
      %add3A_81 = arith.addi %mul3A_38, %add3A_80 : i32
      %dma_wait3A_82 = arith.constant 0 : i32
      %dma_wait3A_83 = tpu.memref_slice %arg5[%add3A, %add3A_81, %dma_wait3A_82] : memref<32x80x128xi32, #tpu.memory_space<hbm>> -> memref<1x1x128xi32, #tpu.memory_space<hbm>>
      %dma_wait3A_84 = tpu.memref_squeeze %dma_wait3A_83 : memref<1x1x128xi32, #tpu.memory_space<hbm>> -> memref<128xi32, #tpu.memory_space<hbm>>
      %dma_wait3A_85 = arith.constant 0 : i32
      %dma_wait3A_86 = tpu.memref_slice %arg5[%add3A, %add3A_81, %dma_wait3A_85] : memref<32x80x128xi32, #tpu.memory_space<hbm>> -> memref<1x1x128xi32, #tpu.memory_space<hbm>>
      %dma_wait3A_87 = tpu.memref_squeeze %dma_wait3A_86 : memref<1x1x128xi32, #tpu.memory_space<hbm>> -> memref<128xi32, #tpu.memory_space<hbm>>
      tpu.wait_dma2 semaphore(%arg17 : memref<!tpu.dma_semaphore, #tpu.memory_space<semaphore_mem>>) src(%dma_wait3A_87 : memref<128xi32, #tpu.memory_space<hbm>>) dst(%arg12 : memref<128xi32, #tpu.memory_space<vmem>>)
      "tpu.region"() ({
        %run_scoped3A = tpu.sem_alloc : memref<!tpu.dma_semaphore, #tpu.memory_space<semaphore_mem>>
        %dma_start3A_88 = arith.constant 0 : i32
        %dma_start3A_89 = arith.constant 0 : i32
        %dma_start3A_90 = tpu.memref_slice %arg13[%dma_start3A_88, %dma_start3A_89] : memref<10016x128xf32, #tpu.memory_space<vmem_shared>> -> memref<10016x128xf32, #tpu.memory_space<vmem_shared>>
        tpu.enqueue_indirect_dma source(%arg10 : memref<128x128xf32, #tpu.memory_space<vmem>>) target(%dma_start3A_90 : memref<10016x128xf32, #tpu.memory_space<vmem_shared>>) offsets(%arg12 : memref<128xi32, #tpu.memory_space<vmem>>) semaphore(%run_scoped3A : memref<!tpu.dma_semaphore, #tpu.memory_space<semaphore_mem>>) {add = true}
        %dma_wait3A_91 = arith.constant 0 : i32
        %dma_wait3A_92 = arith.constant 0 : i32
        %dma_wait3A_93 = tpu.memref_slice %arg13[%dma_wait3A_91, %dma_wait3A_92] : memref<10016x128xf32, #tpu.memory_space<vmem_shared>> -> memref<10016x128xf32, #tpu.memory_space<vmem_shared>>
        tpu.wait_indirect_dma semaphore(%run_scoped3A : memref<!tpu.dma_semaphore, #tpu.memory_space<semaphore_mem>>) src(%arg10 : memref<128x128xf32, #tpu.memory_space<vmem>>) dst(%dma_wait3A_93 : memref<10016x128xf32, #tpu.memory_space<vmem_shared>>)
        tpu.yield
      }) : () -> ()
    }
    %scan3A_24 = arith.constant 40 : i32
    %barrier3A_25 = arith.constant 0 : index
    tpu.barrier barrier_id(%barrier3A_25)
    %eq3A_26 = arith.constant 0 : i32
    %eq3A_27 = arith.cmpi eq, %arg0, %eq3A_26 : i32
    %convert_element_type3A_28 = arith.extui %eq3A_27 : i1 to i32
    %cond3A_29 = arith.constant 0 : i32
    %cond3A_30 = arith.cmpi ne, %convert_element_type3A_28, %cond3A_29 : i32
    scf.if %cond3A_30 {
      %mul3A_36 = arith.constant 624 : i32
      %mul3A_37 = arith.muli %arg1, %mul3A_36 : i32
      %mul3A_38 = arith.constant 624 : i32
      %mul3A_39 = arith.muli %arg1, %mul3A_38 : i32
      "tpu.region"() ({
        %run_scoped3A = tpu.sem_alloc : memref<!tpu.dma_semaphore, #tpu.memory_space<semaphore_mem>>
        %dma_start3A_45 = arith.constant 0 : i32
        %dma_start3A_46 = tpu.memref_slice %arg6[%mul3A_39, %dma_start3A_45] : memref<10000x128xf32, #tpu.memory_space<hbm>> -> memref<624x128xf32, #tpu.memory_space<hbm>>
        %dma_start3A_47 = arith.constant 0 : i32
        %dma_start3A_48 = tpu.memref_slice %arg13[%mul3A_37, %dma_start3A_47] : memref<10016x128xf32, #tpu.memory_space<vmem_shared>> -> memref<624x128xf32, #tpu.memory_space<vmem_shared>>
        tpu.enqueue_dma source(%dma_start3A_48 : memref<624x128xf32, #tpu.memory_space<vmem_shared>>) target(%dma_start3A_46 : memref<624x128xf32, #tpu.memory_space<hbm>>) target_semaphore(%run_scoped3A : memref<!tpu.dma_semaphore, #tpu.memory_space<semaphore_mem>>)
        %dma_wait3A = arith.constant 0 : i32
        %dma_wait3A_49 = tpu.memref_slice %arg6[%mul3A_39, %dma_wait3A] : memref<10000x128xf32, #tpu.memory_space<hbm>> -> memref<624x128xf32, #tpu.memory_space<hbm>>
        %dma_wait3A_50 = arith.constant 0 : i32
        %dma_wait3A_51 = tpu.memref_slice %arg13[%mul3A_37, %dma_wait3A_50] : memref<10016x128xf32, #tpu.memory_space<vmem_shared>> -> memref<624x128xf32, #tpu.memory_space<vmem_shared>>
        tpu.wait_dma2 semaphore(%run_scoped3A : memref<!tpu.dma_semaphore, #tpu.memory_space<semaphore_mem>>) src(%dma_wait3A_51 : memref<624x128xf32, #tpu.memory_space<vmem_shared>>) dst(%dma_wait3A_49 : memref<624x128xf32, #tpu.memory_space<hbm>>)
        tpu.yield
      }) : () -> ()
      %eq3A_40 = arith.constant 15 : i32
      %eq3A_41 = arith.cmpi eq, %arg1, %eq3A_40 : i32
      %convert_element_type3A_42 = arith.extui %eq3A_41 : i1 to i32
      %cond3A_43 = arith.constant 0 : i32
      %cond3A_44 = arith.cmpi ne, %convert_element_type3A_42, %cond3A_43 : i32
      scf.if %cond3A_44 {
        "tpu.region"() ({
          %run_scoped3A = tpu.sem_alloc : memref<!tpu.dma_semaphore, #tpu.memory_space<semaphore_mem>>
          %dma_start3A_45 = arith.constant 9984 : i32
          %dma_start3A_46 = arith.constant 0 : i32
          %dma_start3A_47 = tpu.memref_slice %arg6[%dma_start3A_45, %dma_start3A_46] : memref<10000x128xf32, #tpu.memory_space<hbm>> -> memref<16x128xf32, #tpu.memory_space<hbm>>
          %dma_start3A_48 = arith.constant 9984 : i32
          %dma_start3A_49 = arith.constant 0 : i32
          %dma_start3A_50 = tpu.memref_slice %arg13[%dma_start3A_48, %dma_start3A_49] : memref<10016x128xf32, #tpu.memory_space<vmem_shared>> -> memref<16x128xf32, #tpu.memory_space<vmem_shared>>
          tpu.enqueue_dma source(%dma_start3A_50 : memref<16x128xf32, #tpu.memory_space<vmem_shared>>) target(%dma_start3A_47 : memref<16x128xf32, #tpu.memory_space<hbm>>) target_semaphore(%run_scoped3A : memref<!tpu.dma_semaphore, #tpu.memory_space<semaphore_mem>>)
          %dma_wait3A = arith.constant 9984 : i32
          %dma_wait3A_51 = arith.constant 0 : i32
          %dma_wait3A_52 = tpu.memref_slice %arg6[%dma_wait3A, %dma_wait3A_51] : memref<10000x128xf32, #tpu.memory_space<hbm>> -> memref<16x128xf32, #tpu.memory_space<hbm>>
          %dma_wait3A_53 = arith.constant 9984 : i32
          %dma_wait3A_54 = arith.constant 0 : i32
          %dma_wait3A_55 = tpu.memref_slice %arg13[%dma_wait3A_53, %dma_wait3A_54] : memref<10016x128xf32, #tpu.memory_space<vmem_shared>> -> memref<16x128xf32, #tpu.memory_space<vmem_shared>>
          tpu.wait_dma2 semaphore(%run_scoped3A : memref<!tpu.dma_semaphore, #tpu.memory_space<semaphore_mem>>) src(%dma_wait3A_55 : memref<16x128xf32, #tpu.memory_space<vmem_shared>>) dst(%dma_wait3A_52 : memref<16x128xf32, #tpu.memory_space<hbm>>)
          tpu.yield
        }) : () -> ()
      } else {
      }
    } else {
    }
    %eq3A_31 = arith.constant 1 : i32
    %eq3A_32 = arith.cmpi eq, %arg0, %eq3A_31 : i32
    %convert_element_type3A_33 = arith.extui %eq3A_32 : i1 to i32
    %cond3A_34 = arith.constant 0 : i32
    %cond3A_35 = arith.cmpi ne, %convert_element_type3A_33, %cond3A_34 : i32
    scf.if %cond3A_35 {
      %mul3A_36 = arith.constant 624 : i32
      %mul3A_37 = arith.muli %arg1, %mul3A_36 : i32
      %mul3A_38 = arith.constant 624 : i32
      %mul3A_39 = arith.muli %arg1, %mul3A_38 : i32
      "tpu.region"() ({
        %run_scoped3A = tpu.sem_alloc : memref<!tpu.dma_semaphore, #tpu.memory_space<semaphore_mem>>
        %dma_start3A_45 = arith.constant 0 : i32
        %dma_start3A_46 = tpu.memref_slice %arg7[%mul3A_39, %dma_start3A_45] : memref<10000x128xf32, #tpu.memory_space<hbm>> -> memref<624x128xf32, #tpu.memory_space<hbm>>
        %dma_start3A_47 = arith.constant 0 : i32
        %dma_start3A_48 = tpu.memref_slice %arg13[%mul3A_37, %dma_start3A_47] : memref<10016x128xf32, #tpu.memory_space<vmem_shared>> -> memref<624x128xf32, #tpu.memory_space<vmem_shared>>
        tpu.enqueue_dma source(%dma_start3A_48 : memref<624x128xf32, #tpu.memory_space<vmem_shared>>) target(%dma_start3A_46 : memref<624x128xf32, #tpu.memory_space<hbm>>) target_semaphore(%run_scoped3A : memref<!tpu.dma_semaphore, #tpu.memory_space<semaphore_mem>>)
        %dma_wait3A = arith.constant 0 : i32
        %dma_wait3A_49 = tpu.memref_slice %arg7[%mul3A_39, %dma_wait3A] : memref<10000x128xf32, #tpu.memory_space<hbm>> -> memref<624x128xf32, #tpu.memory_space<hbm>>
        %dma_wait3A_50 = arith.constant 0 : i32
        %dma_wait3A_51 = tpu.memref_slice %arg13[%mul3A_37, %dma_wait3A_50] : memref<10016x128xf32, #tpu.memory_space<vmem_shared>> -> memref<624x128xf32, #tpu.memory_space<vmem_shared>>
        tpu.wait_dma2 semaphore(%run_scoped3A : memref<!tpu.dma_semaphore, #tpu.memory_space<semaphore_mem>>) src(%dma_wait3A_51 : memref<624x128xf32, #tpu.memory_space<vmem_shared>>) dst(%dma_wait3A_49 : memref<624x128xf32, #tpu.memory_space<hbm>>)
        tpu.yield
      }) : () -> ()
      %eq3A_40 = arith.constant 15 : i32
      %eq3A_41 = arith.cmpi eq, %arg1, %eq3A_40 : i32
      %convert_element_type3A_42 = arith.extui %eq3A_41 : i1 to i32
      %cond3A_43 = arith.constant 0 : i32
      %cond3A_44 = arith.cmpi ne, %convert_element_type3A_42, %cond3A_43 : i32
      scf.if %cond3A_44 {
        "tpu.region"() ({
          %run_scoped3A = tpu.sem_alloc : memref<!tpu.dma_semaphore, #tpu.memory_space<semaphore_mem>>
          %dma_start3A_45 = arith.constant 9984 : i32
          %dma_start3A_46 = arith.constant 0 : i32
          %dma_start3A_47 = tpu.memref_slice %arg7[%dma_start3A_45, %dma_start3A_46] : memref<10000x128xf32, #tpu.memory_space<hbm>> -> memref<16x128xf32, #tpu.memory_space<hbm>>
          %dma_start3A_48 = arith.constant 9984 : i32
          %dma_start3A_49 = arith.constant 0 : i32
          %dma_start3A_50 = tpu.memref_slice %arg13[%dma_start3A_48, %dma_start3A_49] : memref<10016x128xf32, #tpu.memory_space<vmem_shared>> -> memref<16x128xf32, #tpu.memory_space<vmem_shared>>
          tpu.enqueue_dma source(%dma_start3A_50 : memref<16x128xf32, #tpu.memory_space<vmem_shared>>) target(%dma_start3A_47 : memref<16x128xf32, #tpu.memory_space<hbm>>) target_semaphore(%run_scoped3A : memref<!tpu.dma_semaphore, #tpu.memory_space<semaphore_mem>>)
          %dma_wait3A = arith.constant 9984 : i32
          %dma_wait3A_51 = arith.constant 0 : i32
          %dma_wait3A_52 = tpu.memref_slice %arg7[%dma_wait3A, %dma_wait3A_51] : memref<10000x128xf32, #tpu.memory_space<hbm>> -> memref<16x128xf32, #tpu.memory_space<hbm>>
          %dma_wait3A_53 = arith.constant 9984 : i32
          %dma_wait3A_54 = arith.constant 0 : i32
          %dma_wait3A_55 = tpu.memref_slice %arg13[%dma_wait3A_53, %dma_wait3A_54] : memref<10016x128xf32, #tpu.memory_space<vmem_shared>> -> memref<16x128xf32, #tpu.memory_space<vmem_shared>>
          tpu.wait_dma2 semaphore(%run_scoped3A : memref<!tpu.dma_semaphore, #tpu.memory_space<semaphore_mem>>) src(%dma_wait3A_55 : memref<16x128xf32, #tpu.memory_space<vmem_shared>>) dst(%dma_wait3A_52 : memref<16x128xf32, #tpu.memory_space<hbm>>)
          tpu.yield
        }) : () -> ()
      } else {
      }
    } else {
    }
    return
  }
}

#map = affine_map<(d0, d1) -> (0, 0)>
#map1 = affine_map<(d0, d1) -> (0, 0, 0)>
module attributes {stable_mosaic.version = 14 : i64} {
  func.func @_gs_body(%arg0: i32, %arg1: i32, %arg2: memref<10000x128xf32, #tpu.memory_space<hbm>>, %arg3: memref<10000x128xf32, #tpu.memory_space<hbm>>, %arg4: memref<32x80x128xi32, #tpu.memory_space<hbm>>, %arg5: memref<32x80x128xi32, #tpu.memory_space<hbm>>, %arg6: memref<10000x128xf32, #tpu.memory_space<hbm>>, %arg7: memref<10000x128xf32, #tpu.memory_space<hbm>>, %arg8: memref<80x128xi32, #tpu.memory_space<vmem>>, %arg9: memref<128x128xf32, #tpu.memory_space<vmem>>, %arg10: memref<128x128xf32, #tpu.memory_space<vmem>>, %arg11: memref<128xi32, #tpu.memory_space<vmem>>, %arg12: memref<128xi32, #tpu.memory_space<vmem>>, %arg13: memref<10016x128xf32, #tpu.memory_space<vmem_shared>>, %arg14: memref<!tpu.dma_semaphore, #tpu.memory_space<semaphore_mem>>, %arg15: memref<!tpu.dma_semaphore, #tpu.memory_space<semaphore_mem>>, %arg16: memref<!tpu.dma_semaphore, #tpu.memory_space<semaphore_mem>>, %arg17: memref<!tpu.dma_semaphore, #tpu.memory_space<semaphore_mem>>) attributes {dimension_semantics = [#tpu.dimension_semantics<core_parallel>, #tpu.dimension_semantics<subcore_parallel>], iteration_bounds = array<i64: 2, 16>, scalar_prefetch = 0 : i64, scratch_operands = 10 : i64, tpu.core_type = #tpu.core_type<sc_vector_subcore>, window_params = [{transform_indices = #map}, {transform_indices = #map}, {transform_indices = #map1}, {transform_indices = #map1}, {transform_indices = #map}, {transform_indices = #map}]} {
    %mul3A = arith.constant 16 : i32
    %mul3A_0 = arith.muli %arg0, %mul3A : i32
    %add3A = arith.addi %mul3A_0, %arg1 : i32
    %mul3A_1 = arith.constant 624 : i32
    %mul3A_2 = arith.muli %arg1, %mul3A_1 : i32
    %mul3A_3 = arith.constant 624 : i32
    %mul3A_4 = arith.muli %arg1, %mul3A_3 : i32
    "tpu.region"() ({
      %run_scoped3A = tpu.sem_alloc : memref<!tpu.dma_semaphore, #tpu.memory_space<semaphore_mem>>
      %dma_start3A_36 = arith.constant 0 : i32
      %dma_start3A_37 = tpu.memref_slice %arg13[%mul3A_4, %dma_start3A_36] : memref<10016x128xf32, #tpu.memory_space<vmem_shared>> -> memref<624x128xf32, #tpu.memory_space<vmem_shared>>
      %dma_start3A_38 = arith.constant 0 : i32
      %dma_start3A_39 = tpu.memref_slice %arg2[%mul3A_2, %dma_start3A_38] : memref<10000x128xf32, #tpu.memory_space<hbm>> -> memref<624x128xf32, #tpu.memory_space<hbm>>
      tpu.enqueue_dma source(%dma_start3A_39 : memref<624x128xf32, #tpu.memory_space<hbm>>) target(%dma_start3A_37 : memref<624x128xf32, #tpu.memory_space<vmem_shared>>) target_semaphore(%run_scoped3A : memref<!tpu.dma_semaphore, #tpu.memory_space<semaphore_mem>>)
      %dma_wait3A = arith.constant 0 : i32
      %dma_wait3A_40 = tpu.memref_slice %arg13[%mul3A_4, %dma_wait3A] : memref<10016x128xf32, #tpu.memory_space<vmem_shared>> -> memref<624x128xf32, #tpu.memory_space<vmem_shared>>
      %dma_wait3A_41 = arith.constant 0 : i32
      %dma_wait3A_42 = tpu.memref_slice %arg2[%mul3A_2, %dma_wait3A_41] : memref<10000x128xf32, #tpu.memory_space<hbm>> -> memref<624x128xf32, #tpu.memory_space<hbm>>
      tpu.wait_dma2 semaphore(%run_scoped3A : memref<!tpu.dma_semaphore, #tpu.memory_space<semaphore_mem>>) src(%dma_wait3A_42 : memref<624x128xf32, #tpu.memory_space<hbm>>) dst(%dma_wait3A_40 : memref<624x128xf32, #tpu.memory_space<vmem_shared>>)
      tpu.yield
    }) : () -> ()
    %eq3A = arith.constant 15 : i32
    %eq3A_5 = arith.cmpi eq, %arg1, %eq3A : i32
    %convert_element_type3A = arith.extui %eq3A_5 : i1 to i32
    %cond3A = arith.constant 0 : i32
    %cond3A_6 = arith.cmpi ne, %convert_element_type3A, %cond3A : i32
    scf.if %cond3A_6 {
      "tpu.region"() ({
        %run_scoped3A = tpu.sem_alloc : memref<!tpu.dma_semaphore, #tpu.memory_space<semaphore_mem>>
        %dma_start3A_36 = arith.constant 9984 : i32
        %dma_start3A_37 = arith.constant 0 : i32
        %dma_start3A_38 = tpu.memref_slice %arg13[%dma_start3A_36, %dma_start3A_37] : memref<10016x128xf32, #tpu.memory_space<vmem_shared>> -> memref<16x128xf32, #tpu.memory_space<vmem_shared>>
        %dma_start3A_39 = arith.constant 9984 : i32
        %dma_start3A_40 = arith.constant 0 : i32
        %dma_start3A_41 = tpu.memref_slice %arg2[%dma_start3A_39, %dma_start3A_40] : memref<10000x128xf32, #tpu.memory_space<hbm>> -> memref<16x128xf32, #tpu.memory_space<hbm>>
        tpu.enqueue_dma source(%dma_start3A_41 : memref<16x128xf32, #tpu.memory_space<hbm>>) target(%dma_start3A_38 : memref<16x128xf32, #tpu.memory_space<vmem_shared>>) target_semaphore(%run_scoped3A : memref<!tpu.dma_semaphore, #tpu.memory_space<semaphore_mem>>)
        %dma_wait3A = arith.constant 9984 : i32
        %dma_wait3A_42 = arith.constant 0 : i32
        %dma_wait3A_43 = tpu.memref_slice %arg13[%dma_wait3A, %dma_wait3A_42] : memref<10016x128xf32, #tpu.memory_space<vmem_shared>> -> memref<16x128xf32, #tpu.memory_space<vmem_shared>>
        %dma_wait3A_44 = arith.constant 9984 : i32
        %dma_wait3A_45 = arith.constant 0 : i32
        %dma_wait3A_46 = tpu.memref_slice %arg2[%dma_wait3A_44, %dma_wait3A_45] : memref<10000x128xf32, #tpu.memory_space<hbm>> -> memref<16x128xf32, #tpu.memory_space<hbm>>
        tpu.wait_dma2 semaphore(%run_scoped3A : memref<!tpu.dma_semaphore, #tpu.memory_space<semaphore_mem>>) src(%dma_wait3A_46 : memref<16x128xf32, #tpu.memory_space<hbm>>) dst(%dma_wait3A_43 : memref<16x128xf32, #tpu.memory_space<vmem_shared>>)
        tpu.yield
      }) : () -> ()
    } else {
    }
    %barrier3A = arith.constant 0 : index
    tpu.barrier barrier_id(%barrier3A)
    "tpu.region"() ({
      %run_scoped3A = tpu.sem_alloc : memref<!tpu.dma_semaphore, #tpu.memory_space<semaphore_mem>>
      %dma_start3A_36 = arith.constant 0 : i32
      %dma_start3A_37 = arith.constant 0 : i32
      %dma_start3A_38 = tpu.memref_slice %arg4[%add3A, %dma_start3A_36, %dma_start3A_37] : memref<32x80x128xi32, #tpu.memory_space<hbm>> -> memref<1x80x128xi32, #tpu.memory_space<hbm>>
      %dma_start3A_39 = tpu.memref_squeeze %dma_start3A_38 : memref<1x80x128xi32, #tpu.memory_space<hbm>> -> memref<80x128xi32, #tpu.memory_space<hbm>>
      %dma_start3A_40 = arith.constant 0 : i32
      %dma_start3A_41 = arith.constant 0 : i32
      %dma_start3A_42 = tpu.memref_slice %arg4[%add3A, %dma_start3A_40, %dma_start3A_41] : memref<32x80x128xi32, #tpu.memory_space<hbm>> -> memref<1x80x128xi32, #tpu.memory_space<hbm>>
      %dma_start3A_43 = tpu.memref_squeeze %dma_start3A_42 : memref<1x80x128xi32, #tpu.memory_space<hbm>> -> memref<80x128xi32, #tpu.memory_space<hbm>>
      tpu.enqueue_dma source(%dma_start3A_43 : memref<80x128xi32, #tpu.memory_space<hbm>>) target(%arg8 : memref<80x128xi32, #tpu.memory_space<vmem>>) target_semaphore(%run_scoped3A : memref<!tpu.dma_semaphore, #tpu.memory_space<semaphore_mem>>)
      %dma_wait3A = arith.constant 0 : i32
      %dma_wait3A_44 = arith.constant 0 : i32
      %dma_wait3A_45 = tpu.memref_slice %arg4[%add3A, %dma_wait3A, %dma_wait3A_44] : memref<32x80x128xi32, #tpu.memory_space<hbm>> -> memref<1x80x128xi32, #tpu.memory_space<hbm>>
      %dma_wait3A_46 = tpu.memref_squeeze %dma_wait3A_45 : memref<1x80x128xi32, #tpu.memory_space<hbm>> -> memref<80x128xi32, #tpu.memory_space<hbm>>
      %dma_wait3A_47 = arith.constant 0 : i32
      %dma_wait3A_48 = arith.constant 0 : i32
      %dma_wait3A_49 = tpu.memref_slice %arg4[%add3A, %dma_wait3A_47, %dma_wait3A_48] : memref<32x80x128xi32, #tpu.memory_space<hbm>> -> memref<1x80x128xi32, #tpu.memory_space<hbm>>
      %dma_wait3A_50 = tpu.memref_squeeze %dma_wait3A_49 : memref<1x80x128xi32, #tpu.memory_space<hbm>> -> memref<80x128xi32, #tpu.memory_space<hbm>>
      tpu.wait_dma2 semaphore(%run_scoped3A : memref<!tpu.dma_semaphore, #tpu.memory_space<semaphore_mem>>) src(%dma_wait3A_50 : memref<80x128xi32, #tpu.memory_space<hbm>>) dst(%arg8 : memref<80x128xi32, #tpu.memory_space<vmem>>)
      tpu.yield
    }) : () -> ()
    %dma_start3A = arith.constant 0 : i32
    %dma_start3A_7 = arith.constant 0 : i32
    %dma_start3A_8 = tpu.memref_slice %arg8[%dma_start3A, %dma_start3A_7] : memref<80x128xi32, #tpu.memory_space<vmem>> -> memref<1x128xi32, #tpu.memory_space<vmem>>
    %dma_start3A_9 = tpu.memref_squeeze %dma_start3A_8 : memref<1x128xi32, #tpu.memory_space<vmem>> -> memref<128xi32, #tpu.memory_space<vmem>>
    %dma_start3A_10 = arith.constant 0 : i32
    %dma_start3A_11 = arith.constant 0 : i32
    %dma_start3A_12 = tpu.memref_slice %arg3[%dma_start3A_10, %dma_start3A_11] : memref<10000x128xf32, #tpu.memory_space<hbm>> -> memref<10000x128xf32, #tpu.memory_space<hbm>>
    tpu.enqueue_indirect_dma source(%dma_start3A_12 : memref<10000x128xf32, #tpu.memory_space<hbm>>) target(%arg9 : memref<128x128xf32, #tpu.memory_space<vmem>>) offsets(%dma_start3A_9 : memref<128xi32, #tpu.memory_space<vmem>>) semaphore(%arg14 : memref<!tpu.dma_semaphore, #tpu.memory_space<semaphore_mem>>)
    %dma_start3A_13 = arith.constant 0 : i32
    %dma_start3A_14 = arith.constant 0 : i32
    %dma_start3A_15 = tpu.memref_slice %arg5[%add3A, %dma_start3A_13, %dma_start3A_14] : memref<32x80x128xi32, #tpu.memory_space<hbm>> -> memref<1x1x128xi32, #tpu.memory_space<hbm>>
    %dma_start3A_16 = tpu.memref_squeeze %dma_start3A_15 : memref<1x1x128xi32, #tpu.memory_space<hbm>> -> memref<128xi32, #tpu.memory_space<hbm>>
    %dma_start3A_17 = arith.constant 0 : i32
    %dma_start3A_18 = tpu.memref_slice %arg5[%add3A, %dma_start3A_13, %dma_start3A_17] : memref<32x80x128xi32, #tpu.memory_space<hbm>> -> memref<1x1x128xi32, #tpu.memory_space<hbm>>
    %dma_start3A_19 = tpu.memref_squeeze %dma_start3A_18 : memref<1x1x128xi32, #tpu.memory_space<hbm>> -> memref<128xi32, #tpu.memory_space<hbm>>
    tpu.enqueue_dma source(%dma_start3A_19 : memref<128xi32, #tpu.memory_space<hbm>>) target(%arg11 : memref<128xi32, #tpu.memory_space<vmem>>) target_semaphore(%arg16 : memref<!tpu.dma_semaphore, #tpu.memory_space<semaphore_mem>>)
    %scan3A = arith.constant 0 : i32
    %scan3A_20 = arith.constant 0 : i32
    %scan3A_21 = arith.constant 40 : i32
    %scan3A_22 = arith.addi %scan3A_20, %scan3A_21 : i32
    %scan3A_23 = arith.constant 1 : i32
    scf.for %scan3A_36 = %scan3A_20 to %scan3A_22 step %scan3A_23  : i32 {
      %mul3A_37 = arith.constant 2 : i32
      %mul3A_38 = arith.muli %mul3A_37, %scan3A_36 : i32
      %add3A_39 = arith.constant 1 : i32
      %add3A_40 = arith.addi %mul3A_38, %add3A_39 : i32
      %dma_start3A_41 = arith.constant 0 : i32
      %dma_start3A_42 = tpu.memref_slice %arg8[%add3A_40, %dma_start3A_41] : memref<80x128xi32, #tpu.memory_space<vmem>> -> memref<1x128xi32, #tpu.memory_space<vmem>>
      %dma_start3A_43 = tpu.memref_squeeze %dma_start3A_42 : memref<1x128xi32, #tpu.memory_space<vmem>> -> memref<128xi32, #tpu.memory_space<vmem>>
      %dma_start3A_44 = arith.constant 0 : i32
      %dma_start3A_45 = arith.constant 0 : i32
      %dma_start3A_46 = tpu.memref_slice %arg3[%dma_start3A_44, %dma_start3A_45] : memref<10000x128xf32, #tpu.memory_space<hbm>> -> memref<10000x128xf32, #tpu.memory_space<hbm>>
      tpu.enqueue_indirect_dma source(%dma_start3A_46 : memref<10000x128xf32, #tpu.memory_space<hbm>>) target(%arg10 : memref<128x128xf32, #tpu.memory_space<vmem>>) offsets(%dma_start3A_43 : memref<128xi32, #tpu.memory_space<vmem>>) semaphore(%arg15 : memref<!tpu.dma_semaphore, #tpu.memory_space<semaphore_mem>>)
      %add3A_47 = arith.constant 1 : i32
      %add3A_48 = arith.addi %mul3A_38, %add3A_47 : i32
      %dma_start3A_49 = arith.constant 0 : i32
      %dma_start3A_50 = tpu.memref_slice %arg5[%add3A, %add3A_48, %dma_start3A_49] : memref<32x80x128xi32, #tpu.memory_space<hbm>> -> memref<1x1x128xi32, #tpu.memory_space<hbm>>
      %dma_start3A_51 = tpu.memref_squeeze %dma_start3A_50 : memref<1x1x128xi32, #tpu.memory_space<hbm>> -> memref<128xi32, #tpu.memory_space<hbm>>
      %dma_start3A_52 = arith.constant 0 : i32
      %dma_start3A_53 = tpu.memref_slice %arg5[%add3A, %add3A_48, %dma_start3A_52] : memref<32x80x128xi32, #tpu.memory_space<hbm>> -> memref<1x1x128xi32, #tpu.memory_space<hbm>>
      %dma_start3A_54 = tpu.memref_squeeze %dma_start3A_53 : memref<1x1x128xi32, #tpu.memory_space<hbm>> -> memref<128xi32, #tpu.memory_space<hbm>>
      tpu.enqueue_dma source(%dma_start3A_54 : memref<128xi32, #tpu.memory_space<hbm>>) target(%arg12 : memref<128xi32, #tpu.memory_space<vmem>>) target_semaphore(%arg17 : memref<!tpu.dma_semaphore, #tpu.memory_space<semaphore_mem>>)
      %dma_wait3A = arith.constant 0 : i32
      %dma_wait3A_55 = tpu.memref_slice %arg8[%mul3A_38, %dma_wait3A] : memref<80x128xi32, #tpu.memory_space<vmem>> -> memref<1x128xi32, #tpu.memory_space<vmem>>
      %dma_wait3A_56 = tpu.memref_squeeze %dma_wait3A_55 : memref<1x128xi32, #tpu.memory_space<vmem>> -> memref<128xi32, #tpu.memory_space<vmem>>
      %dma_wait3A_57 = arith.constant 0 : i32
      %dma_wait3A_58 = arith.constant 0 : i32
      %dma_wait3A_59 = tpu.memref_slice %arg3[%dma_wait3A_57, %dma_wait3A_58] : memref<10000x128xf32, #tpu.memory_space<hbm>> -> memref<10000x128xf32, #tpu.memory_space<hbm>>
      tpu.wait_indirect_dma semaphore(%arg14 : memref<!tpu.dma_semaphore, #tpu.memory_space<semaphore_mem>>) src(%dma_wait3A_59 : memref<10000x128xf32, #tpu.memory_space<hbm>>) dst(%arg9 : memref<128x128xf32, #tpu.memory_space<vmem>>)
      %dma_wait3A_60 = arith.constant 0 : i32
      %dma_wait3A_61 = tpu.memref_slice %arg5[%add3A, %mul3A_38, %dma_wait3A_60] : memref<32x80x128xi32, #tpu.memory_space<hbm>> -> memref<1x1x128xi32, #tpu.memory_space<hbm>>
      %dma_wait3A_62 = tpu.memref_squeeze %dma_wait3A_61 : memref<1x1x128xi32, #tpu.memory_space<hbm>> -> memref<128xi32, #tpu.memory_space<hbm>>
      %dma_wait3A_63 = arith.constant 0 : i32
      %dma_wait3A_64 = tpu.memref_slice %arg5[%add3A, %mul3A_38, %dma_wait3A_63] : memref<32x80x128xi32, #tpu.memory_space<hbm>> -> memref<1x1x128xi32, #tpu.memory_space<hbm>>
      %dma_wait3A_65 = tpu.memref_squeeze %dma_wait3A_64 : memref<1x1x128xi32, #tpu.memory_space<hbm>> -> memref<128xi32, #tpu.memory_space<hbm>>
      tpu.wait_dma2 semaphore(%arg16 : memref<!tpu.dma_semaphore, #tpu.memory_space<semaphore_mem>>) src(%dma_wait3A_65 : memref<128xi32, #tpu.memory_space<hbm>>) dst(%arg11 : memref<128xi32, #tpu.memory_space<vmem>>)
      "tpu.region"() ({
        %run_scoped3A = tpu.sem_alloc : memref<!tpu.dma_semaphore, #tpu.memory_space<semaphore_mem>>
        %dma_start3A_88 = arith.constant 0 : i32
        %dma_start3A_89 = arith.constant 0 : i32
        %dma_start3A_90 = tpu.memref_slice %arg13[%dma_start3A_88, %dma_start3A_89] : memref<10016x128xf32, #tpu.memory_space<vmem_shared>> -> memref<10016x128xf32, #tpu.memory_space<vmem_shared>>
        tpu.enqueue_indirect_dma source(%arg9 : memref<128x128xf32, #tpu.memory_space<vmem>>) target(%dma_start3A_90 : memref<10016x128xf32, #tpu.memory_space<vmem_shared>>) offsets(%arg11 : memref<128xi32, #tpu.memory_space<vmem>>) semaphore(%run_scoped3A : memref<!tpu.dma_semaphore, #tpu.memory_space<semaphore_mem>>) {add = true}
        %dma_wait3A_91 = arith.constant 0 : i32
        %dma_wait3A_92 = arith.constant 0 : i32
        %dma_wait3A_93 = tpu.memref_slice %arg13[%dma_wait3A_91, %dma_wait3A_92] : memref<10016x128xf32, #tpu.memory_space<vmem_shared>> -> memref<10016x128xf32, #tpu.memory_space<vmem_shared>>
        tpu.wait_indirect_dma semaphore(%run_scoped3A : memref<!tpu.dma_semaphore, #tpu.memory_space<semaphore_mem>>) src(%arg9 : memref<128x128xf32, #tpu.memory_space<vmem>>) dst(%dma_wait3A_93 : memref<10016x128xf32, #tpu.memory_space<vmem_shared>>)
        tpu.yield
      }) : () -> ()
      %add3A_66 = arith.constant 2 : i32
      %add3A_67 = arith.addi %mul3A_38, %add3A_66 : i32
      %lt3A = arith.constant 80 : i32
      %lt3A_68 = arith.cmpi slt, %add3A_67, %lt3A : i32
      %convert_element_type3A_69 = arith.extui %lt3A_68 : i1 to i32
      %cond3A_70 = arith.constant 0 : i32
      %cond3A_71 = arith.cmpi ne, %convert_element_type3A_69, %cond3A_70 : i32
      scf.if %cond3A_71 {
        %add3A_88 = arith.constant 2 : i32
        %add3A_89 = arith.addi %mul3A_38, %add3A_88 : i32
        %dma_start3A_90 = arith.constant 0 : i32
        %dma_start3A_91 = tpu.memref_slice %arg8[%add3A_89, %dma_start3A_90] : memref<80x128xi32, #tpu.memory_space<vmem>> -> memref<1x128xi32, #tpu.memory_space<vmem>>
        %dma_start3A_92 = tpu.memref_squeeze %dma_start3A_91 : memref<1x128xi32, #tpu.memory_space<vmem>> -> memref<128xi32, #tpu.memory_space<vmem>>
        %dma_start3A_93 = arith.constant 0 : i32
        %dma_start3A_94 = arith.constant 0 : i32
        %dma_start3A_95 = tpu.memref_slice %arg3[%dma_start3A_93, %dma_start3A_94] : memref<10000x128xf32, #tpu.memory_space<hbm>> -> memref<10000x128xf32, #tpu.memory_space<hbm>>
        tpu.enqueue_indirect_dma source(%dma_start3A_95 : memref<10000x128xf32, #tpu.memory_space<hbm>>) target(%arg9 : memref<128x128xf32, #tpu.memory_space<vmem>>) offsets(%dma_start3A_92 : memref<128xi32, #tpu.memory_space<vmem>>) semaphore(%arg14 : memref<!tpu.dma_semaphore, #tpu.memory_space<semaphore_mem>>)
        %add3A_96 = arith.constant 2 : i32
        %add3A_97 = arith.addi %mul3A_38, %add3A_96 : i32
        %dma_start3A_98 = arith.constant 0 : i32
        %dma_start3A_99 = tpu.memref_slice %arg5[%add3A, %add3A_97, %dma_start3A_98] : memref<32x80x128xi32, #tpu.memory_space<hbm>> -> memref<1x1x128xi32, #tpu.memory_space<hbm>>
        %dma_start3A_100 = tpu.memref_squeeze %dma_start3A_99 : memref<1x1x128xi32, #tpu.memory_space<hbm>> -> memref<128xi32, #tpu.memory_space<hbm>>
        %dma_start3A_101 = arith.constant 0 : i32
        %dma_start3A_102 = tpu.memref_slice %arg5[%add3A, %add3A_97, %dma_start3A_101] : memref<32x80x128xi32, #tpu.memory_space<hbm>> -> memref<1x1x128xi32, #tpu.memory_space<hbm>>
        %dma_start3A_103 = tpu.memref_squeeze %dma_start3A_102 : memref<1x1x128xi32, #tpu.memory_space<hbm>> -> memref<128xi32, #tpu.memory_space<hbm>>
        tpu.enqueue_dma source(%dma_start3A_103 : memref<128xi32, #tpu.memory_space<hbm>>) target(%arg11 : memref<128xi32, #tpu.memory_space<vmem>>) target_semaphore(%arg16 : memref<!tpu.dma_semaphore, #tpu.memory_space<semaphore_mem>>)
      } else {
      }
      %add3A_72 = arith.constant 1 : i32
      %add3A_73 = arith.addi %mul3A_38, %add3A_72 : i32
      %dma_wait3A_74 = arith.constant 0 : i32
      %dma_wait3A_75 = tpu.memref_slice %arg8[%add3A_73, %dma_wait3A_74] : memref<80x128xi32, #tpu.memory_space<vmem>> -> memref<1x128xi32, #tpu.memory_space<vmem>>
      %dma_wait3A_76 = tpu.memref_squeeze %dma_wait3A_75 : memref<1x128xi32, #tpu.memory_space<vmem>> -> memref<128xi32, #tpu.memory_space<vmem>>
      %dma_wait3A_77 = arith.constant 0 : i32
      %dma_wait3A_78 = arith.constant 0 : i32
      %dma_wait3A_79 = tpu.memref_slice %arg3[%dma_wait3A_77, %dma_wait3A_78] : memref<10000x128xf32, #tpu.memory_space<hbm>> -> memref<10000x128xf32, #tpu.memory_space<hbm>>
      tpu.wait_indirect_dma semaphore(%arg15 : memref<!tpu.dma_semaphore, #tpu.memory_space<semaphore_mem>>) src(%dma_wait3A_79 : memref<10000x128xf32, #tpu.memory_space<hbm>>) dst(%arg10 : memref<128x128xf32, #tpu.memory_space<vmem>>)
      %add3A_80 = arith.constant 1 : i32
      %add3A_81 = arith.addi %mul3A_38, %add3A_80 : i32
      %dma_wait3A_82 = arith.constant 0 : i32
      %dma_wait3A_83 = tpu.memref_slice %arg5[%add3A, %add3A_81, %dma_wait3A_82] : memref<32x80x128xi32, #tpu.memory_space<hbm>> -> memref<1x1x128xi32, #tpu.memory_space<hbm>>
      %dma_wait3A_84 = tpu.memref_squeeze %dma_wait3A_83 : memref<1x1x128xi32, #tpu.memory_space<hbm>> -> memref<128xi32, #tpu.memory_space<hbm>>
      %dma_wait3A_85 = arith.constant 0 : i32
      %dma_wait3A_86 = tpu.memref_slice %arg5[%add3A, %add3A_81, %dma_wait3A_85] : memref<32x80x128xi32, #tpu.memory_space<hbm>> -> memref<1x1x128xi32, #tpu.memory_space<hbm>>
      %dma_wait3A_87 = tpu.memref_squeeze %dma_wait3A_86 : memref<1x1x128xi32, #tpu.memory_space<hbm>> -> memref<128xi32, #tpu.memory_space<hbm>>
      tpu.wait_dma2 semaphore(%arg17 : memref<!tpu.dma_semaphore, #tpu.memory_space<semaphore_mem>>) src(%dma_wait3A_87 : memref<128xi32, #tpu.memory_space<hbm>>) dst(%arg12 : memref<128xi32, #tpu.memory_space<vmem>>)
      "tpu.region"() ({
        %run_scoped3A = tpu.sem_alloc : memref<!tpu.dma_semaphore, #tpu.memory_space<semaphore_mem>>
        %dma_start3A_88 = arith.constant 0 : i32
        %dma_start3A_89 = arith.constant 0 : i32
        %dma_start3A_90 = tpu.memref_slice %arg13[%dma_start3A_88, %dma_start3A_89] : memref<10016x128xf32, #tpu.memory_space<vmem_shared>> -> memref<10016x128xf32, #tpu.memory_space<vmem_shared>>
        tpu.enqueue_indirect_dma source(%arg10 : memref<128x128xf32, #tpu.memory_space<vmem>>) target(%dma_start3A_90 : memref<10016x128xf32, #tpu.memory_space<vmem_shared>>) offsets(%arg12 : memref<128xi32, #tpu.memory_space<vmem>>) semaphore(%run_scoped3A : memref<!tpu.dma_semaphore, #tpu.memory_space<semaphore_mem>>) {add = true}
        %dma_wait3A_91 = arith.constant 0 : i32
        %dma_wait3A_92 = arith.constant 0 : i32
        %dma_wait3A_93 = tpu.memref_slice %arg13[%dma_wait3A_91, %dma_wait3A_92] : memref<10016x128xf32, #tpu.memory_space<vmem_shared>> -> memref<10016x128xf32, #tpu.memory_space<vmem_shared>>
        tpu.wait_indirect_dma semaphore(%run_scoped3A : memref<!tpu.dma_semaphore, #tpu.memory_space<semaphore_mem>>) src(%arg10 : memref<128x128xf32, #tpu.memory_space<vmem>>) dst(%dma_wait3A_93 : memref<10016x128xf32, #tpu.memory_space<vmem_shared>>)
        tpu.yield
      }) : () -> ()
    }
    %scan3A_24 = arith.constant 40 : i32
    %barrier3A_25 = arith.constant 0 : index
    tpu.barrier barrier_id(%barrier3A_25)
    %eq3A_26 = arith.constant 0 : i32
    %eq3A_27 = arith.cmpi eq, %arg0, %eq3A_26 : i32
    %convert_element_type3A_28 = arith.extui %eq3A_27 : i1 to i32
    %cond3A_29 = arith.constant 0 : i32
    %cond3A_30 = arith.cmpi ne, %convert_element_type3A_28, %cond3A_29 : i32
    scf.if %cond3A_30 {
      %mul3A_36 = arith.constant 624 : i32
      %mul3A_37 = arith.muli %arg1, %mul3A_36 : i32
      %mul3A_38 = arith.constant 624 : i32
      %mul3A_39 = arith.muli %arg1, %mul3A_38 : i32
      "tpu.region"() ({
        %run_scoped3A = tpu.sem_alloc : memref<!tpu.dma_semaphore, #tpu.memory_space<semaphore_mem>>
        %dma_start3A_45 = arith.constant 0 : i32
        %dma_start3A_46 = tpu.memref_slice %arg6[%mul3A_39, %dma_start3A_45] : memref<10000x128xf32, #tpu.memory_space<hbm>> -> memref<624x128xf32, #tpu.memory_space<hbm>>
        %dma_start3A_47 = arith.constant 0 : i32
        %dma_start3A_48 = tpu.memref_slice %arg13[%mul3A_37, %dma_start3A_47] : memref<10016x128xf32, #tpu.memory_space<vmem_shared>> -> memref<624x128xf32, #tpu.memory_space<vmem_shared>>
        tpu.enqueue_dma source(%dma_start3A_48 : memref<624x128xf32, #tpu.memory_space<vmem_shared>>) target(%dma_start3A_46 : memref<624x128xf32, #tpu.memory_space<hbm>>) target_semaphore(%run_scoped3A : memref<!tpu.dma_semaphore, #tpu.memory_space<semaphore_mem>>)
        %dma_wait3A = arith.constant 0 : i32
        %dma_wait3A_49 = tpu.memref_slice %arg6[%mul3A_39, %dma_wait3A] : memref<10000x128xf32, #tpu.memory_space<hbm>> -> memref<624x128xf32, #tpu.memory_space<hbm>>
        %dma_wait3A_50 = arith.constant 0 : i32
        %dma_wait3A_51 = tpu.memref_slice %arg13[%mul3A_37, %dma_wait3A_50] : memref<10016x128xf32, #tpu.memory_space<vmem_shared>> -> memref<624x128xf32, #tpu.memory_space<vmem_shared>>
        tpu.wait_dma2 semaphore(%run_scoped3A : memref<!tpu.dma_semaphore, #tpu.memory_space<semaphore_mem>>) src(%dma_wait3A_51 : memref<624x128xf32, #tpu.memory_space<vmem_shared>>) dst(%dma_wait3A_49 : memref<624x128xf32, #tpu.memory_space<hbm>>)
        tpu.yield
      }) : () -> ()
      %eq3A_40 = arith.constant 15 : i32
      %eq3A_41 = arith.cmpi eq, %arg1, %eq3A_40 : i32
      %convert_element_type3A_42 = arith.extui %eq3A_41 : i1 to i32
      %cond3A_43 = arith.constant 0 : i32
      %cond3A_44 = arith.cmpi ne, %convert_element_type3A_42, %cond3A_43 : i32
      scf.if %cond3A_44 {
        "tpu.region"() ({
          %run_scoped3A = tpu.sem_alloc : memref<!tpu.dma_semaphore, #tpu.memory_space<semaphore_mem>>
          %dma_start3A_45 = arith.constant 9984 : i32
          %dma_start3A_46 = arith.constant 0 : i32
          %dma_start3A_47 = tpu.memref_slice %arg6[%dma_start3A_45, %dma_start3A_46] : memref<10000x128xf32, #tpu.memory_space<hbm>> -> memref<16x128xf32, #tpu.memory_space<hbm>>
          %dma_start3A_48 = arith.constant 9984 : i32
          %dma_start3A_49 = arith.constant 0 : i32
          %dma_start3A_50 = tpu.memref_slice %arg13[%dma_start3A_48, %dma_start3A_49] : memref<10016x128xf32, #tpu.memory_space<vmem_shared>> -> memref<16x128xf32, #tpu.memory_space<vmem_shared>>
          tpu.enqueue_dma source(%dma_start3A_50 : memref<16x128xf32, #tpu.memory_space<vmem_shared>>) target(%dma_start3A_47 : memref<16x128xf32, #tpu.memory_space<hbm>>) target_semaphore(%run_scoped3A : memref<!tpu.dma_semaphore, #tpu.memory_space<semaphore_mem>>)
          %dma_wait3A = arith.constant 9984 : i32
          %dma_wait3A_51 = arith.constant 0 : i32
          %dma_wait3A_52 = tpu.memref_slice %arg6[%dma_wait3A, %dma_wait3A_51] : memref<10000x128xf32, #tpu.memory_space<hbm>> -> memref<16x128xf32, #tpu.memory_space<hbm>>
          %dma_wait3A_53 = arith.constant 9984 : i32
          %dma_wait3A_54 = arith.constant 0 : i32
          %dma_wait3A_55 = tpu.memref_slice %arg13[%dma_wait3A_53, %dma_wait3A_54] : memref<10016x128xf32, #tpu.memory_space<vmem_shared>> -> memref<16x128xf32, #tpu.memory_space<vmem_shared>>
          tpu.wait_dma2 semaphore(%run_scoped3A : memref<!tpu.dma_semaphore, #tpu.memory_space<semaphore_mem>>) src(%dma_wait3A_55 : memref<16x128xf32, #tpu.memory_space<vmem_shared>>) dst(%dma_wait3A_52 : memref<16x128xf32, #tpu.memory_space<hbm>>)
          tpu.yield
        }) : () -> ()
      } else {
      }
    } else {
    }
    %eq3A_31 = arith.constant 1 : i32
    %eq3A_32 = arith.cmpi eq, %arg0, %eq3A_31 : i32
    %convert_element_type3A_33 = arith.extui %eq3A_32 : i1 to i32
    %cond3A_34 = arith.constant 0 : i32
    %cond3A_35 = arith.cmpi ne, %convert_element_type3A_33, %cond3A_34 : i32
    scf.if %cond3A_35 {
      %mul3A_36 = arith.constant 624 : i32
      %mul3A_37 = arith.muli %arg1, %mul3A_36 : i32
      %mul3A_38 = arith.constant 624 : i32
      %mul3A_39 = arith.muli %arg1, %mul3A_38 : i32
      "tpu.region"() ({
        %run_scoped3A = tpu.sem_alloc : memref<!tpu.dma_semaphore, #tpu.memory_space<semaphore_mem>>
        %dma_start3A_45 = arith.constant 0 : i32
        %dma_start3A_46 = tpu.memref_slice %arg7[%mul3A_39, %dma_start3A_45] : memref<10000x128xf32, #tpu.memory_space<hbm>> -> memref<624x128xf32, #tpu.memory_space<hbm>>
        %dma_start3A_47 = arith.constant 0 : i32
        %dma_start3A_48 = tpu.memref_slice %arg13[%mul3A_37, %dma_start3A_47] : memref<10016x128xf32, #tpu.memory_space<vmem_shared>> -> memref<624x128xf32, #tpu.memory_space<vmem_shared>>
        tpu.enqueue_dma source(%dma_start3A_48 : memref<624x128xf32, #tpu.memory_space<vmem_shared>>) target(%dma_start3A_46 : memref<624x128xf32, #tpu.memory_space<hbm>>) target_semaphore(%run_scoped3A : memref<!tpu.dma_semaphore, #tpu.memory_space<semaphore_mem>>)
        %dma_wait3A = arith.constant 0 : i32
        %dma_wait3A_49 = tpu.memref_slice %arg7[%mul3A_39, %dma_wait3A] : memref<10000x128xf32, #tpu.memory_space<hbm>> -> memref<624x128xf32, #tpu.memory_space<hbm>>
        %dma_wait3A_50 = arith.constant 0 : i32
        %dma_wait3A_51 = tpu.memref_slice %arg13[%mul3A_37, %dma_wait3A_50] : memref<10016x128xf32, #tpu.memory_space<vmem_shared>> -> memref<624x128xf32, #tpu.memory_space<vmem_shared>>
        tpu.wait_dma2 semaphore(%run_scoped3A : memref<!tpu.dma_semaphore, #tpu.memory_space<semaphore_mem>>) src(%dma_wait3A_51 : memref<624x128xf32, #tpu.memory_space<vmem_shared>>) dst(%dma_wait3A_49 : memref<624x128xf32, #tpu.memory_space<hbm>>)
        tpu.yield
      }) : () -> ()
      %eq3A_40 = arith.constant 15 : i32
      %eq3A_41 = arith.cmpi eq, %arg1, %eq3A_40 : i32
      %convert_element_type3A_42 = arith.extui %eq3A_41 : i1 to i32
      %cond3A_43 = arith.constant 0 : i32
      %cond3A_44 = arith.cmpi ne, %convert_element_type3A_42, %cond3A_43 : i32
      scf.if %cond3A_44 {
        "tpu.region"() ({
          %run_scoped3A = tpu.sem_alloc : memref<!tpu.dma_semaphore, #tpu.memory_space<semaphore_mem>>
          %dma_start3A_45 = arith.constant 9984 : i32
          %dma_start3A_46 = arith.constant 0 : i32
          %dma_start3A_47 = tpu.memref_slice %arg7[%dma_start3A_45, %dma_start3A_46] : memref<10000x128xf32, #tpu.memory_space<hbm>> -> memref<16x128xf32, #tpu.memory_space<hbm>>
          %dma_start3A_48 = arith.constant 9984 : i32
          %dma_start3A_49 = arith.constant 0 : i32
          %dma_start3A_50 = tpu.memref_slice %arg13[%dma_start3A_48, %dma_start3A_49] : memref<10016x128xf32, #tpu.memory_space<vmem_shared>> -> memref<16x128xf32, #tpu.memory_space<vmem_shared>>
          tpu.enqueue_dma source(%dma_start3A_50 : memref<16x128xf32, #tpu.memory_space<vmem_shared>>) target(%dma_start3A_47 : memref<16x128xf32, #tpu.memory_space<hbm>>) target_semaphore(%run_scoped3A : memref<!tpu.dma_semaphore, #tpu.memory_space<semaphore_mem>>)
          %dma_wait3A = arith.constant 9984 : i32
          %dma_wait3A_51 = arith.constant 0 : i32
          %dma_wait3A_52 = tpu.memref_slice %arg7[%dma_wait3A, %dma_wait3A_51] : memref<10000x128xf32, #tpu.memory_space<hbm>> -> memref<16x128xf32, #tpu.memory_space<hbm>>
          %dma_wait3A_53 = arith.constant 9984 : i32
          %dma_wait3A_54 = arith.constant 0 : i32
          %dma_wait3A_55 = tpu.memref_slice %arg13[%dma_wait3A_53, %dma_wait3A_54] : memref<10016x128xf32, #tpu.memory_space<vmem_shared>> -> memref<16x128xf32, #tpu.memory_space<vmem_shared>>
          tpu.wait_dma2 semaphore(%run_scoped3A : memref<!tpu.dma_semaphore, #tpu.memory_space<semaphore_mem>>) src(%dma_wait3A_55 : memref<16x128xf32, #tpu.memory_space<vmem_shared>>) dst(%dma_wait3A_52 : memref<16x128xf32, #tpu.memory_space<hbm>>)
          tpu.yield
        }) : () -> ()
      } else {
      }
    } else {
    }
    return
  }
}

module attributes {stable_mosaic.version = 14 : i64} {
  func.func @_h0_body(%arg0: i32, %arg1: memref<1000x1xi32, #tpu.memory_space<vmem>>, %arg2: memref<1000x1xi32, #tpu.memory_space<vmem>>, %arg3: memref<128x128xf32, #tpu.memory_space<vmem>>, %arg4: memref<1000x128xf32, #tpu.memory_space<vmem>>) attributes {dimension_semantics = [#tpu.dimension_semantics<arbitrary>], iteration_bounds = array<i64: 10>, scalar_prefetch = 0 : i64, scratch_operands = 0 : i64, tpu.core_type = #tpu.core_type<tc>, window_params = [{transform_indices = @transform_0, window_bounds = array<i64: 1000, 1>}, {transform_indices = @transform_1, window_bounds = array<i64: 1000, 1>}, {pipeline_mode = #tpu.pipeline_mode<synchronous>, transform_indices = @transform_2, window_bounds = array<i64: 128, 128>}, {transform_indices = @transform_3, window_bounds = array<i64: 1000, 128>}]} {
    %iota3A = tpu.iota {dimensions = array<i32: 1>} : vector<1000x128xi32>
    %get3A = arith.constant 0 : index
    %get3A_0 = arith.constant 0 : index
    %get3A_1 = vector.load %arg1[%get3A, %get3A_0] : memref<1000x1xi32, #tpu.memory_space<vmem>>, vector<1000x1xi32>
    %eq3A = vector.broadcast %get3A_1 : vector<1000x1xi32> to vector<1000x128xi32>
    %eq3A_2 = arith.cmpi eq, %eq3A, %iota3A : vector<1000x128xi32>
    %convert_element_type3A = arith.extui %eq3A_2 : vector<1000x128xi1> to vector<1000x128xi32>
    %convert_element_type3A_3 = arith.sitofp %convert_element_type3A : vector<1000x128xi32> to vector<1000x128xf32>
    %get3A_4 = arith.constant 0 : index
    %get3A_5 = arith.constant 0 : index
    %get3A_6 = vector.load %arg2[%get3A_4, %get3A_5] : memref<1000x1xi32, #tpu.memory_space<vmem>>, vector<1000x1xi32>
    %eq3A_7 = vector.broadcast %get3A_6 : vector<1000x1xi32> to vector<1000x128xi32>
    %eq3A_8 = arith.cmpi eq, %eq3A_7, %iota3A : vector<1000x128xi32>
    %convert_element_type3A_9 = arith.extui %eq3A_8 : vector<1000x128xi1> to vector<1000x128xi32>
    %convert_element_type3A_10 = arith.sitofp %convert_element_type3A_9 : vector<1000x128xi32> to vector<1000x128xf32>
    %add3A = arith.addf %convert_element_type3A_3, %convert_element_type3A_10 : vector<1000x128xf32>
    %get3A_11 = arith.constant 0 : index
    %get3A_12 = arith.constant 0 : index
    %get3A_13 = vector.load %arg3[%get3A_11, %get3A_12] : memref<128x128xf32, #tpu.memory_space<vmem>>, vector<128x128xf32>
    %dot_general3A = arith.constant dense<0.000000e+00> : vector<1000x128xf32>
    %dot_general3A_14 = tpu.matmul %add3A, %get3A_13, %dot_general3A {dimension_numbers = #tpu.dot_dimension_numbers<[1], [0], [0], [1], [0, 0, 1, 1], [], []>, precision = #tpu.contract_precision<fp32>, transpose_lhs_hint = false} : vector<1000x128xf32>, vector<128x128xf32>, vector<1000x128xf32> -> vector<1000x128xf32>
    %swap3A = arith.constant 0 : index
    %swap3A_15 = arith.constant 0 : index
    %swap3A_16 = vector.load %arg4[%swap3A, %swap3A_15] : memref<1000x128xf32, #tpu.memory_space<vmem>>, vector<1000x128xf32>
    tpu.vector_store %arg4[%swap3A, %swap3A_15], %dot_general3A_14 {strides = array<i32>} : memref<1000x128xf32, #tpu.memory_space<vmem>>, vector<1000x128xf32>,
    return
  }
  func.func @transform_0(%arg0: i32) -> (i32, i32) {
    %c0_i32 = arith.constant 0 : i32
    %c0_i32_0 = arith.constant 0 : i32
    return %arg0, %c0_i32 : i32, i32
  }
  func.func @transform_1(%arg0: i32) -> (i32, i32) {
    %c0_i32 = arith.constant 0 : i32
    %c0_i32_0 = arith.constant 0 : i32
    return %arg0, %c0_i32 : i32, i32
  }
  func.func @transform_2(%arg0: i32) -> (i32, i32) {
    %c0_i32 = arith.constant 0 : i32
    %c0_i32_0 = arith.constant 0 : i32
    %c0_i32_1 = arith.constant 0 : i32
    return %c0_i32, %c0_i32_0 : i32, i32
  }
  func.func @transform_3(%arg0: i32) -> (i32, i32) {
    %c0_i32 = arith.constant 0 : i32
    %c0_i32_0 = arith.constant 0 : i32
    return %arg0, %c0_i32 : i32, i32
  }
}

module attributes {stable_mosaic.version = 14 : i64} {
  func.func @_c1_body(%arg0: i32, %arg1: memref<1000x128xf32, #tpu.memory_space<vmem>>, %arg2: memref<1000x128xf32, #tpu.memory_space<vmem>>, %arg3: memref<1000x128xf32, #tpu.memory_space<vmem>>, %arg4: memref<1000x128xf32, #tpu.memory_space<vmem>>, %arg5: memref<1000x128xf32, #tpu.memory_space<vmem>>, %arg6: memref<128x128xf32, #tpu.memory_space<vmem>>, %arg7: memref<1x128xf32, #tpu.memory_space<vmem>>, %arg8: memref<128x256xf32, #tpu.memory_space<vmem>>, %arg9: memref<1x256xf32, #tpu.memory_space<vmem>>, %arg10: memref<256x128xf32, #tpu.memory_space<vmem>>, %arg11: memref<1x128xf32, #tpu.memory_space<vmem>>, %arg12: memref<1000x128xf32, #tpu.memory_space<vmem>>, %arg13: memref<2x128xf32, #tpu.memory_space<vmem>>) attributes {dimension_semantics = [#tpu.dimension_semantics<arbitrary>], iteration_bounds = array<i64: 10>, scalar_prefetch = 0 : i64, scratch_operands = 0 : i64, tpu.core_type = #tpu.core_type<tc>, window_params = [{transform_indices = @transform_0, window_bounds = array<i64: 1000, 128>}, {transform_indices = @transform_1, window_bounds = array<i64: 1000, 128>}, {transform_indices = @transform_2, window_bounds = array<i64: 1000, 128>}, {transform_indices = @transform_3, window_bounds = array<i64: 1000, 128>}, {transform_indices = @transform_4, window_bounds = array<i64: 1000, 128>}, {pipeline_mode = #tpu.pipeline_mode<synchronous>, transform_indices = @transform_5, window_bounds = array<i64: 128, 128>}, {pipeline_mode = #tpu.pipeline_mode<synchronous>, transform_indices = @transform_6, window_bounds = array<i64: 1, 128>}, {pipeline_mode = #tpu.pipeline_mode<synchronous>, transform_indices = @transform_7, window_bounds = array<i64: 128, 256>}, {pipeline_mode = #tpu.pipeline_mode<synchronous>, transform_indices = @transform_8, window_bounds = array<i64: 1, 256>}, {pipeline_mode = #tpu.pipeline_mode<synchronous>, transform_indices = @transform_9, window_bounds = array<i64: 256, 128>}, {pipeline_mode = #tpu.pipeline_mode<synchronous>, transform_indices = @transform_10, window_bounds = array<i64: 1, 128>}, {transform_indices = @transform_11, window_bounds = array<i64: 1000, 128>}, {pipeline_mode = #tpu.pipeline_mode<synchronous>, transform_indices = @transform_12, window_bounds = array<i64: 2, 128>}]} {
    %get3A = arith.constant 0 : index
    %get3A_0 = arith.constant 0 : index
    %get3A_1 = vector.load %arg4[%get3A, %get3A_0] : memref<1000x128xf32, #tpu.memory_space<vmem>>, vector<1000x128xf32>
    %get3A_2 = arith.constant 0 : index
    %get3A_3 = arith.constant 0 : index
    %get3A_4 = vector.load %arg5[%get3A_2, %get3A_3] : memref<1000x128xf32, #tpu.memory_space<vmem>>, vector<1000x128xf32>
    %add3A = arith.addf %get3A_1, %get3A_4 : vector<1000x128xf32>
    %get3A_5 = arith.constant 0 : index
    %get3A_6 = arith.constant 0 : index
    %get3A_7 = vector.load %arg1[%get3A_5, %get3A_6] : memref<1000x128xf32, #tpu.memory_space<vmem>>, vector<1000x128xf32>
    %get3A_8 = arith.constant 0 : index
    %get3A_9 = arith.constant 0 : index
    %get3A_10 = vector.load %arg2[%get3A_8, %get3A_9] : memref<1000x128xf32, #tpu.memory_space<vmem>>, vector<1000x128xf32>
    %add3A_11 = arith.addf %get3A_7, %get3A_10 : vector<1000x128xf32>
    %get3A_12 = arith.constant 0 : index
    %get3A_13 = arith.constant 0 : index
    %get3A_14 = vector.load %arg3[%get3A_12, %get3A_13] : memref<1000x128xf32, #tpu.memory_space<vmem>>, vector<1000x128xf32>
    %sub3A = arith.subf %add3A_11, %get3A_14 : vector<1000x128xf32>
    %get3A_15 = arith.constant 0 : index
    %get3A_16 = arith.constant 0 : index
    %get3A_17 = vector.load %arg7[%get3A_15, %get3A_16] : memref<1x128xf32, #tpu.memory_space<vmem>>, vector<1x128xf32>
    %add3A_18 = vector.broadcast %get3A_17 : vector<1x128xf32> to vector<1000x128xf32>
    %add3A_19 = arith.addf %sub3A, %add3A_18 : vector<1000x128xf32>
    %get3A_20 = arith.constant 0 : index
    %get3A_21 = arith.constant 0 : index
    %get3A_22 = vector.load %arg6[%get3A_20, %get3A_21] : memref<128x128xf32, #tpu.memory_space<vmem>>, vector<128x128xf32>
    %dot_general3A = arith.constant dense<0.000000e+00> : vector<1000x128xf32>
    %dot_general3A_23 = tpu.matmul %add3A, %get3A_22, %dot_general3A {dimension_numbers = #tpu.dot_dimension_numbers<[1], [0], [0], [1], [0, 0, 1, 1], [], []>, precision = #tpu.contract_precision<fp32>, transpose_lhs_hint = false} : vector<1000x128xf32>, vector<128x128xf32>, vector<1000x128xf32> -> vector<1000x128xf32>
    %add3A_24 = arith.addf %add3A_19, %dot_general3A_23 : vector<1000x128xf32>
    %get3A_25 = arith.constant 0 : index
    %get3A_26 = arith.constant 0 : index
    %get3A_27 = vector.load %arg8[%get3A_25, %get3A_26] : memref<128x256xf32, #tpu.memory_space<vmem>>, vector<128x256xf32>
    %dot_general3A_28 = arith.constant dense<0.000000e+00> : vector<1000x256xf32>
    %dot_general3A_29 = tpu.matmul %add3A_24, %get3A_27, %dot_general3A_28 {dimension_numbers = #tpu.dot_dimension_numbers<[1], [0], [0], [1], [0, 0, 1, 1], [], []>, transpose_lhs_hint = false} : vector<1000x128xf32>, vector<128x256xf32>, vector<1000x256xf32> -> vector<1000x256xf32>
    %get3A_30 = arith.constant 0 : index
    %get3A_31 = arith.constant 0 : index
    %get3A_32 = vector.load %arg9[%get3A_30, %get3A_31] : memref<1x256xf32, #tpu.memory_space<vmem>>, vector<1x256xf32>
    %add3A_33 = vector.broadcast %get3A_32 : vector<1x256xf32> to vector<1000x256xf32>
    %add3A_34 = arith.addf %dot_general3A_29, %add3A_33 : vector<1000x256xf32>
    %max3A = arith.constant 0.000000e+00 : f32
    %max3A_35 = vector.broadcast %max3A : f32 to vector<1000x256xf32>
    %max3A_36 = arith.maximumf %add3A_34, %max3A_35 : vector<1000x256xf32>
    %get3A_37 = arith.constant 0 : index
    %get3A_38 = arith.constant 0 : index
    %get3A_39 = vector.load %arg10[%get3A_37, %get3A_38] : memref<256x128xf32, #tpu.memory_space<vmem>>, vector<256x128xf32>
    %dot_general3A_40 = arith.constant dense<0.000000e+00> : vector<1000x128xf32>
    %dot_general3A_41 = tpu.matmul %max3A_36, %get3A_39, %dot_general3A_40 {dimension_numbers = #tpu.dot_dimension_numbers<[1], [0], [0], [1], [0, 0, 1, 1], [], []>, transpose_lhs_hint = false} : vector<1000x256xf32>, vector<256x128xf32>, vector<1000x128xf32> -> vector<1000x128xf32>
    %get3A_42 = arith.constant 0 : index
    %get3A_43 = arith.constant 0 : index
    %get3A_44 = vector.load %arg11[%get3A_42, %get3A_43] : memref<1x128xf32, #tpu.memory_space<vmem>>, vector<1x128xf32>
    %add3A_45 = vector.broadcast %get3A_44 : vector<1x128xf32> to vector<1000x128xf32>
    %add3A_46 = arith.addf %dot_general3A_41, %add3A_45 : vector<1000x128xf32>
    %swap3A = arith.constant 0 : index
    %swap3A_47 = arith.constant 0 : index
    %swap3A_48 = vector.load %arg12[%swap3A, %swap3A_47] : memref<1000x128xf32, #tpu.memory_space<vmem>>, vector<1000x128xf32>
    tpu.vector_store %arg12[%swap3A, %swap3A_47], %add3A_46 {strides = array<i32>} : memref<1000x128xf32, #tpu.memory_space<vmem>>, vector<1000x128xf32>,
    %reduce_sum3A = arith.constant dense<0.000000e+00> : vector<128xf32>
    %reduce_sum3A_49 = vector.multi_reduction <add>, %add3A_46, %reduce_sum3A [0] : vector<1000x128xf32> to vector<128xf32>
    %broadcast_in_dim3A = vector.shape_cast %reduce_sum3A_49 : vector<128xf32> to vector<1x128xf32>
    %mul3A = arith.mulf %add3A_46, %add3A_46 : vector<1000x128xf32>
    %reduce_sum3A_50 = arith.constant dense<0.000000e+00> : vector<128xf32>
    %reduce_sum3A_51 = vector.multi_reduction <add>, %mul3A, %reduce_sum3A_50 [0] : vector<1000x128xf32> to vector<128xf32>
    %broadcast_in_dim3A_52 = vector.shape_cast %reduce_sum3A_51 : vector<128xf32> to vector<1x128xf32>
    %concatenate3A = tpu.concatenate %broadcast_in_dim3A, %broadcast_in_dim3A_52 in 0 : vector<1x128xf32>, vector<1x128xf32> -> vector<2x128xf32>
    %eq3A = arith.constant 0 : i32
    %eq3A_53 = arith.cmpi eq, %arg0, %eq3A : i32
    %convert_element_type3A = arith.extui %eq3A_53 : i1 to i32
    %cond3A = arith.constant 0 : i32
    %cond3A_54 = arith.cmpi ne, %convert_element_type3A, %cond3A : i32
    scf.if %cond3A_54 {
      %swap3A_59 = arith.constant 0 : index
      %swap3A_60 = arith.constant 0 : index
      %swap3A_61 = vector.load %arg13[%swap3A_59, %swap3A_60] : memref<2x128xf32, #tpu.memory_space<vmem>>, vector<2x128xf32>
      tpu.vector_store %arg13[%swap3A_59, %swap3A_60], %concatenate3A {strides = array<i32>} : memref<2x128xf32, #tpu.memory_space<vmem>>, vector<2x128xf32>,
    } else {
    }
    %gt3A = arith.constant 0 : i32
    %gt3A_55 = arith.cmpi sgt, %arg0, %gt3A : i32
    %convert_element_type3A_56 = arith.extui %gt3A_55 : i1 to i32
    %cond3A_57 = arith.constant 0 : i32
    %cond3A_58 = arith.cmpi ne, %convert_element_type3A_56, %cond3A_57 : i32
    scf.if %cond3A_58 {
      %get3A_59 = arith.constant 0 : index
      %get3A_60 = arith.constant 0 : index
      %get3A_61 = vector.load %arg13[%get3A_59, %get3A_60] : memref<2x128xf32, #tpu.memory_space<vmem>>, vector<2x128xf32>
      %add3A_62 = arith.addf %get3A_61, %concatenate3A : vector<2x128xf32>
      %swap3A_63 = arith.constant 0 : index
      %swap3A_64 = arith.constant 0 : index
      %swap3A_65 = vector.load %arg13[%swap3A_63, %swap3A_64] : memref<2x128xf32, #tpu.memory_space<vmem>>, vector<2x128xf32>
      tpu.vector_store %arg13[%swap3A_63, %swap3A_64], %add3A_62 {strides = array<i32>} : memref<2x128xf32, #tpu.memory_space<vmem>>, vector<2x128xf32>,
    } else {
    }
    return
  }
  func.func @transform_0(%arg0: i32) -> (i32, i32) {
    %c0_i32 = arith.constant 0 : i32
    %c0_i32_0 = arith.constant 0 : i32
    return %arg0, %c0_i32 : i32, i32
  }
  func.func @transform_1(%arg0: i32) -> (i32, i32) {
    %c0_i32 = arith.constant 0 : i32
    %c0_i32_0 = arith.constant 0 : i32
    return %arg0, %c0_i32 : i32, i32
  }
  func.func @transform_2(%arg0: i32) -> (i32, i32) {
    %c0_i32 = arith.constant 0 : i32
    %c0_i32_0 = arith.constant 0 : i32
    return %arg0, %c0_i32 : i32, i32
  }
  func.func @transform_3(%arg0: i32) -> (i32, i32) {
    %c0_i32 = arith.constant 0 : i32
    %c0_i32_0 = arith.constant 0 : i32
    return %arg0, %c0_i32 : i32, i32
  }
  func.func @transform_4(%arg0: i32) -> (i32, i32) {
    %c0_i32 = arith.constant 0 : i32
    %c0_i32_0 = arith.constant 0 : i32
    return %arg0, %c0_i32 : i32, i32
  }
  func.func @transform_5(%arg0: i32) -> (i32, i32) {
    %c0_i32 = arith.constant 0 : i32
    %c0_i32_0 = arith.constant 0 : i32
    %c0_i32_1 = arith.constant 0 : i32
    return %c0_i32, %c0_i32_0 : i32, i32
  }
  func.func @transform_6(%arg0: i32) -> (i32, i32) {
    %c0_i32 = arith.constant 0 : i32
    %c0_i32_0 = arith.constant 0 : i32
    %c0_i32_1 = arith.constant 0 : i32
    return %c0_i32, %c0_i32_0 : i32, i32
  }
  func.func @transform_7(%arg0: i32) -> (i32, i32) {
    %c0_i32 = arith.constant 0 : i32
    %c0_i32_0 = arith.constant 0 : i32
    %c0_i32_1 = arith.constant 0 : i32
    return %c0_i32, %c0_i32_0 : i32, i32
  }
  func.func @transform_8(%arg0: i32) -> (i32, i32) {
    %c0_i32 = arith.constant 0 : i32
    %c0_i32_0 = arith.constant 0 : i32
    %c0_i32_1 = arith.constant 0 : i32
    return %c0_i32, %c0_i32_0 : i32, i32
  }
  func.func @transform_9(%arg0: i32) -> (i32, i32) {
    %c0_i32 = arith.constant 0 : i32
    %c0_i32_0 = arith.constant 0 : i32
    %c0_i32_1 = arith.constant 0 : i32
    return %c0_i32, %c0_i32_0 : i32, i32
  }
  func.func @transform_10(%arg0: i32) -> (i32, i32) {
    %c0_i32 = arith.constant 0 : i32
    %c0_i32_0 = arith.constant 0 : i32
    %c0_i32_1 = arith.constant 0 : i32
    return %c0_i32, %c0_i32_0 : i32, i32
  }
  func.func @transform_11(%arg0: i32) -> (i32, i32) {
    %c0_i32 = arith.constant 0 : i32
    %c0_i32_0 = arith.constant 0 : i32
    return %arg0, %c0_i32 : i32, i32
  }
  func.func @transform_12(%arg0: i32) -> (i32, i32) {
    %c0_i32 = arith.constant 0 : i32
    %c0_i32_0 = arith.constant 0 : i32
    %c0_i32_1 = arith.constant 0 : i32
    return %c0_i32, %c0_i32_0 : i32, i32
  }
}

module attributes {stable_mosaic.version = 14 : i64} {
  func.func @_c2_body(%arg0: i32, %arg1: memref<1000x128xf32, #tpu.memory_space<vmem>>, %arg2: memref<2x128xf32, #tpu.memory_space<vmem>>, %arg3: memref<1x128xf32, #tpu.memory_space<vmem>>, %arg4: memref<1x128xf32, #tpu.memory_space<vmem>>, %arg5: memref<1000x128xf32, #tpu.memory_space<vmem>>) attributes {dimension_semantics = [#tpu.dimension_semantics<arbitrary>], iteration_bounds = array<i64: 10>, scalar_prefetch = 0 : i64, scratch_operands = 0 : i64, tpu.core_type = #tpu.core_type<tc>, window_params = [{transform_indices = @transform_0, window_bounds = array<i64: 1000, 128>}, {pipeline_mode = #tpu.pipeline_mode<synchronous>, transform_indices = @transform_1, window_bounds = array<i64: 2, 128>}, {pipeline_mode = #tpu.pipeline_mode<synchronous>, transform_indices = @transform_2, window_bounds = array<i64: 1, 128>}, {pipeline_mode = #tpu.pipeline_mode<synchronous>, transform_indices = @transform_3, window_bounds = array<i64: 1, 128>}, {transform_indices = @transform_4, window_bounds = array<i64: 1000, 128>}]} {
    %get3A = arith.constant 0 : index
    %get3A_0 = arith.constant 0 : index
    %get3A_1 = vector.load %arg2[%get3A, %get3A_0] : memref<2x128xf32, #tpu.memory_space<vmem>>, vector<1x128xf32>
    %mul3A = arith.constant 9.99999974E-5 : f32
    %mul3A_2 = vector.broadcast %mul3A : f32 to vector<1x128xf32>
    %mul3A_3 = arith.mulf %get3A_1, %mul3A_2 : vector<1x128xf32>
    %get3A_4 = arith.constant 1 : index
    %get3A_5 = arith.constant 0 : index
    %get3A_6 = vector.load %arg2[%get3A_4, %get3A_5] : memref<2x128xf32, #tpu.memory_space<vmem>>, vector<1x128xf32>
    %mul3A_7 = arith.constant 9.99999974E-5 : f32
    %mul3A_8 = vector.broadcast %mul3A_7 : f32 to vector<1x128xf32>
    %mul3A_9 = arith.mulf %get3A_6, %mul3A_8 : vector<1x128xf32>
    %mul3A_10 = arith.mulf %mul3A_3, %mul3A_3 : vector<1x128xf32>
    %sub3A = arith.subf %mul3A_9, %mul3A_10 : vector<1x128xf32>
    %add3A = arith.constant 9.99999974E-6 : f32
    %add3A_11 = vector.broadcast %add3A : f32 to vector<1x128xf32>
    %add3A_12 = arith.addf %sub3A, %add3A_11 : vector<1x128xf32>
    %sqrt3A = math.sqrt %add3A_12 : vector<1x128xf32>
    %div3A = arith.constant 1.000000e+00 : f32
    %div3A_13 = vector.broadcast %div3A : f32 to vector<1x128xf32>
    %div3A_14 = arith.divf %div3A_13, %sqrt3A : vector<1x128xf32>
    %get3A_15 = arith.constant 0 : index
    %get3A_16 = arith.constant 0 : index
    %get3A_17 = vector.load %arg1[%get3A_15, %get3A_16] : memref<1000x128xf32, #tpu.memory_space<vmem>>, vector<1000x128xf32>
    %sub3A_18 = vector.broadcast %mul3A_3 : vector<1x128xf32> to vector<1000x128xf32>
    %sub3A_19 = arith.subf %get3A_17, %sub3A_18 : vector<1000x128xf32>
    %get3A_20 = arith.constant 0 : index
    %get3A_21 = arith.constant 0 : index
    %get3A_22 = vector.load %arg3[%get3A_20, %get3A_21] : memref<1x128xf32, #tpu.memory_space<vmem>>, vector<1x128xf32>
    %mul3A_23 = arith.mulf %div3A_14, %get3A_22 : vector<1x128xf32>
    %mul3A_24 = vector.broadcast %mul3A_23 : vector<1x128xf32> to vector<1000x128xf32>
    %mul3A_25 = arith.mulf %sub3A_19, %mul3A_24 : vector<1000x128xf32>
    %get3A_26 = arith.constant 0 : index
    %get3A_27 = arith.constant 0 : index
    %get3A_28 = vector.load %arg4[%get3A_26, %get3A_27] : memref<1x128xf32, #tpu.memory_space<vmem>>, vector<1x128xf32>
    %add3A_29 = vector.broadcast %get3A_28 : vector<1x128xf32> to vector<1000x128xf32>
    %add3A_30 = arith.addf %mul3A_25, %add3A_29 : vector<1000x128xf32>
    %gt3A = arith.constant 0.000000e+00 : f32
    %gt3A_31 = vector.broadcast %gt3A : f32 to vector<1000x128xf32>
    %gt3A_32 = arith.cmpf ogt, %add3A_30, %gt3A_31 : vector<1000x128xf32>
    %exp3A = math.exp %add3A_30 : vector<1000x128xf32>
    %sub3A_33 = arith.constant 1.000000e+00 : f32
    %sub3A_34 = vector.broadcast %sub3A_33 : f32 to vector<1000x128xf32>
    %sub3A_35 = arith.subf %exp3A, %sub3A_34 : vector<1000x128xf32>
    %select_n3A = arith.select %gt3A_32, %add3A_30, %sub3A_35 : vector<1000x128xi1>, vector<1000x128xf32>
    %swap3A = arith.constant 0 : index
    %swap3A_36 = arith.constant 0 : index
    %swap3A_37 = vector.load %arg5[%swap3A, %swap3A_36] : memref<1000x128xf32, #tpu.memory_space<vmem>>, vector<1000x128xf32>
    tpu.vector_store %arg5[%swap3A, %swap3A_36], %select_n3A {strides = array<i32>} : memref<1000x128xf32, #tpu.memory_space<vmem>>, vector<1000x128xf32>,
    return
  }
  func.func @transform_0(%arg0: i32) -> (i32, i32) {
    %c0_i32 = arith.constant 0 : i32
    %c0_i32_0 = arith.constant 0 : i32
    return %arg0, %c0_i32 : i32, i32
  }
  func.func @transform_1(%arg0: i32) -> (i32, i32) {
    %c0_i32 = arith.constant 0 : i32
    %c0_i32_0 = arith.constant 0 : i32
    %c0_i32_1 = arith.constant 0 : i32
    return %c0_i32, %c0_i32_0 : i32, i32
  }
  func.func @transform_2(%arg0: i32) -> (i32, i32) {
    %c0_i32 = arith.constant 0 : i32
    %c0_i32_0 = arith.constant 0 : i32
    %c0_i32_1 = arith.constant 0 : i32
    return %c0_i32, %c0_i32_0 : i32, i32
  }
  func.func @transform_3(%arg0: i32) -> (i32, i32) {
    %c0_i32 = arith.constant 0 : i32
    %c0_i32_0 = arith.constant 0 : i32
    %c0_i32_1 = arith.constant 0 : i32
    return %c0_i32, %c0_i32_0 : i32, i32
  }
  func.func @transform_4(%arg0: i32) -> (i32, i32) {
    %c0_i32 = arith.constant 0 : i32
    %c0_i32_0 = arith.constant 0 : i32
    return %arg0, %c0_i32 : i32, i32
  }
}

module attributes {stable_mosaic.version = 14 : i64} {
  func.func @_c2_body(%arg0: i32, %arg1: memref<1000x128xf32, #tpu.memory_space<vmem>>, %arg2: memref<2x128xf32, #tpu.memory_space<vmem>>, %arg3: memref<1x128xf32, #tpu.memory_space<vmem>>, %arg4: memref<1x128xf32, #tpu.memory_space<vmem>>, %arg5: memref<1000x128xf32, #tpu.memory_space<vmem>>) attributes {dimension_semantics = [#tpu.dimension_semantics<arbitrary>], iteration_bounds = array<i64: 10>, scalar_prefetch = 0 : i64, scratch_operands = 0 : i64, tpu.core_type = #tpu.core_type<tc>, window_params = [{transform_indices = @transform_0, window_bounds = array<i64: 1000, 128>}, {pipeline_mode = #tpu.pipeline_mode<synchronous>, transform_indices = @transform_1, window_bounds = array<i64: 2, 128>}, {pipeline_mode = #tpu.pipeline_mode<synchronous>, transform_indices = @transform_2, window_bounds = array<i64: 1, 128>}, {pipeline_mode = #tpu.pipeline_mode<synchronous>, transform_indices = @transform_3, window_bounds = array<i64: 1, 128>}, {transform_indices = @transform_4, window_bounds = array<i64: 1000, 128>}]} {
    %get3A = arith.constant 0 : index
    %get3A_0 = arith.constant 0 : index
    %get3A_1 = vector.load %arg2[%get3A, %get3A_0] : memref<2x128xf32, #tpu.memory_space<vmem>>, vector<1x128xf32>
    %mul3A = arith.constant 9.99999974E-5 : f32
    %mul3A_2 = vector.broadcast %mul3A : f32 to vector<1x128xf32>
    %mul3A_3 = arith.mulf %get3A_1, %mul3A_2 : vector<1x128xf32>
    %get3A_4 = arith.constant 1 : index
    %get3A_5 = arith.constant 0 : index
    %get3A_6 = vector.load %arg2[%get3A_4, %get3A_5] : memref<2x128xf32, #tpu.memory_space<vmem>>, vector<1x128xf32>
    %mul3A_7 = arith.constant 9.99999974E-5 : f32
    %mul3A_8 = vector.broadcast %mul3A_7 : f32 to vector<1x128xf32>
    %mul3A_9 = arith.mulf %get3A_6, %mul3A_8 : vector<1x128xf32>
    %mul3A_10 = arith.mulf %mul3A_3, %mul3A_3 : vector<1x128xf32>
    %sub3A = arith.subf %mul3A_9, %mul3A_10 : vector<1x128xf32>
    %add3A = arith.constant 9.99999974E-6 : f32
    %add3A_11 = vector.broadcast %add3A : f32 to vector<1x128xf32>
    %add3A_12 = arith.addf %sub3A, %add3A_11 : vector<1x128xf32>
    %sqrt3A = math.sqrt %add3A_12 : vector<1x128xf32>
    %div3A = arith.constant 1.000000e+00 : f32
    %div3A_13 = vector.broadcast %div3A : f32 to vector<1x128xf32>
    %div3A_14 = arith.divf %div3A_13, %sqrt3A : vector<1x128xf32>
    %get3A_15 = arith.constant 0 : index
    %get3A_16 = arith.constant 0 : index
    %get3A_17 = vector.load %arg1[%get3A_15, %get3A_16] : memref<1000x128xf32, #tpu.memory_space<vmem>>, vector<1000x128xf32>
    %sub3A_18 = vector.broadcast %mul3A_3 : vector<1x128xf32> to vector<1000x128xf32>
    %sub3A_19 = arith.subf %get3A_17, %sub3A_18 : vector<1000x128xf32>
    %get3A_20 = arith.constant 0 : index
    %get3A_21 = arith.constant 0 : index
    %get3A_22 = vector.load %arg3[%get3A_20, %get3A_21] : memref<1x128xf32, #tpu.memory_space<vmem>>, vector<1x128xf32>
    %mul3A_23 = arith.mulf %div3A_14, %get3A_22 : vector<1x128xf32>
    %mul3A_24 = vector.broadcast %mul3A_23 : vector<1x128xf32> to vector<1000x128xf32>
    %mul3A_25 = arith.mulf %sub3A_19, %mul3A_24 : vector<1000x128xf32>
    %get3A_26 = arith.constant 0 : index
    %get3A_27 = arith.constant 0 : index
    %get3A_28 = vector.load %arg4[%get3A_26, %get3A_27] : memref<1x128xf32, #tpu.memory_space<vmem>>, vector<1x128xf32>
    %add3A_29 = vector.broadcast %get3A_28 : vector<1x128xf32> to vector<1000x128xf32>
    %add3A_30 = arith.addf %mul3A_25, %add3A_29 : vector<1000x128xf32>
    %swap3A = arith.constant 0 : index
    %swap3A_31 = arith.constant 0 : index
    %swap3A_32 = vector.load %arg5[%swap3A, %swap3A_31] : memref<1000x128xf32, #tpu.memory_space<vmem>>, vector<1000x128xf32>
    tpu.vector_store %arg5[%swap3A, %swap3A_31], %add3A_30 {strides = array<i32>} : memref<1000x128xf32, #tpu.memory_space<vmem>>, vector<1000x128xf32>,
    return
  }
  func.func @transform_0(%arg0: i32) -> (i32, i32) {
    %c0_i32 = arith.constant 0 : i32
    %c0_i32_0 = arith.constant 0 : i32
    return %arg0, %c0_i32 : i32, i32
  }
  func.func @transform_1(%arg0: i32) -> (i32, i32) {
    %c0_i32 = arith.constant 0 : i32
    %c0_i32_0 = arith.constant 0 : i32
    %c0_i32_1 = arith.constant 0 : i32
    return %c0_i32, %c0_i32_0 : i32, i32
  }
  func.func @transform_2(%arg0: i32) -> (i32, i32) {
    %c0_i32 = arith.constant 0 : i32
    %c0_i32_0 = arith.constant 0 : i32
    %c0_i32_1 = arith.constant 0 : i32
    return %c0_i32, %c0_i32_0 : i32, i32
  }
  func.func @transform_3(%arg0: i32) -> (i32, i32) {
    %c0_i32 = arith.constant 0 : i32
    %c0_i32_0 = arith.constant 0 : i32
    %c0_i32_1 = arith.constant 0 : i32
    return %c0_i32, %c0_i32_0 : i32, i32
  }
  func.func @transform_4(%arg0: i32) -> (i32, i32) {
    %c0_i32 = arith.constant 0 : i32
    %c0_i32_0 = arith.constant 0 : i32
    return %arg0, %c0_i32 : i32, i32
  }
}

</mosaic_0001>

<sc_bundles>
// kernel: kernel.13.cloned.1.call-start
scs
__scs_entry_jumppad:
0x0: {  	(pc) =	sbr.rel $0x88, $3  }
0x1: {  	(tag) =	ssettag $0x0;
	lr =	simm.s32 $0x1  }
0x2: {  	[smem:$0x3F95] =	sst lr;
	_ =	strace $0xD0000000  }
0x3: {  	_ = 	snop  }
0x4: {  	_ = 	snop  }
0x5: {  	_ = 	snop  }
0x6: {  	_ = 	snop  }
0x7: {  	_ = 	snop  }
__scs_overlays_trampoline_lowered:
0x8: {  	[smem:$0x3FA4] =	sst s0  }
0x9: {  	[smem:$0x3FA5] =	sst s1  }
0xa: {  	[smem:$0x3FA6] =	sst s2  }
0xb: {  	[smem:$0x3FA7] =	sst s3  }
0xc: {  	[smem:$0x3FA8] =	sst s4  }
0xd: {  	[smem:$0x3FA9] =	sst s5  }
0xe: {  	[smem:$0x3FAA] =	sst s6  }
0xf: {  	[smem:$0x3FAB] =	sst s7  }
0x10: {  	[smem:$0x3FAC] =	sst s8  }
0x11: {  	[smem:$0x3FAD] =	sst s9;
	s0 =	simm.s32 @!p0 $0x0  }
0x12: {  	s1 =	sld [smem:$0x3F93];
	s0 =	simm.s32 @p0 $0x1  }
0x13: {  	[smem:$0x3FAE] =	sst s0;
	s0 =	simm.s32 @!p1 $0x0  }
0x14: {  	s2 =	sld [smem:$0x3F92];
	s0 =	simm.s32 @p1 $0x1  }
0x15: {  	[smem:$0x3FAF] =	sst s0;
	s0 =	simm.s32 @!p2 $0x0  }
0x16: {  	s3 =	sld [smem:$0x3FDB];
	s0 =	simm.s32 @p2 $0x1  }
0x17: {  	s4 =	simm.s32 $0x1BF5;
	[smem:$0x3FB1] =	sst s0  }
0x18: {  	s0 =	sld [smem:$0x3F94];
	_ =	swait.ge [sflag:s4], $0x0  }
0x19: {  	s7 =	sld [smem:$0x3F95]  }
0x1a: {  	s8 =	sadd.s32 $0xFFFFE003, lr  }
0x1b: {  	s9 =	sadd.s32 $0xFFFFFEF7, lr;
	s5 =	simm.s32 $0xFFFFFFFF;
	p2 =	slt.u32 s8, $0xFFFFF086  }
0x1c: {  	p1 =	slt.u32 s9, $0xF7A;
	s5 =	simm.s32 @!p2 $0x0  }
0x1d: {  	s5 =	simm.s32 @p1 $0x1;
	p0 =	seq.s32 s7, s2  }
0x1e: {  	s7 =	smul.u32 @!p0 $0xF7A, s2;
	p2 =	seq.s32 @!p0 s5, $0x0  }
0x1f: {  	s9 =	smul.u32 $0xF7A, s1;
	s8 =	simm.s32 @!p0 $0x1BF5;
	p2 =	por !p2, p0  }
0x20: {  	[sflag:s8] =	ssyncset.s32 @!p0 $0xFFFFF086;
	s6 =	sadd.s32 @!p0 s3, s7;
	s7 =	simm.s32 @!p0 $0x108  }
0x21: {  	s3 =	sadd.s32 s3, s9;
	s6 =	sadd.s32 @!p0 $0x88, s6;
	s7 =	simm.s32 @p2 $0x1082  }
0x22: {  	[simem:s7], [sflag:s8] =	dma.local @!p0 [hbm:s6], $0xF7A  }
0x23: {  	s9 =	sor.u32 $0xD0000000, s2;
	s6 =	simm.s32 $0x108;
	_ =	swait.ge @!p0 [sflag:s8], $0x0  }
0x24: {  	s3 =	sadd.s32 $0x88, s3;
	s6 =	simm.s32 @!p1 $0x1082;
	[sflag:s4] =	ssyncset.s32 $0xFFFFF086  }
0x25: {  	[simem:s6], [sflag:s4] =	dma.local [hbm:s3], $0xF7A  }
0x26: {  	[smem:$0x3F95] =	sst s1;
	(tag) =	ssettag s2;
	_ =	strace s9  }
0x27: {  	s1 =	sld [smem:$0x3FA5]  }
0x28: {  	s2 =	sld [smem:$0x3FA6]  }
0x29: {  	s4 =	sld [smem:$0x3FA8]  }
0x2a: {  	p0 =	seq.s32 s5, $0x0;
	s5 =	sld [smem:$0x3FA9]  }
0x2b: {  	s6 =	sld [smem:$0x3FAA]  }
0x2c: {  	s7 =	sld [smem:$0x3FAB]  }
0x2d: {  	s3 =	simm.s32 $0x108;
	s8 =	sld [smem:$0x3FAC]  }
0x2e: {  	s3 =	simm.s32 @!p0 $0x1082;
	s9 =	sld [smem:$0x3FAD]  }
0x2f: {  	lr =	sadd.s32 s0, s3;
	s0 =	sld [smem:$0x3FA4]  }
0x30: {  	s3 =	sld [smem:$0x3FA7]  }
0x31: {  	[smem:$0x3FB0] =	sst s10  }
0x32: {  	s10 =	sld [smem:$0x3FAE];
	_ =	sdelay $0x3  }
0x33: {  	p0 =	seq.s32 s10, $0x1;
	s10 =	sld [smem:$0x3FB0];
	_ =	sdelay $0x3  }
0x34: {  	[smem:$0x3FB0] =	sst s10  }
0x35: {  	s10 =	sld [smem:$0x3FAF];
	_ =	sdelay $0x3  }
0x36: {  	p1 =	seq.s32 s10, $0x1;
	s10 =	sld [smem:$0x3FB0];
	_ =	sdelay $0x3  }
0x37: {  	[smem:$0x3FB0] =	sst s10  }
0x38: {  	s10 =	sld [smem:$0x3FB1]  }
0x39: {  	_ = 	snop;
	(pc) =	sbr.ind lr, $3  }
0x3a: {  	_ = 	snop  }
0x3b: {  	_ = 	snop  }
0x3c: {  	p2 =	seq.s32 s10, $0x1;
	s10 =	sld [smem:$0x3FB0]  }
0x3d: {  	_ =	shalt  }
0x3e: {  	_ =	shalt  }
0x3f: {  	_ =	shalt  }
0x40: {  	_ =	shalt  }
0x41: {  	_ =	shalt  }
0x42: {  	_ =	shalt  }
0x43: {  	_ =	shalt  }
0x44: {  	_ =	shalt  }
0x45: {  	_ =	shalt  }
0x46: {  	_ =	shalt  }
0x47: {  	_ =	shalt  }
0x48: {  	_ =	shalt  }
0x49: {  	_ =	shalt  }
0x4a: {  	_ =	shalt  }
0x4b: {  	_ =	shalt  }
0x4c: {  	_ =	shalt  }
0x4d: {  	_ =	shalt  }
0x4e: {  	_ =	shalt  }
0x4f: {  	_ =	shalt  }
0x50: {  	_ =	shalt  }
0x51: {  	_ =	shalt  }
0x52: {  	_ =	shalt  }
0x53: {  	_ =	shalt  }
0x54: {  	_ =	shalt  }
0x55: {  	_ =	shalt  }
0x56: {  	_ =	shalt  }
0x57: {  	_ =	shalt  }
0x58: {  	_ =	shalt  }
0x59: {  	_ =	shalt  }
0x5a: {  	_ =	shalt  }
0x5b: {  	_ =	shalt  }
0x5c: {  	_ =	shalt  }
0x5d: {  	_ =	shalt  }
0x5e: {  	_ =	shalt  }
0x5f: {  	_ =	shalt  }
0x60: {  	_ =	shalt  }
0x61: {  	_ =	shalt  }
0x62: {  	_ =	shalt  }
0x63: {  	_ =	shalt  }
0x64: {  	_ =	shalt  }
0x65: {  	_ =	shalt  }
0x66: {  	_ =	shalt  }
0x67: {  	_ =	shalt  }
0x68: {  	_ =	shalt  }
0x69: {  	_ =	shalt  }
0x6a: {  	_ =	shalt  }
0x6b: {  	_ =	shalt  }
0x6c: {  	_ =	shalt  }
0x6d: {  	_ =	shalt  }
0x6e: {  	_ =	shalt  }
0x6f: {  	_ =	shalt  }
0x70: {  	_ =	shalt  }
0x71: {  	_ =	shalt  }
0x72: {  	_ =	shalt  }
0x73: {  	_ =	shalt  }
0x74: {  	_ =	shalt  }
0x75: {  	_ =	shalt  }
0x76: {  	_ =	shalt  }
0x77: {  	_ =	shalt  }
0x78: {  	_ =	shalt  }
0x79: {  	_ =	shalt  }
0x7a: {  	_ =	shalt  }
0x7b: {  	_ =	shalt  }
0x7c: {  	_ =	shalt  }
0x7d: {  	_ =	shalt  }
0x7e: {  	_ =	shalt  }
0x7f: {  	_ =	shalt  }
0x80: {  	_ =	shalt  }
0x81: {  	_ =	shalt  }
0x82: {  	_ =	shalt  }
0x83: {  	_ =	shalt  }
0x84: {  	_ =	shalt  }
0x85: {  	_ =	shalt  }
0x86: {  	_ =	shalt  }
0x87: {  	_ =	shalt  }
.Lfunc_end0:
.L_simem_size_0:
called_computation_lowered:
.L_overlay_start_0:
0x88: {  	s2 =	sld [smem:$0x3FD9]  }
0x89: {  	s3 =	sld [smem:$0x3FFE];
	_ =	sdelay $0x1  }
0x8a: {  	s1 =	srdreg.scid  }
0x8b: {  	s0 =	sand.u32 $0x1, s1  }
0x8c: {  	s16 =	sshll.u32 s0, $0xA;
	s2 =	sadd.s32 s3, s2  }
0x8d: {  	s2 =	sadd.s32 s2, s16  }
0x8e: {  	[smem:$0x3FBC] =	sst s2  }
0x8f: {  	_ = 	snop  }
0x90: {  	(tm) =	ssettm $0x1  }
0x91: {  	s17 =	sld [smem:$0x3FFB];
	_ =	sdelay $0x3  }
0x92: {  	_ =	strace s17  }
0x93: {  	s2 =	sld [smem:$0x3FFC];
	_ =	sdelay $0x3  }
0x94: {  	_ =	strace s2  }
0x95: {  	s2 =	sld [smem:$0x3FFD];
	_ =	sdelay $0x3  }
0x96: {  	_ =	strace s2  }
0x97: {  	_ =	strace $0x8FFFFFFF  }
0x98: {  	s18 =	sld [smem:$0x3FDB];
	_ =	sdelay $0x1  }
0x99: {  	s19 =	simm.s32 $_scs_section_size  }
0x9a: {  	s4 =	simm.s32 $_size__tile_overlayer_lowered;
	s5 =	simm.s32 $_tile_overlayer_lowered  }
0x9b: {  	s22 =	simm.s32 $0x1BFF;
	s21 =	sshll.u32 s5, $0x1;
	s2 =	sadd.s32 s19, s18  }
0x9c: {  	s6 =	simm.s32 $0x0;
	s20 =	sshll.u32 s4, $0x1;
	s4 =	sadd.s32 s21, s2  }
0x9d: {  	[timem:s6], [sflag:s22] =	dma.local [hbm:s4], s20  }
0x9e: {  	_ =	swait.ge [sflag:s22], s20  }
0x9f: {  	s3 =	ssub.s32 $0x0, s20;
	[sflag:s22] =	ssyncset.done $0x0  }
0xa0: {  	[sflag:s22] =	ssyncadd.s32 s3;
	_ =	sdelay $0x1  }
0xa1: {  	s23 =	simm.s32 $0x1B8B  }
0xa2: {  	_ =	swait.ge [sflag:s23], $0x1  }
0xa3: {  	[sflag:s23] =	ssyncset.done $0x0  }
0xa4: {  	s25 =	simm.s32 $0x1B8E;
	s24 =	sld [smem:$0x3FFE];
	[sflag:s23] =	ssyncadd.s32 $0xFFFFFFFF  }
0xa5: {  	s26 =	simm.s32 $execute0_lowered;
	[smem:$0x3FD2] =	sst s25  }
0xa6: {  	s4 =	sshll.u32 s26, $0x1;
	_ =	strace $0x80000046;
	[dreg:$0x1] =	wrdreg $0xFFFFFFFF  }
0xa7: {  	s28 =	simm.s32 $_size_execute0_lowered;
	s2 =	sadd.s32 s2, s4;
	[dreg:$0x0] =	wrdreg $0x0  }
0xa8: {  	s4 =	sshll.u32 s28, $0x1;
	[dreg:$0x2] =	wrdreg s2  }
0xa9: {  	[dreg:$0x3] =	wrdreg s4  }
0xaa: {  	[dreg:$0x4] =	wrdreg $0xC0  }
0xab: {  	_ =	task [dreg:s6], $0x5FFFF  }
0xac: {  	[dreg:$0x1] =	wrdreg $0xFFFFFFFF  }
0xad: {  	[dreg:$0x0] =	wrdreg $0x60  }
0xae: {  	[dreg:$0x2] =	wrdreg s24  }
0xaf: {  	[dreg:$0x3] =	wrdreg $0xA9000  }
0xb0: {  	[dreg:$0x4] =	wrdreg $0x9  }
0xb1: {  	_ =	task.clear_ibuf [dreg:s6], $0x5FFFF;
	_ =	strace $0x90000046  }
0xb2: {  	s29 =	simm.s32 $0x9;
	_ =	strace $0x80000048  }
0xb3: {  	_ =	swait.ge [sflag:s29], $0x1  }
0xb4: {  	[sflag:s29] =	ssyncadd.s32 $0xFFFFFFFF  }
0xb5: {  	_ =	strace $0x90000048  }
0xb6: {  	_ =	sfence  }
0xb7: {  	s30 =	sld [smem:$0x0];
	_ =	sdelay $0x2  }
0xb8: {  	s31 =	sshll.u32 s1, $0xD;
	s1 =	sshrl.u32 s1, $0x2  }
0xb9: {  	s3 =	sand.u32 $0x4000, s31;
	s1 =	sadd.s32 s1, s30  }
0xba: {  	s0 =	sor.u32 s3, s0;
	s1 =	sshll.u32 s1, $0x11  }
0xbb: {  	s0 =	sor.u32 s1, s0  }
0xbc: {  	s0 =	sadd.s32 $0x8F2B, s0  }
0xbd: {  	[sflag:s0] =	ssyncadd.remote.s32 $0x1  }
0xbe: {  	_ =	sfence.sel $0xFFFF  }
0xbf: {  	[dreg:$0x0] =	wrdreg $0xFFFFFFFF;
	(pc) =	sbr.abs _section_cstart, $3  }
0xc0: {  	[dreg:$0x1] =	wrdreg $0xFFFFFFFF  }
0xc1: {  	_ =	task.clear_ibuf [dreg:s6], $0x2FFFF;
	_ =	strace $0x9FFFFFFF  }
0xc2: {  	(tm) =	ssettm $0x7FFFFFFF  }
0xc3: {  	_ =	shalt  }
tec
execute0_lowered:
.L_overlay_start_1:
0x0: {  	(tag) =	ssettag $0x1  }
0x1: {  	s0 =	srdreg.scid;
	s1 =	rddreg [dreg:$0x0]  }
0x2: {  	s26 =	stileid.u32;
	s2 =	rddreg [dreg:$0x1];
	s20 =	simm.s32 $0x5  }
0x3: {  	s22 =	simm.s32 $0x2800;
	s28 =	simm.s32 $0x1;
	s29 =	simm.s32 $0x3  }
0x4: {  	s30 =	simm.s32 $0x2;
	s31 =	simm.s32 $0x4;
	s7 =	smul.u32 $0x2700, s26  }
0x5: {  	s0 =	sand.u32 $0x1, s0;
	s5 =	sadd.s32 $0x19C00, s1;
	s9 =	smul.u32 $0x4E000, s26  }
0x6: {  	s6 =	sadd.s32 $0xFC00, s1;
	s17 =	sadd.s32 $0x44E00, s1;
	s18 =	sadd.s32 $0x6C000, s1  }
0x7: {  	s23 =	sshll.u32 s26, $0x6;
	p1 =	sne.s32 s26, $0xF;
	p2 =	seq.s32 s26, $0xF  }
0x8: {  	s3 =	sshll.u32 s0, $0x4;
	s10 =	ssub.s32 $0x2, s0;
	p0 =	seq.s32 s0, $0x1  }
0x9: {  	s0 =	simm.s32 $0x0;
	s4 =	sor.u32 s26, s3;
	s3 =	simm.s32 $0x0  }
0xa: {  	s8 =	sadd.s32 s7, s1;
	s12 =	sshrl.u32 s10, $0x1;
	s9 =	sshrl.u32 s9, $0x2  }
0xb: {  	s24 =	sadd.s32 s17, s7;
	s25 =	sadd.s32 s18, s7;
	s26 =	simm.s32 $0xA880  }
0xc: {  	s4 =	smul.u32 $0x2800, s4;
	[smem:$0x7FF] =	sst s3;
	s8 =	sadd.s32 $0x1DC00, s8  }
0xd: {  	s15 =	ssub.s32 s10, s12;
	_ =	strace $0x80000047;
	[dreg:$0x5] =	wrdreg s8  }
0xe: {  	s16 =	sadd.s32 s9, s2;
	s10 =	sor.u32 $0x1C05, s23;
	[dreg:$0x3] =	wrdreg s17  }
0xf: {  	s12 =	sadd.s32 $0x44C00, s1;
	s23 =	simm.s32 $0xA800;
	[dreg:$0x7] =	wrdreg s24  }
.Ltmp0:
0x10: {  	s8 =	sadd.s32 $0x138000, s2;
	[dreg:$0x4] =	wrdreg s18;
	(pc) =	sbr.rel .LBB2_1-.Ltmp0, $4  }
0x11: {  	[dreg:$0x8] =	wrdreg s25;
	s17 =	smax.u32 s15, $0x1;
	s19 =	sshrl.u32 s16, $0x3  }
0x12: {  	s24 =	simm.s32 $0x80;
	s25 =	simm.s32 $0x6800;
	s11 =	sshrl.u32 s4, $0x3  }
0x13: {  	[dreg:$0x6] =	wrdreg s8;
	s13 =	sadd.s32 s11, s1;
	s14 =	sadd.s32 s6, s11  }
0x14: {  	s21 =	sshrl.u32 @!p1 s8, $0x3;
	s13 =	sadd.s32 $0x5C00, s13;
	s18 =	sadd.s32 $0x4F0, s14  }
.LBB2_6:
0x15: {  	s7 =	rddreg [dreg:$0x6]  }
0x16: {  	s1 =	sadd.s32 $0x27000, s1;
	s7 =	sshrl.u32 s7, $0x3  }
0x17: {  	[hbm:s1], [sflag:s10] =	dma.local [spmem:s7], $0x100  }
0x18: {  	_ =	swait.ge [sflag:s20], $0x100  }
0x19: {  	[sflag:s20] =	ssyncset.done $0x0  }
0x1a: {  	[sflag:s20] =	ssyncadd.s32 $0xFFFFFF00  }
.LBB2_7:
0x1b: {  	s0 =	sadd.s32 $0x1, s0  }
0x1c: {  	p3 =	sne.s32 s0, s17  }
.Ltmp1:
0x1d: {  	_ = 	snop;
	(pc) =	sbr.rel @!p3 .LBB2_8-.Ltmp1, $1  }
0x1e: {  	_ =	sdelay $0x3  }
.LBB2_1:
0x1f: {  	s1 =	rddreg [dreg:$0x5]  }
0x20: {  	[spmem:s19], [sflag:s10] =	dma.local [hbm:s1], $0x2700  }
0x21: {  	_ =	swait.ge [sflag:s20], $0x2700  }
0x22: {  	[sflag:s20] =	ssyncset.done $0x0  }
0x23: {  	s1 =	simm.s32 @!p1 $0x5;
	[sflag:s20] =	ssyncadd.s32 $0xFFFFD900  }
0x24: {  	[spmem:s21], [sflag:s10] =	dma.local @!p1 [hbm:s12], $0x100  }
0x25: {  	_ =	swait.ge @!p1 [sflag:s1], $0x100  }
0x26: {  	[sflag:s1] =	ssyncset.done @!p1 $0x0  }
0x27: {  	[sflag:s1] =	ssyncadd.s32 @!p1 $0xFFFFFF00  }
0x28: {  	[bflag:$0x0] =	sbarrier.arrive $0xFFFF  }
0x29: {  	[tilespmem:s3], [sflag:$0x5] =	stream.linear.gather [hbm4b:s13+s3], $0x2800, $0x38;
	[tilespmem:$0x1E200] =	vst v63  }
0x2a: {  	s7 =	simm.s32 $0x0;
	_ =	swait.ge [sflag:s20], $0x2800  }
0x2b: {  	s1 =	sand.u32 $0x3C00, s7;
	s7 =	simm.s32 $0x80;
	[sflag:s20] =	ssyncset.done $0x0  }
0x2c: {  	s1 =	sadd.s32 s4, s1;
	s7 =	sand.u32 $0x380, s7;
	[sflag:s20] =	ssyncadd.s32 $0xFFFFD800  }
0x2d: {  	[tilespmem:s22], [sflag:$0x1] =	stream.indirect.gather [hbm4b:s5+s24], $0x80, s3, s24, $0xb8;
	[tilespmem:$0x1E200] =	vst v63  }
0x2e: {  	s1 =	sor.u32 s1, s7  }
0x2f: {  	[tilespmem:s23], [sflag:$0x3] =	stream.linear.gather [hbm4b:s14+s3], $0x80, $0x38;
	[tilespmem:$0x1E200] =	vst v63  }
0x30: {  	s1 =	sshrl.u32 s1, $0x3  }
0x31: {  	[tilespmem:s25], [sflag:$0x2] =	stream.indirect.gather [hbm4b:s5+s24], $0x80, s24, s24, $0xb8;
	[tilespmem:$0x1E200] =	vst v63  }
0x32: {  	s1 =	sadd.s32 s6, s1  }
0x33: {  	[tilespmem:s26], [sflag:$0x4] =	stream.linear.gather [hbm4b:s1+s3], $0x80, $0x38;
	[tilespmem:$0x1E200] =	vst v63  }
0x34: {  	_ =	swait.ge [sflag:s28], $0x4000  }
0x35: {  	[sflag:s28] =	ssyncset.done $0x0  }
0x36: {  	[sflag:s28] =	ssyncadd.s32 $0xFFFFC000  }
0x37: {  	_ =	swait.ge [sflag:s29], $0x80  }
0x38: {  	s8 =	simm.s32 $0x100;
	[sflag:s29] =	ssyncset.done $0x0  }
0x39: {  	s9 =	sand.u32 $0x7C00, s8;
	[sflag:s29] =	ssyncadd.s32 $0xFFFFFF80  }
0x3a: {  	[spmem:s2] =	stream.indirect.scatter.add.f32 [tilespmem:s22], [sflag:$0x5], $0x80, s23, s24, $0xb8;
	[tilespmem:$0x1E200] =	vst v63  }
0x3b: {  	s7 =	sadd.s32 s4, s9;
	s1 =	sand.u32 $0x300, s8;
	_ =	swait.ge [sflag:s20], $0x4000  }
0x3c: {  	s1 =	sor.u32 s1, s7;
	[sflag:s20] =	ssyncset.done $0x0  }
0x3d: {  	s8 =	simm.s32 $0x100;
	s1 =	sshrl.u32 s1, $0x3;
	[sflag:s20] =	ssyncadd.s32 $0xFFFFC000  }
0x3e: {  	[tilespmem:s22], [sflag:$0x1] =	stream.indirect.gather [hbm4b:s5+s24], $0x80, s8, s24, $0xb8;
	[tilespmem:$0x1E200] =	vst v63  }
0x3f: {  	s1 =	sadd.s32 s6, s1  }
0x40: {  	[tilespmem:s23], [sflag:$0x3] =	stream.linear.gather [hbm4b:s1+s3], $0x80, $0x38;
	[tilespmem:$0x1E200] =	vst v63  }
0x41: {  	_ =	swait.ge [sflag:s30], $0x4000  }
0x42: {  	s16 =	simm.s32 $0x200;
	s11 =	simm.s32 $0x100;
	[sflag:s30] =	ssyncset.done $0x0  }
0x43: {  	s15 =	simm.s32 $0x180;
	s7 =	simm.s32 $0x300;
	[sflag:s30] =	ssyncadd.s32 $0xFFFFC000  }
0x44: {  	s1 =	sand.u32 $0x3C00, s11;
	s11 =	simm.s32 $0x180;
	_ =	swait.ge [sflag:s31], $0x80  }
.LBB2_2:
0x45: {  	s1 =	sadd.s32 s4, s1  }
0x46: {  	s11 =	sand.u32 $0x380, s11;
	[sflag:s31] =	ssyncset.done $0x0;
	s9 =	smov.u32 s7  }
0x47: {  	s8 =	sadd.s32 $0x100, s7;
	s1 =	sor.u32 s1, s11;
	[sflag:s31] =	ssyncadd.s32 $0xFFFFFF80  }
0x48: {  	[spmem:s2] =	stream.indirect.scatter.add.f32 [tilespmem:s25], [sflag:$0x5], $0x80, s26, s24, $0xb8;
	[tilespmem:$0x1E200] =	vst v63  }
0x49: {  	p3 =	sne.s32 s7, $0x2700;
	s1 =	sshrl.u32 s1, $0x3;
	_ =	swait.ge [sflag:s20], $0x4000  }
0x4a: {  	[sflag:s20] =	ssyncset.done $0x0  }
0x4b: {  	[sflag:s20] =	ssyncadd.s32 $0xFFFFC000  }
0x4c: {  	[tilespmem:s25], [sflag:$0x2] =	stream.indirect.gather [hbm4b:s5+s24], $0x80, s15, s24, $0xb8;
	[tilespmem:$0x1E200] =	vst v63  }
0x4d: {  	s1 =	sadd.s32 s6, s1  }
0x4e: {  	[tilespmem:s26], [sflag:$0x4] =	stream.linear.gather [hbm4b:s1+s3], $0x80, $0x38;
	[tilespmem:$0x1E200] =	vst v63  }
0x4f: {  	_ =	swait.ge [sflag:s28], $0x4000  }
0x50: {  	[sflag:s28] =	ssyncset.done $0x0  }
0x51: {  	[sflag:s28] =	ssyncadd.s32 $0xFFFFC000  }
0x52: {  	_ =	swait.ge [sflag:s29], $0x80  }
0x53: {  	[sflag:s29] =	ssyncset.done $0x0  }
0x54: {  	[sflag:s29] =	ssyncadd.s32 $0xFFFFFF80  }
0x55: {  	[spmem:s2] =	stream.indirect.scatter.add.f32 [tilespmem:s22], [sflag:$0x5], $0x80, s23, s24, $0xb8;
	[tilespmem:$0x1E200] =	vst v63  }
0x56: {  	s1 =	sand.u32 $0x7C00, s16;
	_ =	swait.ge [sflag:s20], $0x4000  }
0x57: {  	s7 =	sand.u32 $0x300, s16;
	s1 =	sadd.s32 s4, s1;
	[sflag:s20] =	ssyncset.done $0x0  }
0x58: {  	s11 =	sadd.s32 $0x80, s15;
	s1 =	sor.u32 s7, s1;
	[sflag:s20] =	ssyncadd.s32 $0xFFFFC000  }
0x59: {  	[tilespmem:s22], [sflag:$0x1] =	stream.indirect.gather [hbm4b:s5+s24], $0x80, s11, s24, $0xb8;
	[tilespmem:$0x1E200] =	vst v63  }
0x5a: {  	s16 =	smov.u32 s9;
	s1 =	sshrl.u32 s1, $0x3  }
0x5b: {  	s1 =	sadd.s32 s6, s1  }
0x5c: {  	[tilespmem:s23], [sflag:$0x3] =	stream.linear.gather [hbm4b:s1+s3], $0x80, $0x38;
	[tilespmem:$0x1E200] =	vst v63  }
.Ltmp2:
0x5d: {  	_ = 	snop;
	(pc) =	sbr.rel @p3 .LBB2_2-.Ltmp2, $4  }
0x5e: {  	_ =	swait.ge [sflag:s30], $0x4000  }
0x5f: {  	s15 =	sadd.s32 $0x100, s15;
	[sflag:s30] =	ssyncset.done $0x0  }
0x60: {  	s7 =	smov.u32 s8;
	s1 =	sadd.s32 $0xFFFFFF00, s16;
	[sflag:s30] =	ssyncadd.s32 $0xFFFFC000  }
0x61: {  	s11 =	sadd.s32 $0xFFFFFF80, s16;
	s1 =	sand.u32 $0x3C00, s1;
	_ =	swait.ge [sflag:s31], $0x80  }
0x62: {  	[sflag:s31] =	ssyncset.done $0x0  }
0x63: {  	[sflag:s31] =	ssyncadd.s32 $0xFFFFFF80  }
0x64: {  	[spmem:s2] =	stream.indirect.scatter.add.f32 [tilespmem:s25], [sflag:$0x5], $0x80, s26, s24, $0xb8;
	[tilespmem:$0x1E200] =	vst v63  }
0x65: {  	s1 =	sadd.s32 s4, s1;
	s7 =	sand.u32 $0x380, s11;
	_ =	swait.ge [sflag:s20], $0x4000  }
0x66: {  	s1 =	sor.u32 s1, s7;
	[sflag:s20] =	ssyncset.done $0x0  }
0x67: {  	s1 =	sshrl.u32 s1, $0x3;
	[sflag:s20] =	ssyncadd.s32 $0xFFFFC000  }
0x68: {  	[tilespmem:s25], [sflag:$0x2] =	stream.indirect.gather [hbm4b:s5+s24], $0x80, s15, s24, $0xb8;
	[tilespmem:$0x1E200] =	vst v63  }
0x69: {  	s1 =	sadd.s32 s6, s1  }
0x6a: {  	[tilespmem:s26], [sflag:$0x4] =	stream.linear.gather [hbm4b:s1+s3], $0x80, $0x38;
	[tilespmem:$0x1E200] =	vst v63  }
0x6b: {  	_ =	swait.ge [sflag:s28], $0x4000  }
0x6c: {  	[sflag:s28] =	ssyncset.done $0x0  }
0x6d: {  	[sflag:s28] =	ssyncadd.s32 $0xFFFFC000  }
0x6e: {  	_ =	swait.ge [sflag:s29], $0x80  }
0x6f: {  	[sflag:s29] =	ssyncset.done $0x0  }
0x70: {  	s9 =	sand.u32 $0x7C00, s16;
	[sflag:s29] =	ssyncadd.s32 $0xFFFFFF80  }
0x71: {  	[spmem:s2] =	stream.indirect.scatter.add.f32 [tilespmem:s22], [sflag:$0x5], $0x80, s23, s24, $0xb8;
	[tilespmem:$0x1E200] =	vst v63  }
0x72: {  	s11 =	sand.u32 $0x300, s16;
	s1 =	sadd.s32 s4, s9;
	_ =	swait.ge [sflag:s20], $0x4000  }
0x73: {  	s1 =	sor.u32 s11, s1;
	[sflag:s20] =	ssyncset.done $0x0  }
0x74: {  	s8 =	sadd.s32 $0x80, s15;
	s1 =	sshrl.u32 s1, $0x3;
	[sflag:s20] =	ssyncadd.s32 $0xFFFFC000  }
0x75: {  	[tilespmem:s22], [sflag:$0x1] =	stream.indirect.gather [hbm4b:s5+s24], $0x80, s8, s24, $0xb8;
	[tilespmem:$0x1E200] =	vst v63  }
0x76: {  	s1 =	sadd.s32 s6, s1  }
0x77: {  	[tilespmem:s23], [sflag:$0x3] =	stream.linear.gather [hbm4b:s1+s3], $0x80, $0x38;
	[tilespmem:$0x1E200] =	vst v63  }
0x78: {  	_ =	swait.ge [sflag:s30], $0x4000  }
0x79: {  	[sflag:s30] =	ssyncset.done $0x0  }
0x7a: {  	[sflag:s30] =	ssyncadd.s32 $0xFFFFC000  }
0x7b: {  	_ =	swait.ge [sflag:s31], $0x80  }
0x7c: {  	[sflag:s31] =	ssyncset.done $0x0  }
0x7d: {  	[sflag:s31] =	ssyncadd.s32 $0xFFFFFF80  }
0x7e: {  	[spmem:s2] =	stream.indirect.scatter.add.f32 [tilespmem:s25], [sflag:$0x5], $0x80, s26, s24, $0xb8;
	[tilespmem:$0x1E200] =	vst v63  }
0x7f: {  	_ =	swait.ge [sflag:s20], $0x4000  }
0x80: {  	[sflag:s20] =	ssyncset.done $0x0  }
0x81: {  	s16 =	simm.s32 $0x2780;
	[sflag:s20] =	ssyncadd.s32 $0xFFFFC000  }
0x82: {  	[tilespmem:s25], [sflag:$0x2] =	stream.indirect.gather [hbm4b:s5+s24], $0x80, s16, s24, $0xb8;
	[tilespmem:$0x1E200] =	vst v63  }
0x83: {  	_ = 	snop  }
0x84: {  	[tilespmem:s26], [sflag:$0x4] =	stream.linear.gather [hbm4b:s18+s3], $0x80, $0x38;
	[tilespmem:$0x1E200] =	vst v63  }
0x85: {  	_ =	swait.ge [sflag:s28], $0x4000  }
0x86: {  	[sflag:s28] =	ssyncset.done $0x0  }
0x87: {  	[sflag:s28] =	ssyncadd.s32 $0xFFFFC000  }
0x88: {  	_ =	swait.ge [sflag:s29], $0x80  }
0x89: {  	[sflag:s29] =	ssyncset.done $0x0  }
0x8a: {  	[sflag:s29] =	ssyncadd.s32 $0xFFFFFF80  }
0x8b: {  	[spmem:s2] =	stream.indirect.scatter.add.f32 [tilespmem:s22], [sflag:$0x5], $0x80, s23, s24, $0xb8;
	[tilespmem:$0x1E200] =	vst v63  }
0x8c: {  	_ =	swait.ge [sflag:s20], $0x4000  }
0x8d: {  	[sflag:s20] =	ssyncset.done $0x0  }
0x8e: {  	[sflag:s20] =	ssyncadd.s32 $0xFFFFC000  }
0x8f: {  	_ =	swait.ge [sflag:s30], $0x4000  }
0x90: {  	[sflag:s30] =	ssyncset.done $0x0  }
0x91: {  	[sflag:s30] =	ssyncadd.s32 $0xFFFFC000  }
0x92: {  	_ =	swait.ge [sflag:s31], $0x80  }
0x93: {  	[sflag:s31] =	ssyncset.done $0x0  }
0x94: {  	[sflag:s31] =	ssyncadd.s32 $0xFFFFFF80  }
0x95: {  	[spmem:s2] =	stream.indirect.scatter.add.f32 [tilespmem:s25], [sflag:$0x5], $0x80, s26, s24, $0xb8;
	[tilespmem:$0x1E200] =	vst v63  }
.Ltmp3:
0x96: {  	_ =	swait.ge [sflag:s20], $0x4000;
	(pc) =	sbr.rel @!p0 .LBB2_4-.Ltmp3, $3  }
0x97: {  	[sflag:s20] =	ssyncset.done $0x0  }
0x98: {  	[sflag:s20] =	ssyncadd.s32 $0xFFFFC000  }
0x99: {  	[bflag:$0x0] =	sbarrier.arrive $0xFFFF;
	_ =	sdelay $0x1  }
0x9a: {  	s1 =	rddreg [dreg:$0x8]  }
0x9b: {  	[hbm:s1], [sflag:s10] =	dma.local [spmem:s19], $0x2700  }
.Ltmp4:
0x9c: {  	_ = 	snop;
	(pc) =	sbr.rel @p1 .LBB2_7-.Ltmp4, $4  }
.Ltmp5:
0x9d: {  	_ = 	snop;
	(pc) =	sbr.rel @!p1 .LBB2_6-.Ltmp5, $4  }
0x9e: {  	_ =	swait.ge [sflag:s20], $0x2700  }
0x9f: {  	[sflag:s20] =	ssyncset.done $0x0  }
0xa0: {  	s1 =	rddreg [dreg:$0x4];
	[sflag:s20] =	ssyncadd.s32 $0xFFFFD900  }
0xa1: {  	_ = 	snop  }
.LBB2_4:
0xa2: {  	s1 =	rddreg [dreg:$0x7]  }
0xa3: {  	[hbm:s1], [sflag:s10] =	dma.local [spmem:s19], $0x2700  }
.Ltmp6:
0xa4: {  	_ = 	snop;
	(pc) =	sbr.rel @p2 .LBB2_6-.Ltmp6, $4  }
.Ltmp7:
0xa5: {  	_ = 	snop;
	(pc) =	sbr.rel @!p2 .LBB2_7-.Ltmp7, $4  }
0xa6: {  	_ =	swait.ge [sflag:s20], $0x2700  }
0xa7: {  	[sflag:s20] =	ssyncset.done $0x0  }
0xa8: {  	s1 =	rddreg [dreg:$0x3];
	[sflag:s20] =	ssyncadd.s32 $0xFFFFD900  }
0xa9: {  	_ = 	snop  }
.LBB2_8:
0xaa: {  	_ =	sfence.sel $0x180000  }
0xab: {  	[bflag:$0x0] =	sbarrier.arrive $0xFFFF  }
0xac: {  	_ =	strace $0x90000047  }
0xad: {  	s0 =	stileid.u32;
	[bflag:$0x2] =	sbarrier.arrive $0xFFFF  }
0xae: {  	p0 =	sne.s32 s0, $0x0;
	s0 =	rddreg [dreg:$0x2]  }
0xaf: {  	s0 =	sadd.s32 @!p0 $0x100000, s0  }
0xb0: {  	[sflag:s0] =	ssyncadd.tile.s32 @!p0 $0x1;
	_ =	shalt  }
.Lfunc_end2:
_tile_overlayer_lowered:
.L_overlay_start_2:
0xb1: {  	(tag) =	ssettag $0x2  }
0xb2: {  	s0 =	rddreg [dreg:$0x0];
	s2 =	stileid.u32  }
0xb3: {  	s1 =	rddreg [dreg:$0x1];
	p0 =	sne.s32 s2, $0x0  }
0xb4: {  	s3 =	rddreg [dreg:$0x2];
	[bflag:$0x3] =	sbarrier.arrive $0xFFFF;
	s2 =	simm.s32 @!p0 $0x1C05  }
0xb5: {  	[timem:s3], [sflag:s2] =	dma.local @!p0 [hbm:s0], s1  }
0xb6: {  	s0 =	simm.s32 @!p0 $0x5  }
0xb7: {  	_ =	swait.ge @!p0 [sflag:s0], s1  }
0xb8: {  	s1 =	ssub.s32 @!p0 $0x0, s1;
	[sflag:s0] =	ssyncset.done @!p0 $0x0  }
0xb9: {  	[sflag:s0] =	ssyncadd.s32 @!p0 s1  }
0xba: {  	[bflag:$0x3] =	sbarrier.arrive $0xFFFF  }
0xbb: {  	_ =	shalt  }

// kernel: kernel.16.cloned.1.call-start
scs
__scs_entry_jumppad:
0x0: {  	(pc) =	sbr.rel $0x88, $3  }
0x1: {  	(tag) =	ssettag $0x0;
	lr =	simm.s32 $0x1  }
0x2: {  	[smem:$0x3F95] =	sst lr;
	_ =	strace $0xD0000000  }
0x3: {  	_ = 	snop  }
0x4: {  	_ = 	snop  }
0x5: {  	_ = 	snop  }
0x6: {  	_ = 	snop  }
0x7: {  	_ = 	snop  }
__scs_overlays_trampoline_lowered:
0x8: {  	[smem:$0x3FA4] =	sst s0  }
0x9: {  	[smem:$0x3FA5] =	sst s1  }
0xa: {  	[smem:$0x3FA6] =	sst s2  }
0xb: {  	[smem:$0x3FA7] =	sst s3  }
0xc: {  	[smem:$0x3FA8] =	sst s4  }
0xd: {  	[smem:$0x3FA9] =	sst s5  }
0xe: {  	[smem:$0x3FAA] =	sst s6  }
0xf: {  	[smem:$0x3FAB] =	sst s7  }
0x10: {  	[smem:$0x3FAC] =	sst s8  }
0x11: {  	[smem:$0x3FAD] =	sst s9;
	s0 =	simm.s32 @!p0 $0x0  }
0x12: {  	s1 =	sld [smem:$0x3F93];
	s0 =	simm.s32 @p0 $0x1  }
0x13: {  	[smem:$0x3FAE] =	sst s0;
	s0 =	simm.s32 @!p1 $0x0  }
0x14: {  	s2 =	sld [smem:$0x3F92];
	s0 =	simm.s32 @p1 $0x1  }
0x15: {  	[smem:$0x3FAF] =	sst s0;
	s0 =	simm.s32 @!p2 $0x0  }
0x16: {  	s3 =	sld [smem:$0x3FDB];
	s0 =	simm.s32 @p2 $0x1  }
0x17: {  	s4 =	simm.s32 $0x1BF5;
	[smem:$0x3FB1] =	sst s0  }
0x18: {  	s0 =	sld [smem:$0x3F94];
	_ =	swait.ge [sflag:s4], $0x0  }
0x19: {  	s7 =	sld [smem:$0x3F95]  }
0x1a: {  	s8 =	sadd.s32 $0xFFFFE003, lr  }
0x1b: {  	s9 =	sadd.s32 $0xFFFFFEF7, lr;
	s5 =	simm.s32 $0xFFFFFFFF;
	p2 =	slt.u32 s8, $0xFFFFF086  }
0x1c: {  	p1 =	slt.u32 s9, $0xF7A;
	s5 =	simm.s32 @!p2 $0x0  }
0x1d: {  	s5 =	simm.s32 @p1 $0x1;
	p0 =	seq.s32 s7, s2  }
0x1e: {  	s7 =	smul.u32 @!p0 $0xF7A, s2;
	p2 =	seq.s32 @!p0 s5, $0x0  }
0x1f: {  	s9 =	smul.u32 $0xF7A, s1;
	s8 =	simm.s32 @!p0 $0x1BF5;
	p2 =	por !p2, p0  }
0x20: {  	[sflag:s8] =	ssyncset.s32 @!p0 $0xFFFFF086;
	s6 =	sadd.s32 @!p0 s3, s7;
	s7 =	simm.s32 @!p0 $0x108  }
0x21: {  	s3 =	sadd.s32 s3, s9;
	s6 =	sadd.s32 @!p0 $0x88, s6;
	s7 =	simm.s32 @p2 $0x1082  }
0x22: {  	[simem:s7], [sflag:s8] =	dma.local @!p0 [hbm:s6], $0xF7A  }
0x23: {  	s9 =	sor.u32 $0xD0000000, s2;
	s6 =	simm.s32 $0x108;
	_ =	swait.ge @!p0 [sflag:s8], $0x0  }
0x24: {  	s3 =	sadd.s32 $0x88, s3;
	s6 =	simm.s32 @!p1 $0x1082;
	[sflag:s4] =	ssyncset.s32 $0xFFFFF086  }
0x25: {  	[simem:s6], [sflag:s4] =	dma.local [hbm:s3], $0xF7A  }
0x26: {  	[smem:$0x3F95] =	sst s1;
	(tag) =	ssettag s2;
	_ =	strace s9  }
0x27: {  	s1 =	sld [smem:$0x3FA5]  }
0x28: {  	s2 =	sld [smem:$0x3FA6]  }
0x29: {  	s4 =	sld [smem:$0x3FA8]  }
0x2a: {  	p0 =	seq.s32 s5, $0x0;
	s5 =	sld [smem:$0x3FA9]  }
0x2b: {  	s6 =	sld [smem:$0x3FAA]  }
0x2c: {  	s7 =	sld [smem:$0x3FAB]  }
0x2d: {  	s3 =	simm.s32 $0x108;
	s8 =	sld [smem:$0x3FAC]  }
0x2e: {  	s3 =	simm.s32 @!p0 $0x1082;
	s9 =	sld [smem:$0x3FAD]  }
0x2f: {  	lr =	sadd.s32 s0, s3;
	s0 =	sld [smem:$0x3FA4]  }
0x30: {  	s3 =	sld [smem:$0x3FA7]  }
0x31: {  	[smem:$0x3FB0] =	sst s10  }
0x32: {  	s10 =	sld [smem:$0x3FAE];
	_ =	sdelay $0x3  }
0x33: {  	p0 =	seq.s32 s10, $0x1;
	s10 =	sld [smem:$0x3FB0];
	_ =	sdelay $0x3  }
0x34: {  	[smem:$0x3FB0] =	sst s10  }
0x35: {  	s10 =	sld [smem:$0x3FAF];
	_ =	sdelay $0x3  }
0x36: {  	p1 =	seq.s32 s10, $0x1;
	s10 =	sld [smem:$0x3FB0];
	_ =	sdelay $0x3  }
0x37: {  	[smem:$0x3FB0] =	sst s10  }
0x38: {  	s10 =	sld [smem:$0x3FB1]  }
0x39: {  	_ = 	snop;
	(pc) =	sbr.ind lr, $3  }
0x3a: {  	_ = 	snop  }
0x3b: {  	_ = 	snop  }
0x3c: {  	p2 =	seq.s32 s10, $0x1;
	s10 =	sld [smem:$0x3FB0]  }
0x3d: {  	_ =	shalt  }
0x3e: {  	_ =	shalt  }
0x3f: {  	_ =	shalt  }
0x40: {  	_ =	shalt  }
0x41: {  	_ =	shalt  }
0x42: {  	_ =	shalt  }
0x43: {  	_ =	shalt  }
0x44: {  	_ =	shalt  }
0x45: {  	_ =	shalt  }
0x46: {  	_ =	shalt  }
0x47: {  	_ =	shalt  }
0x48: {  	_ =	shalt  }
0x49: {  	_ =	shalt  }
0x4a: {  	_ =	shalt  }
0x4b: {  	_ =	shalt  }
0x4c: {  	_ =	shalt  }
0x4d: {  	_ =	shalt  }
0x4e: {  	_ =	shalt  }
0x4f: {  	_ =	shalt  }
0x50: {  	_ =	shalt  }
0x51: {  	_ =	shalt  }
0x52: {  	_ =	shalt  }
0x53: {  	_ =	shalt  }
0x54: {  	_ =	shalt  }
0x55: {  	_ =	shalt  }
0x56: {  	_ =	shalt  }
0x57: {  	_ =	shalt  }
0x58: {  	_ =	shalt  }
0x59: {  	_ =	shalt  }
0x5a: {  	_ =	shalt  }
0x5b: {  	_ =	shalt  }
0x5c: {  	_ =	shalt  }
0x5d: {  	_ =	shalt  }
0x5e: {  	_ =	shalt  }
0x5f: {  	_ =	shalt  }
0x60: {  	_ =	shalt  }
0x61: {  	_ =	shalt  }
0x62: {  	_ =	shalt  }
0x63: {  	_ =	shalt  }
0x64: {  	_ =	shalt  }
0x65: {  	_ =	shalt  }
0x66: {  	_ =	shalt  }
0x67: {  	_ =	shalt  }
0x68: {  	_ =	shalt  }
0x69: {  	_ =	shalt  }
0x6a: {  	_ =	shalt  }
0x6b: {  	_ =	shalt  }
0x6c: {  	_ =	shalt  }
0x6d: {  	_ =	shalt  }
0x6e: {  	_ =	shalt  }
0x6f: {  	_ =	shalt  }
0x70: {  	_ =	shalt  }
0x71: {  	_ =	shalt  }
0x72: {  	_ =	shalt  }
0x73: {  	_ =	shalt  }
0x74: {  	_ =	shalt  }
0x75: {  	_ =	shalt  }
0x76: {  	_ =	shalt  }
0x77: {  	_ =	shalt  }
0x78: {  	_ =	shalt  }
0x79: {  	_ =	shalt  }
0x7a: {  	_ =	shalt  }
0x7b: {  	_ =	shalt  }
0x7c: {  	_ =	shalt  }
0x7d: {  	_ =	shalt  }
0x7e: {  	_ =	shalt  }
0x7f: {  	_ =	shalt  }
0x80: {  	_ =	shalt  }
0x81: {  	_ =	shalt  }
0x82: {  	_ =	shalt  }
0x83: {  	_ =	shalt  }
0x84: {  	_ =	shalt  }
0x85: {  	_ =	shalt  }
0x86: {  	_ =	shalt  }
0x87: {  	_ =	shalt  }
.Lfunc_end0:
.L_simem_size_0:
called_computation.1_lowered:
.L_overlay_start_0:
0x88: {  	s2 =	sld [smem:$0x3FD9]  }
0x89: {  	s3 =	sld [smem:$0x3FFE];
	_ =	sdelay $0x1  }
0x8a: {  	s1 =	srdreg.scid  }
0x8b: {  	s0 =	sand.u32 $0x1, s1  }
0x8c: {  	s17 =	sshll.u32 s0, $0xA;
	s2 =	sadd.s32 s3, s2  }
0x8d: {  	s2 =	sadd.s32 s2, s17  }
0x8e: {  	[smem:$0x3FBC] =	sst s2  }
0x8f: {  	_ = 	snop  }
0x90: {  	s18 =	sld [smem:$0x3FD0];
	(tm) =	ssettm $0x1  }
0x91: {  	s19 =	sld [smem:$0x3FFB];
	_ =	sdelay $0x3  }
0x92: {  	_ =	strace s19  }
0x93: {  	s2 =	sld [smem:$0x3FFC];
	_ =	sdelay $0x3  }
0x94: {  	_ =	strace s2  }
0x95: {  	s2 =	sld [smem:$0x3FFD];
	_ =	sdelay $0x3  }
0x96: {  	_ =	strace s2  }
0x97: {  	_ =	strace $0x8FFFFFFF  }
0x98: {  	s20 =	sld [smem:$0x3FDB];
	_ =	sdelay $0x1  }
0x99: {  	s4 =	simm.s32 $_scs_section_size  }
0x9a: {  	s5 =	simm.s32 $_size__tile_overlayer_lowered;
	s6 =	simm.s32 $_tile_overlayer_lowered  }
0x9b: {  	s7 =	simm.s32 $0x1BFF;
	s21 =	sshll.u32 s6, $0x1;
	s4 =	sadd.s32 s4, s20  }
0x9c: {  	s22 =	simm.s32 $0x0;
	s5 =	sshll.u32 s5, $0x1;
	s6 =	sadd.s32 s21, s4  }
0x9d: {  	[timem:s22], [sflag:s7] =	dma.local [hbm:s6], s5  }
0x9e: {  	_ =	swait.ge [sflag:s7], s5  }
0x9f: {  	s5 =	ssub.s32 $0x0, s5;
	[sflag:s7] =	ssyncset.done $0x0  }
0xa0: {  	[sflag:s7] =	ssyncadd.s32 s5;
	_ =	sdelay $0x1  }
0xa1: {  	s23 =	simm.s32 $0x1B8B  }
0xa2: {  	_ =	swait.ge [sflag:s23], $0x1  }
0xa3: {  	[sflag:s23] =	ssyncset.done $0x0  }
0xa4: {  	[sflag:s23] =	ssyncadd.s32 $0xFFFFFFFF  }
0xa5: {  	s5 =	sld [smem:$0x0]  }
0xa6: {  	s6 =	sand.u32 $0xFFFFFFFE, s1  }
0xa7: {  	p0 =	sne.s32 s1, s6  }
0xa8: {  	s6 =	sshll.u32 @p0 s6, $0xE  }
0xa9: {  	s6 =	sadd.s32 @p0 $0x11B8D, s6;
	s7 =	sshll.u32 @p0 s5, $0x11  }
0xaa: {  	s6 =	sor.u32 @p0 s7, s6  }
0xab: {  	[sflag:s6] =	ssyncadd.remote.s32 @p0 $0x1;
	_ =	sdelay $0x1  }
0xac: {  	s6 =	simm.s32 @p0 $0x1B8D  }
0xad: {  	_ =	swait.eq @p0 [sflag:s6], $0x1  }
0xae: {  	[sflag:s6] =	ssyncadd.s32 @p0 $0xFFFFFFFF  }
0xaf: {  	s7 =	sshll.u32 @!p0 s1, $0xE  }
0xb0: {  	s7 =	sor.u32 @!p0 $0x4000, s7;
	s6 =	simm.s32 @!p0 $0x1B8D  }
0xb1: {  	s5 =	sshll.u32 @!p0 s5, $0x11;
	s7 =	sadd.s32 @!p0 $0x11B8D, s7;
	_ =	swait.eq @!p0 [sflag:s6], $0x1  }
0xb2: {  	s5 =	sor.u32 @!p0 s5, s7;
	[sflag:s6] =	ssyncadd.s32 @!p0 $0xFFFFFFFF  }
0xb3: {  	s25 =	simm.s32 $0x1B8E;
	s24 =	sld [smem:$0x3FFE];
	[sflag:s5] =	ssyncadd.remote.s32 @!p0 $0x1  }
0xb4: {  	s26 =	simm.s32 $execute0_lowered;
	[smem:$0x3FD2] =	sst s25  }
0xb5: {  	s6 =	sshll.u32 s26, $0x1;
	_ =	strace $0x80000049;
	[dreg:$0x1] =	wrdreg $0xFFFFFFFF  }
0xb6: {  	s28 =	simm.s32 $_size_execute0_lowered;
	s4 =	sadd.s32 s4, s6;
	[dreg:$0x0] =	wrdreg $0x0  }
0xb7: {  	s6 =	sshll.u32 s28, $0x1;
	[dreg:$0x2] =	wrdreg s4  }
0xb8: {  	[dreg:$0x3] =	wrdreg s6  }
0xb9: {  	[dreg:$0x4] =	wrdreg $0xC0  }
0xba: {  	_ =	task [dreg:s22], $0x5FFFF  }
0xbb: {  	[dreg:$0x1] =	wrdreg $0xFFFFFFFF  }
0xbc: {  	[dreg:$0x0] =	wrdreg $0x60  }
0xbd: {  	[dreg:$0x2] =	wrdreg s18  }
0xbe: {  	[dreg:$0x3] =	wrdreg s24  }
0xbf: {  	[dreg:$0x4] =	wrdreg $0xA9000  }
0xc0: {  	[dreg:$0x5] =	wrdreg $0xA  }
0xc1: {  	_ =	task.clear_ibuf [dreg:s22], $0x6FFFF;
	_ =	strace $0x90000049  }
0xc2: {  	s29 =	simm.s32 $0xA;
	_ =	strace $0x8000004B  }
0xc3: {  	_ =	swait.ge [sflag:s29], $0x1  }
0xc4: {  	[sflag:s29] =	ssyncadd.s32 $0xFFFFFFFF  }
0xc5: {  	_ =	strace $0x9000004B  }
0xc6: {  	_ =	sfence  }
0xc7: {  	s30 =	sld [smem:$0x0];
	_ =	sdelay $0x2  }
0xc8: {  	s31 =	sshll.u32 s1, $0xD;
	s1 =	sshrl.u32 s1, $0x2  }
0xc9: {  	s4 =	sand.u32 $0x4000, s31;
	s1 =	sadd.s32 s1, s30  }
0xca: {  	s0 =	sor.u32 s4, s0;
	s1 =	sshll.u32 s1, $0x11  }
0xcb: {  	s0 =	sor.u32 s1, s0  }
0xcc: {  	s0 =	sadd.s32 $0x8F2B, s0  }
0xcd: {  	[sflag:s0] =	ssyncadd.remote.s32 $0x1  }
0xce: {  	_ =	sfence.sel $0xFFFF  }
0xcf: {  	[dreg:$0x0] =	wrdreg $0xFFFFFFFF;
	(pc) =	sbr.abs _section_cstart, $3  }
0xd0: {  	[dreg:$0x1] =	wrdreg $0xFFFFFFFF  }
0xd1: {  	_ =	task.clear_ibuf [dreg:s22], $0x2FFFF;
	_ =	strace $0x9FFFFFFF  }
0xd2: {  	(tm) =	ssettm $0x7FFFFFFF  }
0xd3: {  	_ =	shalt  }
tec
execute0_lowered:
.L_overlay_start_1:
0x0: {  	(tag) =	ssettag $0x1  }
0x1: {  	s0 =	srdreg.scid;
	s1 =	rddreg [dreg:$0x0]  }
0x2: {  	s2 =	rddreg [dreg:$0x1];
	s16 =	stileid.u32  }
0x3: {  	s3 =	rddreg [dreg:$0x2];
	s20 =	simm.s32 $0x5;
	s28 =	simm.s32 $0x1  }
0x4: {  	s29 =	simm.s32 $0x3;
	s30 =	simm.s32 $0x2;
	s31 =	simm.s32 $0x4  }
0x5: {  	s0 =	sand.u32 $0x1, s0;
	s6 =	sadd.s32 $0xFC00, s2;
	s9 =	smul.u32 $0x4E000, s16  }
0x6: {  	s17 =	sadd.s32 $0x9D200, s2;
	s18 =	sadd.s32 $0xC4400, s2;
	s11 =	smul.u32 $0x2700, s16  }
0x7: {  	s23 =	sshll.u32 s16, $0x6;
	s12 =	sadd.s32 $0x27000, s1;
	s4 =	sshll.u32 s0, $0x4  }
0x8: {  	p1 =	sne.s32 s16, $0xF;
	s5 =	sor.u32 s16, s4;
	s4 =	simm.s32 $0x0  }
0x9: {  	p2 =	seq.s32 s16, $0xF;
	s24 =	sadd.s32 s1, s11;
	[smem:$0x7FF] =	sst s4  }
0xa: {  	s22 =	ssub.s32 $0x2, s0;
	_ =	strace $0x8000004A;
	[dreg:$0x6] =	wrdreg s24  }
0xb: {  	p0 =	seq.s32 s0, $0x1;
	s25 =	sadd.s32 s17, s11;
	[dreg:$0x4] =	wrdreg s17  }
0xc: {  	s0 =	simm.s32 $0x0;
	s10 =	sshrl.u32 s22, $0x1;
	[dreg:$0x8] =	wrdreg s25  }
0xd: {  	s9 =	sshrl.u32 s9, $0x2;
	s26 =	sadd.s32 s18, s11;
	[dreg:$0x5] =	wrdreg s18  }
0xe: {  	s15 =	sadd.s32 s9, s3;
	s9 =	sadd.s32 $0x138000, s3;
	[dreg:$0x9] =	wrdreg s26  }
0xf: {  	s5 =	smul.u32 $0x2800, s5;
	s19 =	sshrl.u32 s15, $0x3;
	[dreg:$0x7] =	wrdreg s9  }
.Ltmp0:
0x10: {  	s21 =	sshrl.u32 @!p1 s9, $0x3;
	s24 =	simm.s32 $0x80;
	(pc) =	sbr.rel .LBB2_1-.Ltmp0, $4  }
0x11: {  	s25 =	simm.s32 $0x6800;
	s26 =	simm.s32 $0xA880;
	s7 =	sshrl.u32 s5, $0x3  }
0x12: {  	s8 =	sadd.s32 s7, s2;
	s2 =	ssub.s32 s22, s10;
	s10 =	sor.u32 $0x1C05, s23  }
0x13: {  	s14 =	sadd.s32 s6, s7;
	s22 =	simm.s32 $0x2800;
	s23 =	simm.s32 $0xA800  }
0x14: {  	s13 =	sadd.s32 $0x93200, s8;
	s17 =	smax.u32 s2, $0x1;
	s18 =	sadd.s32 $0x4F0, s14  }
.LBB2_6:
0x15: {  	s7 =	rddreg [dreg:$0x7]  }
0x16: {  	s2 =	sadd.s32 $0x27000, s2;
	s7 =	sshrl.u32 s7, $0x3  }
0x17: {  	[hbm:s2], [sflag:s10] =	dma.local [spmem:s7], $0x100  }
0x18: {  	_ =	swait.ge [sflag:s20], $0x100  }
0x19: {  	[sflag:s20] =	ssyncset.done $0x0  }
0x1a: {  	[sflag:s20] =	ssyncadd.s32 $0xFFFFFF00  }
.LBB2_7:
0x1b: {  	s0 =	sadd.s32 $0x1, s0  }
0x1c: {  	p3 =	sne.s32 s0, s17  }
.Ltmp1:
0x1d: {  	_ = 	snop;
	(pc) =	sbr.rel @!p3 .LBB2_8-.Ltmp1, $1  }
0x1e: {  	_ =	sdelay $0x3  }
.LBB2_1:
0x1f: {  	s2 =	rddreg [dreg:$0x6]  }
0x20: {  	[spmem:s19], [sflag:s10] =	dma.local [hbm:s2], $0x2700  }
0x21: {  	_ =	swait.ge [sflag:s20], $0x2700  }
0x22: {  	[sflag:s20] =	ssyncset.done $0x0  }
0x23: {  	s2 =	simm.s32 @!p1 $0x5;
	[sflag:s20] =	ssyncadd.s32 $0xFFFFD900  }
0x24: {  	[spmem:s21], [sflag:s10] =	dma.local @!p1 [hbm:s12], $0x100  }
0x25: {  	_ =	swait.ge @!p1 [sflag:s2], $0x100  }
0x26: {  	[sflag:s2] =	ssyncset.done @!p1 $0x0  }
0x27: {  	[sflag:s2] =	ssyncadd.s32 @!p1 $0xFFFFFF00  }
0x28: {  	[bflag:$0x0] =	sbarrier.arrive $0xFFFF  }
0x29: {  	[tilespmem:s4], [sflag:$0x5] =	stream.linear.gather [hbm4b:s13+s4], $0x2800, $0x38;
	[tilespmem:$0x1E200] =	vst v63  }
0x2a: {  	s7 =	simm.s32 $0x0;
	_ =	swait.ge [sflag:s20], $0x2800  }
0x2b: {  	s2 =	sand.u32 $0x3C00, s7;
	s7 =	simm.s32 $0x80;
	[sflag:s20] =	ssyncset.done $0x0  }
0x2c: {  	s2 =	sadd.s32 s5, s2;
	s7 =	sand.u32 $0x380, s7;
	[sflag:s20] =	ssyncadd.s32 $0xFFFFD800  }
0x2d: {  	[tilespmem:s22], [sflag:$0x1] =	stream.indirect.gather [hbm4b:s1+s24], $0x80, s4, s24, $0xb8;
	[tilespmem:$0x1E200] =	vst v63  }
0x2e: {  	s2 =	sor.u32 s2, s7  }
0x2f: {  	[tilespmem:s23], [sflag:$0x3] =	stream.linear.gather [hbm4b:s14+s4], $0x80, $0x38;
	[tilespmem:$0x1E200] =	vst v63  }
0x30: {  	s2 =	sshrl.u32 s2, $0x3  }
0x31: {  	[tilespmem:s25], [sflag:$0x2] =	stream.indirect.gather [hbm4b:s1+s24], $0x80, s24, s24, $0xb8;
	[tilespmem:$0x1E200] =	vst v63  }
0x32: {  	s2 =	sadd.s32 s6, s2  }
0x33: {  	[tilespmem:s26], [sflag:$0x4] =	stream.linear.gather [hbm4b:s2+s4], $0x80, $0x38;
	[tilespmem:$0x1E200] =	vst v63  }
0x34: {  	_ =	swait.ge [sflag:s28], $0x4000  }
0x35: {  	[sflag:s28] =	ssyncset.done $0x0  }
0x36: {  	[sflag:s28] =	ssyncadd.s32 $0xFFFFC000  }
0x37: {  	_ =	swait.ge [sflag:s29], $0x80  }
0x38: {  	s8 =	simm.s32 $0x100;
	[sflag:s29] =	ssyncset.done $0x0  }
0x39: {  	s9 =	sand.u32 $0x7C00, s8;
	[sflag:s29] =	ssyncadd.s32 $0xFFFFFF80  }
0x3a: {  	[spmem:s3] =	stream.indirect.scatter.add.f32 [tilespmem:s22], [sflag:$0x5], $0x80, s23, s24, $0xb8;
	[tilespmem:$0x1E200] =	vst v63  }
0x3b: {  	s7 =	sadd.s32 s5, s9;
	s2 =	sand.u32 $0x300, s8;
	_ =	swait.ge [sflag:s20], $0x4000  }
0x3c: {  	s2 =	sor.u32 s2, s7;
	[sflag:s20] =	ssyncset.done $0x0  }
0x3d: {  	s8 =	simm.s32 $0x100;
	s2 =	sshrl.u32 s2, $0x3;
	[sflag:s20] =	ssyncadd.s32 $0xFFFFC000  }
0x3e: {  	[tilespmem:s22], [sflag:$0x1] =	stream.indirect.gather [hbm4b:s1+s24], $0x80, s8, s24, $0xb8;
	[tilespmem:$0x1E200] =	vst v63  }
0x3f: {  	s2 =	sadd.s32 s6, s2  }
0x40: {  	[tilespmem:s23], [sflag:$0x3] =	stream.linear.gather [hbm4b:s2+s4], $0x80, $0x38;
	[tilespmem:$0x1E200] =	vst v63  }
0x41: {  	_ =	swait.ge [sflag:s30], $0x4000  }
0x42: {  	s16 =	simm.s32 $0x200;
	s11 =	simm.s32 $0x100;
	[sflag:s30] =	ssyncset.done $0x0  }
0x43: {  	s15 =	simm.s32 $0x180;
	s7 =	simm.s32 $0x300;
	[sflag:s30] =	ssyncadd.s32 $0xFFFFC000  }
0x44: {  	s2 =	sand.u32 $0x3C00, s11;
	s11 =	simm.s32 $0x180;
	_ =	swait.ge [sflag:s31], $0x80  }
.LBB2_2:
0x45: {  	s2 =	sadd.s32 s5, s2  }
0x46: {  	s11 =	sand.u32 $0x380, s11;
	[sflag:s31] =	ssyncset.done $0x0;
	s9 =	smov.u32 s7  }
0x47: {  	s8 =	sadd.s32 $0x100, s7;
	s2 =	sor.u32 s2, s11;
	[sflag:s31] =	ssyncadd.s32 $0xFFFFFF80  }
0x48: {  	[spmem:s3] =	stream.indirect.scatter.add.f32 [tilespmem:s25], [sflag:$0x5], $0x80, s26, s24, $0xb8;
	[tilespmem:$0x1E200] =	vst v63  }
0x49: {  	p3 =	sne.s32 s7, $0x2700;
	s2 =	sshrl.u32 s2, $0x3;
	_ =	swait.ge [sflag:s20], $0x4000  }
0x4a: {  	[sflag:s20] =	ssyncset.done $0x0  }
0x4b: {  	[sflag:s20] =	ssyncadd.s32 $0xFFFFC000  }
0x4c: {  	[tilespmem:s25], [sflag:$0x2] =	stream.indirect.gather [hbm4b:s1+s24], $0x80, s15, s24, $0xb8;
	[tilespmem:$0x1E200] =	vst v63  }
0x4d: {  	s2 =	sadd.s32 s6, s2  }
0x4e: {  	[tilespmem:s26], [sflag:$0x4] =	stream.linear.gather [hbm4b:s2+s4], $0x80, $0x38;
	[tilespmem:$0x1E200] =	vst v63  }
0x4f: {  	_ =	swait.ge [sflag:s28], $0x4000  }
0x50: {  	[sflag:s28] =	ssyncset.done $0x0  }
0x51: {  	[sflag:s28] =	ssyncadd.s32 $0xFFFFC000  }
0x52: {  	_ =	swait.ge [sflag:s29], $0x80  }
0x53: {  	[sflag:s29] =	ssyncset.done $0x0  }
0x54: {  	[sflag:s29] =	ssyncadd.s32 $0xFFFFFF80  }
0x55: {  	[spmem:s3] =	stream.indirect.scatter.add.f32 [tilespmem:s22], [sflag:$0x5], $0x80, s23, s24, $0xb8;
	[tilespmem:$0x1E200] =	vst v63  }
0x56: {  	s2 =	sand.u32 $0x7C00, s16;
	_ =	swait.ge [sflag:s20], $0x4000  }
0x57: {  	s7 =	sand.u32 $0x300, s16;
	s2 =	sadd.s32 s5, s2;
	[sflag:s20] =	ssyncset.done $0x0  }
0x58: {  	s11 =	sadd.s32 $0x80, s15;
	s2 =	sor.u32 s7, s2;
	[sflag:s20] =	ssyncadd.s32 $0xFFFFC000  }
0x59: {  	[tilespmem:s22], [sflag:$0x1] =	stream.indirect.gather [hbm4b:s1+s24], $0x80, s11, s24, $0xb8;
	[tilespmem:$0x1E200] =	vst v63  }
0x5a: {  	s16 =	smov.u32 s9;
	s2 =	sshrl.u32 s2, $0x3  }
0x5b: {  	s2 =	sadd.s32 s6, s2  }
0x5c: {  	[tilespmem:s23], [sflag:$0x3] =	stream.linear.gather [hbm4b:s2+s4], $0x80, $0x38;
	[tilespmem:$0x1E200] =	vst v63  }
.Ltmp2:
0x5d: {  	_ = 	snop;
	(pc) =	sbr.rel @p3 .LBB2_2-.Ltmp2, $4  }
0x5e: {  	_ =	swait.ge [sflag:s30], $0x4000  }
0x5f: {  	s15 =	sadd.s32 $0x100, s15;
	[sflag:s30] =	ssyncset.done $0x0  }
0x60: {  	s7 =	smov.u32 s8;
	s2 =	sadd.s32 $0xFFFFFF00, s16;
	[sflag:s30] =	ssyncadd.s32 $0xFFFFC000  }
0x61: {  	s11 =	sadd.s32 $0xFFFFFF80, s16;
	s2 =	sand.u32 $0x3C00, s2;
	_ =	swait.ge [sflag:s31], $0x80  }
0x62: {  	[sflag:s31] =	ssyncset.done $0x0  }
0x63: {  	[sflag:s31] =	ssyncadd.s32 $0xFFFFFF80  }
0x64: {  	[spmem:s3] =	stream.indirect.scatter.add.f32 [tilespmem:s25], [sflag:$0x5], $0x80, s26, s24, $0xb8;
	[tilespmem:$0x1E200] =	vst v63  }
0x65: {  	s2 =	sadd.s32 s5, s2;
	s7 =	sand.u32 $0x380, s11;
	_ =	swait.ge [sflag:s20], $0x4000  }
0x66: {  	s2 =	sor.u32 s2, s7;
	[sflag:s20] =	ssyncset.done $0x0  }
0x67: {  	s2 =	sshrl.u32 s2, $0x3;
	[sflag:s20] =	ssyncadd.s32 $0xFFFFC000  }
0x68: {  	[tilespmem:s25], [sflag:$0x2] =	stream.indirect.gather [hbm4b:s1+s24], $0x80, s15, s24, $0xb8;
	[tilespmem:$0x1E200] =	vst v63  }
0x69: {  	s2 =	sadd.s32 s6, s2  }
0x6a: {  	[tilespmem:s26], [sflag:$0x4] =	stream.linear.gather [hbm4b:s2+s4], $0x80, $0x38;
	[tilespmem:$0x1E200] =	vst v63  }
0x6b: {  	_ =	swait.ge [sflag:s28], $0x4000  }
0x6c: {  	[sflag:s28] =	ssyncset.done $0x0  }
0x6d: {  	[sflag:s28] =	ssyncadd.s32 $0xFFFFC000  }
0x6e: {  	_ =	swait.ge [sflag:s29], $0x80  }
0x6f: {  	[sflag:s29] =	ssyncset.done $0x0  }
0x70: {  	s9 =	sand.u32 $0x7C00, s16;
	[sflag:s29] =	ssyncadd.s32 $0xFFFFFF80  }
0x71: {  	[spmem:s3] =	stream.indirect.scatter.add.f32 [tilespmem:s22], [sflag:$0x5], $0x80, s23, s24, $0xb8;
	[tilespmem:$0x1E200] =	vst v63  }
0x72: {  	s11 =	sand.u32 $0x300, s16;
	s2 =	sadd.s32 s5, s9;
	_ =	swait.ge [sflag:s20], $0x4000  }
0x73: {  	s2 =	sor.u32 s11, s2;
	[sflag:s20] =	ssyncset.done $0x0  }
0x74: {  	s8 =	sadd.s32 $0x80, s15;
	s2 =	sshrl.u32 s2, $0x3;
	[sflag:s20] =	ssyncadd.s32 $0xFFFFC000  }
0x75: {  	[tilespmem:s22], [sflag:$0x1] =	stream.indirect.gather [hbm4b:s1+s24], $0x80, s8, s24, $0xb8;
	[tilespmem:$0x1E200] =	vst v63  }
0x76: {  	s2 =	sadd.s32 s6, s2  }
0x77: {  	[tilespmem:s23], [sflag:$0x3] =	stream.linear.gather [hbm4b:s2+s4], $0x80, $0x38;
	[tilespmem:$0x1E200] =	vst v63  }
0x78: {  	_ =	swait.ge [sflag:s30], $0x4000  }
0x79: {  	[sflag:s30] =	ssyncset.done $0x0  }
0x7a: {  	[sflag:s30] =	ssyncadd.s32 $0xFFFFC000  }
0x7b: {  	_ =	swait.ge [sflag:s31], $0x80  }
0x7c: {  	[sflag:s31] =	ssyncset.done $0x0  }
0x7d: {  	[sflag:s31] =	ssyncadd.s32 $0xFFFFFF80  }
0x7e: {  	[spmem:s3] =	stream.indirect.scatter.add.f32 [tilespmem:s25], [sflag:$0x5], $0x80, s26, s24, $0xb8;
	[tilespmem:$0x1E200] =	vst v63  }
0x7f: {  	_ =	swait.ge [sflag:s20], $0x4000  }
0x80: {  	[sflag:s20] =	ssyncset.done $0x0  }
0x81: {  	s16 =	simm.s32 $0x2780;
	[sflag:s20] =	ssyncadd.s32 $0xFFFFC000  }
0x82: {  	[tilespmem:s25], [sflag:$0x2] =	stream.indirect.gather [hbm4b:s1+s24], $0x80, s16, s24, $0xb8;
	[tilespmem:$0x1E200] =	vst v63  }
0x83: {  	_ = 	snop  }
0x84: {  	[tilespmem:s26], [sflag:$0x4] =	stream.linear.gather [hbm4b:s18+s4], $0x80, $0x38;
	[tilespmem:$0x1E200] =	vst v63  }
0x85: {  	_ =	swait.ge [sflag:s28], $0x4000  }
0x86: {  	[sflag:s28] =	ssyncset.done $0x0  }
0x87: {  	[sflag:s28] =	ssyncadd.s32 $0xFFFFC000  }
0x88: {  	_ =	swait.ge [sflag:s29], $0x80  }
0x89: {  	[sflag:s29] =	ssyncset.done $0x0  }
0x8a: {  	[sflag:s29] =	ssyncadd.s32 $0xFFFFFF80  }
0x8b: {  	[spmem:s3] =	stream.indirect.scatter.add.f32 [tilespmem:s22], [sflag:$0x5], $0x80, s23, s24, $0xb8;
	[tilespmem:$0x1E200] =	vst v63  }
0x8c: {  	_ =	swait.ge [sflag:s20], $0x4000  }
0x8d: {  	[sflag:s20] =	ssyncset.done $0x0  }
0x8e: {  	[sflag:s20] =	ssyncadd.s32 $0xFFFFC000  }
0x8f: {  	_ =	swait.ge [sflag:s30], $0x4000  }
0x90: {  	[sflag:s30] =	ssyncset.done $0x0  }
0x91: {  	[sflag:s30] =	ssyncadd.s32 $0xFFFFC000  }
0x92: {  	_ =	swait.ge [sflag:s31], $0x80  }
0x93: {  	[sflag:s31] =	ssyncset.done $0x0  }
0x94: {  	[sflag:s31] =	ssyncadd.s32 $0xFFFFFF80  }
0x95: {  	[spmem:s3] =	stream.indirect.scatter.add.f32 [tilespmem:s25], [sflag:$0x5], $0x80, s26, s24, $0xb8;
	[tilespmem:$0x1E200] =	vst v63  }
.Ltmp3:
0x96: {  	_ =	swait.ge [sflag:s20], $0x4000;
	(pc) =	sbr.rel @!p0 .LBB2_4-.Ltmp3, $3  }
0x97: {  	[sflag:s20] =	ssyncset.done $0x0  }
0x98: {  	[sflag:s20] =	ssyncadd.s32 $0xFFFFC000  }
0x99: {  	[bflag:$0x0] =	sbarrier.arrive $0xFFFF;
	_ =	sdelay $0x1  }
0x9a: {  	s2 =	rddreg [dreg:$0x9]  }
0x9b: {  	[hbm:s2], [sflag:s10] =	dma.local [spmem:s19], $0x2700  }
.Ltmp4:
0x9c: {  	_ = 	snop;
	(pc) =	sbr.rel @p1 .LBB2_7-.Ltmp4, $4  }
.Ltmp5:
0x9d: {  	_ = 	snop;
	(pc) =	sbr.rel @!p1 .LBB2_6-.Ltmp5, $4  }
0x9e: {  	_ =	swait.ge [sflag:s20], $0x2700  }
0x9f: {  	[sflag:s20] =	ssyncset.done $0x0  }
0xa0: {  	s2 =	rddreg [dreg:$0x5];
	[sflag:s20] =	ssyncadd.s32 $0xFFFFD900  }
0xa1: {  	_ = 	snop  }
.LBB2_4:
0xa2: {  	s2 =	rddreg [dreg:$0x8]  }
0xa3: {  	[hbm:s2], [sflag:s10] =	dma.local [spmem:s19], $0x2700  }
.Ltmp6:
0xa4: {  	_ = 	snop;
	(pc) =	sbr.rel @p2 .LBB2_6-.Ltmp6, $4  }
.Ltmp7:
0xa5: {  	_ = 	snop;
	(pc) =	sbr.rel @!p2 .LBB2_7-.Ltmp7, $4  }
0xa6: {  	_ =	swait.ge [sflag:s20], $0x2700  }
0xa7: {  	[sflag:s20] =	ssyncset.done $0x0  }
0xa8: {  	s2 =	rddreg [dreg:$0x4];
	[sflag:s20] =	ssyncadd.s32 $0xFFFFD900  }
0xa9: {  	_ = 	snop  }
.LBB2_8:
0xaa: {  	_ =	sfence.sel $0x180000  }
0xab: {  	[bflag:$0x0] =	sbarrier.arrive $0xFFFF  }
0xac: {  	_ =	strace $0x9000004A  }
0xad: {  	s0 =	stileid.u32;
	[bflag:$0x2] =	sbarrier.arrive $0xFFFF  }
0xae: {  	p0 =	sne.s32 s0, $0x0;
	s0 =	rddreg [dreg:$0x3]  }
0xaf: {  	s0 =	sadd.s32 @!p0 $0x100000, s0  }
0xb0: {  	[sflag:s0] =	ssyncadd.tile.s32 @!p0 $0x1;
	_ =	shalt  }
.Lfunc_end2:
_tile_overlayer_lowered:
.L_overlay_start_2:
0xb1: {  	(tag) =	ssettag $0x2  }
0xb2: {  	s0 =	rddreg [dreg:$0x0];
	s2 =	stileid.u32  }
0xb3: {  	s1 =	rddreg [dreg:$0x1];
	p0 =	sne.s32 s2, $0x0  }
0xb4: {  	s3 =	rddreg [dreg:$0x2];
	[bflag:$0x3] =	sbarrier.arrive $0xFFFF;
	s2 =	simm.s32 @!p0 $0x1C05  }
0xb5: {  	[timem:s3], [sflag:s2] =	dma.local @!p0 [hbm:s0], s1  }
0xb6: {  	s0 =	simm.s32 @!p0 $0x5  }
0xb7: {  	_ =	swait.ge @!p0 [sflag:s0], s1  }
0xb8: {  	s1 =	ssub.s32 @!p0 $0x0, s1;
	[sflag:s0] =	ssyncset.done @!p0 $0x0  }
0xb9: {  	[sflag:s0] =	ssyncadd.s32 @!p0 s1  }
0xba: {  	[bflag:$0x3] =	sbarrier.arrive $0xFFFF  }
0xbb: {  	_ =	shalt  }

// kernel: kernel.19.cloned.1.call-start
scs
__scs_entry_jumppad:
0x0: {  	(pc) =	sbr.rel $0x88, $3  }
0x1: {  	(tag) =	ssettag $0x0;
	lr =	simm.s32 $0x1  }
0x2: {  	[smem:$0x3F95] =	sst lr;
	_ =	strace $0xD0000000  }
0x3: {  	_ = 	snop  }
0x4: {  	_ = 	snop  }
0x5: {  	_ = 	snop  }
0x6: {  	_ = 	snop  }
0x7: {  	_ = 	snop  }
__scs_overlays_trampoline_lowered:
0x8: {  	[smem:$0x3FA4] =	sst s0  }
0x9: {  	[smem:$0x3FA5] =	sst s1  }
0xa: {  	[smem:$0x3FA6] =	sst s2  }
0xb: {  	[smem:$0x3FA7] =	sst s3  }
0xc: {  	[smem:$0x3FA8] =	sst s4  }
0xd: {  	[smem:$0x3FA9] =	sst s5  }
0xe: {  	[smem:$0x3FAA] =	sst s6  }
0xf: {  	[smem:$0x3FAB] =	sst s7  }
0x10: {  	[smem:$0x3FAC] =	sst s8  }
0x11: {  	[smem:$0x3FAD] =	sst s9;
	s0 =	simm.s32 @!p0 $0x0  }
0x12: {  	s1 =	sld [smem:$0x3F93];
	s0 =	simm.s32 @p0 $0x1  }
0x13: {  	[smem:$0x3FAE] =	sst s0;
	s0 =	simm.s32 @!p1 $0x0  }
0x14: {  	s2 =	sld [smem:$0x3F92];
	s0 =	simm.s32 @p1 $0x1  }
0x15: {  	[smem:$0x3FAF] =	sst s0;
	s0 =	simm.s32 @!p2 $0x0  }
0x16: {  	s3 =	sld [smem:$0x3FDB];
	s0 =	simm.s32 @p2 $0x1  }
0x17: {  	s4 =	simm.s32 $0x1BF5;
	[smem:$0x3FB1] =	sst s0  }
0x18: {  	s0 =	sld [smem:$0x3F94];
	_ =	swait.ge [sflag:s4], $0x0  }
0x19: {  	s7 =	sld [smem:$0x3F95]  }
0x1a: {  	s8 =	sadd.s32 $0xFFFFE003, lr  }
0x1b: {  	s9 =	sadd.s32 $0xFFFFFEF7, lr;
	s5 =	simm.s32 $0xFFFFFFFF;
	p2 =	slt.u32 s8, $0xFFFFF086  }
0x1c: {  	p1 =	slt.u32 s9, $0xF7A;
	s5 =	simm.s32 @!p2 $0x0  }
0x1d: {  	s5 =	simm.s32 @p1 $0x1;
	p0 =	seq.s32 s7, s2  }
0x1e: {  	s7 =	smul.u32 @!p0 $0xF7A, s2;
	p2 =	seq.s32 @!p0 s5, $0x0  }
0x1f: {  	s9 =	smul.u32 $0xF7A, s1;
	s8 =	simm.s32 @!p0 $0x1BF5;
	p2 =	por !p2, p0  }
0x20: {  	[sflag:s8] =	ssyncset.s32 @!p0 $0xFFFFF086;
	s6 =	sadd.s32 @!p0 s3, s7;
	s7 =	simm.s32 @!p0 $0x108  }
0x21: {  	s3 =	sadd.s32 s3, s9;
	s6 =	sadd.s32 @!p0 $0x88, s6;
	s7 =	simm.s32 @p2 $0x1082  }
0x22: {  	[simem:s7], [sflag:s8] =	dma.local @!p0 [hbm:s6], $0xF7A  }
0x23: {  	s9 =	sor.u32 $0xD0000000, s2;
	s6 =	simm.s32 $0x108;
	_ =	swait.ge @!p0 [sflag:s8], $0x0  }
0x24: {  	s3 =	sadd.s32 $0x88, s3;
	s6 =	simm.s32 @!p1 $0x1082;
	[sflag:s4] =	ssyncset.s32 $0xFFFFF086  }
0x25: {  	[simem:s6], [sflag:s4] =	dma.local [hbm:s3], $0xF7A  }
0x26: {  	[smem:$0x3F95] =	sst s1;
	(tag) =	ssettag s2;
	_ =	strace s9  }
0x27: {  	s1 =	sld [smem:$0x3FA5]  }
0x28: {  	s2 =	sld [smem:$0x3FA6]  }
0x29: {  	s4 =	sld [smem:$0x3FA8]  }
0x2a: {  	p0 =	seq.s32 s5, $0x0;
	s5 =	sld [smem:$0x3FA9]  }
0x2b: {  	s6 =	sld [smem:$0x3FAA]  }
0x2c: {  	s7 =	sld [smem:$0x3FAB]  }
0x2d: {  	s3 =	simm.s32 $0x108;
	s8 =	sld [smem:$0x3FAC]  }
0x2e: {  	s3 =	simm.s32 @!p0 $0x1082;
	s9 =	sld [smem:$0x3FAD]  }
0x2f: {  	lr =	sadd.s32 s0, s3;
	s0 =	sld [smem:$0x3FA4]  }
0x30: {  	s3 =	sld [smem:$0x3FA7]  }
0x31: {  	[smem:$0x3FB0] =	sst s10  }
0x32: {  	s10 =	sld [smem:$0x3FAE];
	_ =	sdelay $0x3  }
0x33: {  	p0 =	seq.s32 s10, $0x1;
	s10 =	sld [smem:$0x3FB0];
	_ =	sdelay $0x3  }
0x34: {  	[smem:$0x3FB0] =	sst s10  }
0x35: {  	s10 =	sld [smem:$0x3FAF];
	_ =	sdelay $0x3  }
0x36: {  	p1 =	seq.s32 s10, $0x1;
	s10 =	sld [smem:$0x3FB0];
	_ =	sdelay $0x3  }
0x37: {  	[smem:$0x3FB0] =	sst s10  }
0x38: {  	s10 =	sld [smem:$0x3FB1]  }
0x39: {  	_ = 	snop;
	(pc) =	sbr.ind lr, $3  }
0x3a: {  	_ = 	snop  }
0x3b: {  	_ = 	snop  }
0x3c: {  	p2 =	seq.s32 s10, $0x1;
	s10 =	sld [smem:$0x3FB0]  }
0x3d: {  	_ =	shalt  }
0x3e: {  	_ =	shalt  }
0x3f: {  	_ =	shalt  }
0x40: {  	_ =	shalt  }
0x41: {  	_ =	shalt  }
0x42: {  	_ =	shalt  }
0x43: {  	_ =	shalt  }
0x44: {  	_ =	shalt  }
0x45: {  	_ =	shalt  }
0x46: {  	_ =	shalt  }
0x47: {  	_ =	shalt  }
0x48: {  	_ =	shalt  }
0x49: {  	_ =	shalt  }
0x4a: {  	_ =	shalt  }
0x4b: {  	_ =	shalt  }
0x4c: {  	_ =	shalt  }
0x4d: {  	_ =	shalt  }
0x4e: {  	_ =	shalt  }
0x4f: {  	_ =	shalt  }
0x50: {  	_ =	shalt  }
0x51: {  	_ =	shalt  }
0x52: {  	_ =	shalt  }
0x53: {  	_ =	shalt  }
0x54: {  	_ =	shalt  }
0x55: {  	_ =	shalt  }
0x56: {  	_ =	shalt  }
0x57: {  	_ =	shalt  }
0x58: {  	_ =	shalt  }
0x59: {  	_ =	shalt  }
0x5a: {  	_ =	shalt  }
0x5b: {  	_ =	shalt  }
0x5c: {  	_ =	shalt  }
0x5d: {  	_ =	shalt  }
0x5e: {  	_ =	shalt  }
0x5f: {  	_ =	shalt  }
0x60: {  	_ =	shalt  }
0x61: {  	_ =	shalt  }
0x62: {  	_ =	shalt  }
0x63: {  	_ =	shalt  }
0x64: {  	_ =	shalt  }
0x65: {  	_ =	shalt  }
0x66: {  	_ =	shalt  }
0x67: {  	_ =	shalt  }
0x68: {  	_ =	shalt  }
0x69: {  	_ =	shalt  }
0x6a: {  	_ =	shalt  }
0x6b: {  	_ =	shalt  }
0x6c: {  	_ =	shalt  }
0x6d: {  	_ =	shalt  }
0x6e: {  	_ =	shalt  }
0x6f: {  	_ =	shalt  }
0x70: {  	_ =	shalt  }
0x71: {  	_ =	shalt  }
0x72: {  	_ =	shalt  }
0x73: {  	_ =	shalt  }
0x74: {  	_ =	shalt  }
0x75: {  	_ =	shalt  }
0x76: {  	_ =	shalt  }
0x77: {  	_ =	shalt  }
0x78: {  	_ =	shalt  }
0x79: {  	_ =	shalt  }
0x7a: {  	_ =	shalt  }
0x7b: {  	_ =	shalt  }
0x7c: {  	_ =	shalt  }
0x7d: {  	_ =	shalt  }
0x7e: {  	_ =	shalt  }
0x7f: {  	_ =	shalt  }
0x80: {  	_ =	shalt  }
0x81: {  	_ =	shalt  }
0x82: {  	_ =	shalt  }
0x83: {  	_ =	shalt  }
0x84: {  	_ =	shalt  }
0x85: {  	_ =	shalt  }
0x86: {  	_ =	shalt  }
0x87: {  	_ =	shalt  }
.Lfunc_end0:
.L_simem_size_0:
called_computation.2_lowered:
.L_overlay_start_0:
0x88: {  	s2 =	sld [smem:$0x3FD9]  }
0x89: {  	s3 =	sld [smem:$0x3FFE];
	_ =	sdelay $0x1  }
0x8a: {  	s1 =	srdreg.scid  }
0x8b: {  	s0 =	sand.u32 $0x1, s1  }
0x8c: {  	s17 =	sshll.u32 s0, $0xA;
	s2 =	sadd.s32 s3, s2  }
0x8d: {  	s2 =	sadd.s32 s2, s17  }
0x8e: {  	[smem:$0x3FBC] =	sst s2  }
0x8f: {  	_ = 	snop  }
0x90: {  	s2 =	sld [smem:$0x3FD0];
	(tm) =	ssettm $0x1  }
0x91: {  	s18 =	sld [smem:$0x3FFB];
	_ =	sdelay $0x3  }
0x92: {  	_ =	strace s18  }
0x93: {  	s3 =	sld [smem:$0x3FFC];
	_ =	sdelay $0x3  }
0x94: {  	_ =	strace s3  }
0x95: {  	s3 =	sld [smem:$0x3FFD];
	_ =	sdelay $0x3  }
0x96: {  	_ =	strace s3  }
0x97: {  	_ =	strace $0x8FFFFFFF  }
0x98: {  	s19 =	sld [smem:$0x3FDB];
	_ =	sdelay $0x1  }
0x99: {  	s4 =	simm.s32 $_scs_section_size  }
0x9a: {  	s5 =	simm.s32 $_size__tile_overlayer_lowered;
	s6 =	simm.s32 $_tile_overlayer_lowered  }
0x9b: {  	s22 =	simm.s32 $0x1BFF;
	s21 =	sshll.u32 s6, $0x1;
	s3 =	sadd.s32 s4, s19  }
0x9c: {  	s7 =	simm.s32 $0x0;
	s20 =	sshll.u32 s5, $0x1;
	s5 =	sadd.s32 s21, s3  }
0x9d: {  	[timem:s7], [sflag:s22] =	dma.local [hbm:s5], s20  }
0x9e: {  	_ =	swait.ge [sflag:s22], s20  }
0x9f: {  	s4 =	ssub.s32 $0x0, s20;
	[sflag:s22] =	ssyncset.done $0x0  }
0xa0: {  	[sflag:s22] =	ssyncadd.s32 s4;
	_ =	sdelay $0x1  }
0xa1: {  	s23 =	simm.s32 $0x1B8B  }
0xa2: {  	_ =	swait.ge [sflag:s23], $0x1  }
0xa3: {  	[sflag:s23] =	ssyncset.done $0x0  }
0xa4: {  	s25 =	simm.s32 $0x1B8E;
	s24 =	sld [smem:$0x3FFE];
	[sflag:s23] =	ssyncadd.s32 $0xFFFFFFFF  }
0xa5: {  	s26 =	simm.s32 $execute0_lowered;
	[smem:$0x3FD2] =	sst s25  }
0xa6: {  	s5 =	sshll.u32 s26, $0x1;
	_ =	strace $0x8000004C;
	[dreg:$0x1] =	wrdreg $0xFFFFFFFF  }
0xa7: {  	s28 =	simm.s32 $_size_execute0_lowered;
	s3 =	sadd.s32 s3, s5;
	[dreg:$0x0] =	wrdreg $0x0  }
0xa8: {  	s5 =	sshll.u32 s28, $0x1;
	[dreg:$0x2] =	wrdreg s3  }
0xa9: {  	[dreg:$0x3] =	wrdreg s5  }
0xaa: {  	[dreg:$0x4] =	wrdreg $0xC0  }
0xab: {  	_ =	task [dreg:s7], $0x5FFFF  }
0xac: {  	[dreg:$0x1] =	wrdreg $0xFFFFFFFF  }
0xad: {  	[dreg:$0x0] =	wrdreg $0x60  }
0xae: {  	[dreg:$0x2] =	wrdreg s2  }
0xaf: {  	[dreg:$0x3] =	wrdreg s24  }
0xb0: {  	[dreg:$0x4] =	wrdreg $0xA9000  }
0xb1: {  	[dreg:$0x5] =	wrdreg $0x9  }
0xb2: {  	_ =	task.clear_ibuf [dreg:s7], $0x6FFFF;
	_ =	strace $0x9000004C  }
0xb3: {  	s29 =	simm.s32 $0x9;
	_ =	strace $0x8000004E  }
0xb4: {  	_ =	swait.ge [sflag:s29], $0x1  }
0xb5: {  	[sflag:s29] =	ssyncadd.s32 $0xFFFFFFFF  }
0xb6: {  	_ =	strace $0x9000004E  }
0xb7: {  	_ =	sfence  }
0xb8: {  	s30 =	sld [smem:$0x0];
	_ =	sdelay $0x2  }
0xb9: {  	s31 =	sshll.u32 s1, $0xD;
	s1 =	sshrl.u32 s1, $0x2  }
0xba: {  	s3 =	sand.u32 $0x4000, s31;
	s1 =	sadd.s32 s1, s30  }
0xbb: {  	s0 =	sor.u32 s3, s0;
	s1 =	sshll.u32 s1, $0x11  }
0xbc: {  	s0 =	sor.u32 s1, s0  }
0xbd: {  	s0 =	sadd.s32 $0x8F2B, s0  }
0xbe: {  	[sflag:s0] =	ssyncadd.remote.s32 $0x1  }
0xbf: {  	_ =	sfence.sel $0xFFFF  }
0xc0: {  	[dreg:$0x0] =	wrdreg $0xFFFFFFFF;
	(pc) =	sbr.abs _section_cstart, $3  }
0xc1: {  	[dreg:$0x1] =	wrdreg $0xFFFFFFFF  }
0xc2: {  	_ =	task.clear_ibuf [dreg:s7], $0x2FFFF;
	_ =	strace $0x9FFFFFFF  }
0xc3: {  	(tm) =	ssettm $0x7FFFFFFF  }
tec
execute0_lowered:
.L_overlay_start_1:
0x0: {  	(tag) =	ssettag $0x1  }
0x1: {  	s0 =	srdreg.scid;
	s1 =	rddreg [dreg:$0x0]  }
0x2: {  	s2 =	rddreg [dreg:$0x1];
	s16 =	stileid.u32  }
0x3: {  	s3 =	rddreg [dreg:$0x2];
	s20 =	simm.s32 $0x5;
	s28 =	simm.s32 $0x1  }
0x4: {  	s29 =	simm.s32 $0x3;
	s30 =	simm.s32 $0x2;
	s31 =	simm.s32 $0x4  }
0x5: {  	s0 =	sand.u32 $0x1, s0;
	s6 =	sadd.s32 $0xFC00, s2;
	s9 =	smul.u32 $0x4E000, s16  }
0x6: {  	s17 =	sadd.s32 $0x19C00, s2;
	s18 =	sadd.s32 $0x9D200, s2;
	s11 =	smul.u32 $0x2700, s16  }
0x7: {  	s23 =	sshll.u32 s16, $0x6;
	s12 =	sadd.s32 $0x27000, s1;
	s4 =	sshll.u32 s0, $0x4  }
0x8: {  	p1 =	sne.s32 s16, $0xF;
	s5 =	sor.u32 s16, s4;
	s4 =	simm.s32 $0x0  }
0x9: {  	p2 =	seq.s32 s16, $0xF;
	s24 =	sadd.s32 s1, s11;
	[smem:$0x7FF] =	sst s4  }
0xa: {  	s22 =	ssub.s32 $0x2, s0;
	_ =	strace $0x8000004D;
	[dreg:$0x6] =	wrdreg s24  }
0xb: {  	p0 =	seq.s32 s0, $0x1;
	s25 =	sadd.s32 s17, s11;
	[dreg:$0x4] =	wrdreg s17  }
0xc: {  	s0 =	simm.s32 $0x0;
	s10 =	sshrl.u32 s22, $0x1;
	[dreg:$0x8] =	wrdreg s25  }
0xd: {  	s9 =	sshrl.u32 s9, $0x2;
	s26 =	sadd.s32 s18, s11;
	[dreg:$0x5] =	wrdreg s18  }
0xe: {  	s15 =	sadd.s32 s9, s3;
	s9 =	sadd.s32 $0x138000, s3;
	[dreg:$0x9] =	wrdreg s26  }
0xf: {  	s5 =	smul.u32 $0x2800, s5;
	s19 =	sshrl.u32 s15, $0x3;
	[dreg:$0x7] =	wrdreg s9  }
.Ltmp0:
0x10: {  	s21 =	sshrl.u32 @!p1 s9, $0x3;
	s24 =	simm.s32 $0x80;
	(pc) =	sbr.rel .LBB2_1-.Ltmp0, $4  }
0x11: {  	s25 =	simm.s32 $0x6800;
	s26 =	simm.s32 $0xA880;
	s7 =	sshrl.u32 s5, $0x3  }
0x12: {  	s8 =	sadd.s32 s7, s2;
	s2 =	ssub.s32 s22, s10;
	s10 =	sor.u32 $0x1C05, s23  }
0x13: {  	s14 =	sadd.s32 s6, s7;
	s22 =	simm.s32 $0x2800;
	s23 =	simm.s32 $0xA800  }
0x14: {  	s13 =	sadd.s32 $0x93200, s8;
	s17 =	smax.u32 s2, $0x1;
	s18 =	sadd.s32 $0x4F0, s14  }
.LBB2_6:
0x15: {  	s7 =	rddreg [dreg:$0x7]  }
0x16: {  	s2 =	sadd.s32 $0x27000, s2;
	s7 =	sshrl.u32 s7, $0x3  }
0x17: {  	[hbm:s2], [sflag:s10] =	dma.local [spmem:s7], $0x100  }
0x18: {  	_ =	swait.ge [sflag:s20], $0x100  }
0x19: {  	[sflag:s20] =	ssyncset.done $0x0  }
0x1a: {  	[sflag:s20] =	ssyncadd.s32 $0xFFFFFF00  }
.LBB2_7:
0x1b: {  	s0 =	sadd.s32 $0x1, s0  }
0x1c: {  	p3 =	sne.s32 s0, s17  }
.Ltmp1:
0x1d: {  	_ = 	snop;
	(pc) =	sbr.rel @!p3 .LBB2_8-.Ltmp1, $1  }
0x1e: {  	_ =	sdelay $0x3  }
.LBB2_1:
0x1f: {  	s2 =	rddreg [dreg:$0x6]  }
0x20: {  	[spmem:s19], [sflag:s10] =	dma.local [hbm:s2], $0x2700  }
0x21: {  	_ =	swait.ge [sflag:s20], $0x2700  }
0x22: {  	[sflag:s20] =	ssyncset.done $0x0  }
0x23: {  	s2 =	simm.s32 @!p1 $0x5;
	[sflag:s20] =	ssyncadd.s32 $0xFFFFD900  }
0x24: {  	[spmem:s21], [sflag:s10] =	dma.local @!p1 [hbm:s12], $0x100  }
0x25: {  	_ =	swait.ge @!p1 [sflag:s2], $0x100  }
0x26: {  	[sflag:s2] =	ssyncset.done @!p1 $0x0  }
0x27: {  	[sflag:s2] =	ssyncadd.s32 @!p1 $0xFFFFFF00  }
0x28: {  	[bflag:$0x0] =	sbarrier.arrive $0xFFFF  }
0x29: {  	[tilespmem:s4], [sflag:$0x5] =	stream.linear.gather [hbm4b:s13+s4], $0x2800, $0x38;
	[tilespmem:$0x1E200] =	vst v63  }
0x2a: {  	s7 =	simm.s32 $0x0;
	_ =	swait.ge [sflag:s20], $0x2800  }
0x2b: {  	s2 =	sand.u32 $0x3C00, s7;
	s7 =	simm.s32 $0x80;
	[sflag:s20] =	ssyncset.done $0x0  }
0x2c: {  	s2 =	sadd.s32 s5, s2;
	s7 =	sand.u32 $0x380, s7;
	[sflag:s20] =	ssyncadd.s32 $0xFFFFD800  }
0x2d: {  	[tilespmem:s22], [sflag:$0x1] =	stream.indirect.gather [hbm4b:s1+s24], $0x80, s4, s24, $0xb8;
	[tilespmem:$0x1E200] =	vst v63  }
0x2e: {  	s2 =	sor.u32 s2, s7  }
0x2f: {  	[tilespmem:s23], [sflag:$0x3] =	stream.linear.gather [hbm4b:s14+s4], $0x80, $0x38;
	[tilespmem:$0x1E200] =	vst v63  }
0x30: {  	s2 =	sshrl.u32 s2, $0x3  }
0x31: {  	[tilespmem:s25], [sflag:$0x2] =	stream.indirect.gather [hbm4b:s1+s24], $0x80, s24, s24, $0xb8;
	[tilespmem:$0x1E200] =	vst v63  }
0x32: {  	s2 =	sadd.s32 s6, s2  }
0x33: {  	[tilespmem:s26], [sflag:$0x4] =	stream.linear.gather [hbm4b:s2+s4], $0x80, $0x38;
	[tilespmem:$0x1E200] =	vst v63  }
0x34: {  	_ =	swait.ge [sflag:s28], $0x4000  }
0x35: {  	[sflag:s28] =	ssyncset.done $0x0  }
0x36: {  	[sflag:s28] =	ssyncadd.s32 $0xFFFFC000  }
0x37: {  	_ =	swait.ge [sflag:s29], $0x80  }
0x38: {  	s8 =	simm.s32 $0x100;
	[sflag:s29] =	ssyncset.done $0x0  }
0x39: {  	s9 =	sand.u32 $0x7C00, s8;
	[sflag:s29] =	ssyncadd.s32 $0xFFFFFF80  }
0x3a: {  	[spmem:s3] =	stream.indirect.scatter.add.f32 [tilespmem:s22], [sflag:$0x5], $0x80, s23, s24, $0xb8;
	[tilespmem:$0x1E200] =	vst v63  }
0x3b: {  	s7 =	sadd.s32 s5, s9;
	s2 =	sand.u32 $0x300, s8;
	_ =	swait.ge [sflag:s20], $0x4000  }
0x3c: {  	s2 =	sor.u32 s2, s7;
	[sflag:s20] =	ssyncset.done $0x0  }
0x3d: {  	s8 =	simm.s32 $0x100;
	s2 =	sshrl.u32 s2, $0x3;
	[sflag:s20] =	ssyncadd.s32 $0xFFFFC000  }
0x3e: {  	[tilespmem:s22], [sflag:$0x1] =	stream.indirect.gather [hbm4b:s1+s24], $0x80, s8, s24, $0xb8;
	[tilespmem:$0x1E200] =	vst v63  }
0x3f: {  	s2 =	sadd.s32 s6, s2  }
0x40: {  	[tilespmem:s23], [sflag:$0x3] =	stream.linear.gather [hbm4b:s2+s4], $0x80, $0x38;
	[tilespmem:$0x1E200] =	vst v63  }
0x41: {  	_ =	swait.ge [sflag:s30], $0x4000  }
0x42: {  	s16 =	simm.s32 $0x200;
	s11 =	simm.s32 $0x100;
	[sflag:s30] =	ssyncset.done $0x0  }
0x43: {  	s15 =	simm.s32 $0x180;
	s7 =	simm.s32 $0x300;
	[sflag:s30] =	ssyncadd.s32 $0xFFFFC000  }
0x44: {  	s2 =	sand.u32 $0x3C00, s11;
	s11 =	simm.s32 $0x180;
	_ =	swait.ge [sflag:s31], $0x80  }
.LBB2_2:
0x45: {  	s2 =	sadd.s32 s5, s2  }
0x46: {  	s11 =	sand.u32 $0x380, s11;
	[sflag:s31] =	ssyncset.done $0x0;
	s9 =	smov.u32 s7  }
0x47: {  	s8 =	sadd.s32 $0x100, s7;
	s2 =	sor.u32 s2, s11;
	[sflag:s31] =	ssyncadd.s32 $0xFFFFFF80  }
0x48: {  	[spmem:s3] =	stream.indirect.scatter.add.f32 [tilespmem:s25], [sflag:$0x5], $0x80, s26, s24, $0xb8;
	[tilespmem:$0x1E200] =	vst v63  }
0x49: {  	p3 =	sne.s32 s7, $0x2700;
	s2 =	sshrl.u32 s2, $0x3;
	_ =	swait.ge [sflag:s20], $0x4000  }
0x4a: {  	[sflag:s20] =	ssyncset.done $0x0  }
0x4b: {  	[sflag:s20] =	ssyncadd.s32 $0xFFFFC000  }
0x4c: {  	[tilespmem:s25], [sflag:$0x2] =	stream.indirect.gather [hbm4b:s1+s24], $0x80, s15, s24, $0xb8;
	[tilespmem:$0x1E200] =	vst v63  }
0x4d: {  	s2 =	sadd.s32 s6, s2  }
0x4e: {  	[tilespmem:s26], [sflag:$0x4] =	stream.linear.gather [hbm4b:s2+s4], $0x80, $0x38;
	[tilespmem:$0x1E200] =	vst v63  }
0x4f: {  	_ =	swait.ge [sflag:s28], $0x4000  }
0x50: {  	[sflag:s28] =	ssyncset.done $0x0  }
0x51: {  	[sflag:s28] =	ssyncadd.s32 $0xFFFFC000  }
0x52: {  	_ =	swait.ge [sflag:s29], $0x80  }
0x53: {  	[sflag:s29] =	ssyncset.done $0x0  }
0x54: {  	[sflag:s29] =	ssyncadd.s32 $0xFFFFFF80  }
0x55: {  	[spmem:s3] =	stream.indirect.scatter.add.f32 [tilespmem:s22], [sflag:$0x5], $0x80, s23, s24, $0xb8;
	[tilespmem:$0x1E200] =	vst v63  }
0x56: {  	s2 =	sand.u32 $0x7C00, s16;
	_ =	swait.ge [sflag:s20], $0x4000  }
0x57: {  	s7 =	sand.u32 $0x300, s16;
	s2 =	sadd.s32 s5, s2;
	[sflag:s20] =	ssyncset.done $0x0  }
0x58: {  	s11 =	sadd.s32 $0x80, s15;
	s2 =	sor.u32 s7, s2;
	[sflag:s20] =	ssyncadd.s32 $0xFFFFC000  }
0x59: {  	[tilespmem:s22], [sflag:$0x1] =	stream.indirect.gather [hbm4b:s1+s24], $0x80, s11, s24, $0xb8;
	[tilespmem:$0x1E200] =	vst v63  }
0x5a: {  	s16 =	smov.u32 s9;
	s2 =	sshrl.u32 s2, $0x3  }
0x5b: {  	s2 =	sadd.s32 s6, s2  }
0x5c: {  	[tilespmem:s23], [sflag:$0x3] =	stream.linear.gather [hbm4b:s2+s4], $0x80, $0x38;
	[tilespmem:$0x1E200] =	vst v63  }
.Ltmp2:
0x5d: {  	_ = 	snop;
	(pc) =	sbr.rel @p3 .LBB2_2-.Ltmp2, $4  }
0x5e: {  	_ =	swait.ge [sflag:s30], $0x4000  }
0x5f: {  	s15 =	sadd.s32 $0x100, s15;
	[sflag:s30] =	ssyncset.done $0x0  }
0x60: {  	s7 =	smov.u32 s8;
	s2 =	sadd.s32 $0xFFFFFF00, s16;
	[sflag:s30] =	ssyncadd.s32 $0xFFFFC000  }
0x61: {  	s11 =	sadd.s32 $0xFFFFFF80, s16;
	s2 =	sand.u32 $0x3C00, s2;
	_ =	swait.ge [sflag:s31], $0x80  }
0x62: {  	[sflag:s31] =	ssyncset.done $0x0  }
0x63: {  	[sflag:s31] =	ssyncadd.s32 $0xFFFFFF80  }
0x64: {  	[spmem:s3] =	stream.indirect.scatter.add.f32 [tilespmem:s25], [sflag:$0x5], $0x80, s26, s24, $0xb8;
	[tilespmem:$0x1E200] =	vst v63  }
0x65: {  	s2 =	sadd.s32 s5, s2;
	s7 =	sand.u32 $0x380, s11;
	_ =	swait.ge [sflag:s20], $0x4000  }
0x66: {  	s2 =	sor.u32 s2, s7;
	[sflag:s20] =	ssyncset.done $0x0  }
0x67: {  	s2 =	sshrl.u32 s2, $0x3;
	[sflag:s20] =	ssyncadd.s32 $0xFFFFC000  }
0x68: {  	[tilespmem:s25], [sflag:$0x2] =	stream.indirect.gather [hbm4b:s1+s24], $0x80, s15, s24, $0xb8;
	[tilespmem:$0x1E200] =	vst v63  }
0x69: {  	s2 =	sadd.s32 s6, s2  }
0x6a: {  	[tilespmem:s26], [sflag:$0x4] =	stream.linear.gather [hbm4b:s2+s4], $0x80, $0x38;
	[tilespmem:$0x1E200] =	vst v63  }
0x6b: {  	_ =	swait.ge [sflag:s28], $0x4000  }
0x6c: {  	[sflag:s28] =	ssyncset.done $0x0  }
0x6d: {  	[sflag:s28] =	ssyncadd.s32 $0xFFFFC000  }
0x6e: {  	_ =	swait.ge [sflag:s29], $0x80  }
0x6f: {  	[sflag:s29] =	ssyncset.done $0x0  }
0x70: {  	s9 =	sand.u32 $0x7C00, s16;
	[sflag:s29] =	ssyncadd.s32 $0xFFFFFF80  }
0x71: {  	[spmem:s3] =	stream.indirect.scatter.add.f32 [tilespmem:s22], [sflag:$0x5], $0x80, s23, s24, $0xb8;
	[tilespmem:$0x1E200] =	vst v63  }
0x72: {  	s11 =	sand.u32 $0x300, s16;
	s2 =	sadd.s32 s5, s9;
	_ =	swait.ge [sflag:s20], $0x4000  }
0x73: {  	s2 =	sor.u32 s11, s2;
	[sflag:s20] =	ssyncset.done $0x0  }
0x74: {  	s8 =	sadd.s32 $0x80, s15;
	s2 =	sshrl.u32 s2, $0x3;
	[sflag:s20] =	ssyncadd.s32 $0xFFFFC000  }
0x75: {  	[tilespmem:s22], [sflag:$0x1] =	stream.indirect.gather [hbm4b:s1+s24], $0x80, s8, s24, $0xb8;
	[tilespmem:$0x1E200] =	vst v63  }
0x76: {  	s2 =	sadd.s32 s6, s2  }
0x77: {  	[tilespmem:s23], [sflag:$0x3] =	stream.linear.gather [hbm4b:s2+s4], $0x80, $0x38;
	[tilespmem:$0x1E200] =	vst v63  }
0x78: {  	_ =	swait.ge [sflag:s30], $0x4000  }
0x79: {  	[sflag:s30] =	ssyncset.done $0x0  }
0x7a: {  	[sflag:s30] =	ssyncadd.s32 $0xFFFFC000  }
0x7b: {  	_ =	swait.ge [sflag:s31], $0x80  }
0x7c: {  	[sflag:s31] =	ssyncset.done $0x0  }
0x7d: {  	[sflag:s31] =	ssyncadd.s32 $0xFFFFFF80  }
0x7e: {  	[spmem:s3] =	stream.indirect.scatter.add.f32 [tilespmem:s25], [sflag:$0x5], $0x80, s26, s24, $0xb8;
	[tilespmem:$0x1E200] =	vst v63  }
0x7f: {  	_ =	swait.ge [sflag:s20], $0x4000  }
0x80: {  	[sflag:s20] =	ssyncset.done $0x0  }
0x81: {  	s16 =	simm.s32 $0x2780;
	[sflag:s20] =	ssyncadd.s32 $0xFFFFC000  }
0x82: {  	[tilespmem:s25], [sflag:$0x2] =	stream.indirect.gather [hbm4b:s1+s24], $0x80, s16, s24, $0xb8;
	[tilespmem:$0x1E200] =	vst v63  }
0x83: {  	_ = 	snop  }
0x84: {  	[tilespmem:s26], [sflag:$0x4] =	stream.linear.gather [hbm4b:s18+s4], $0x80, $0x38;
	[tilespmem:$0x1E200] =	vst v63  }
0x85: {  	_ =	swait.ge [sflag:s28], $0x4000  }
0x86: {  	[sflag:s28] =	ssyncset.done $0x0  }
0x87: {  	[sflag:s28] =	ssyncadd.s32 $0xFFFFC000  }
0x88: {  	_ =	swait.ge [sflag:s29], $0x80  }
0x89: {  	[sflag:s29] =	ssyncset.done $0x0  }
0x8a: {  	[sflag:s29] =	ssyncadd.s32 $0xFFFFFF80  }
0x8b: {  	[spmem:s3] =	stream.indirect.scatter.add.f32 [tilespmem:s22], [sflag:$0x5], $0x80, s23, s24, $0xb8;
	[tilespmem:$0x1E200] =	vst v63  }
0x8c: {  	_ =	swait.ge [sflag:s20], $0x4000  }
0x8d: {  	[sflag:s20] =	ssyncset.done $0x0  }
0x8e: {  	[sflag:s20] =	ssyncadd.s32 $0xFFFFC000  }
0x8f: {  	_ =	swait.ge [sflag:s30], $0x4000  }
0x90: {  	[sflag:s30] =	ssyncset.done $0x0  }
0x91: {  	[sflag:s30] =	ssyncadd.s32 $0xFFFFC000  }
0x92: {  	_ =	swait.ge [sflag:s31], $0x80  }
0x93: {  	[sflag:s31] =	ssyncset.done $0x0  }
0x94: {  	[sflag:s31] =	ssyncadd.s32 $0xFFFFFF80  }
0x95: {  	[spmem:s3] =	stream.indirect.scatter.add.f32 [tilespmem:s25], [sflag:$0x5], $0x80, s26, s24, $0xb8;
	[tilespmem:$0x1E200] =	vst v63  }
.Ltmp3:
0x96: {  	_ =	swait.ge [sflag:s20], $0x4000;
	(pc) =	sbr.rel @!p0 .LBB2_4-.Ltmp3, $3  }
0x97: {  	[sflag:s20] =	ssyncset.done $0x0  }
0x98: {  	[sflag:s20] =	ssyncadd.s32 $0xFFFFC000  }
0x99: {  	[bflag:$0x0] =	sbarrier.arrive $0xFFFF;
	_ =	sdelay $0x1  }
0x9a: {  	s2 =	rddreg [dreg:$0x9]  }
0x9b: {  	[hbm:s2], [sflag:s10] =	dma.local [spmem:s19], $0x2700  }
.Ltmp4:
0x9c: {  	_ = 	snop;
	(pc) =	sbr.rel @p1 .LBB2_7-.Ltmp4, $4  }
.Ltmp5:
0x9d: {  	_ = 	snop;
	(pc) =	sbr.rel @!p1 .LBB2_6-.Ltmp5, $4  }
0x9e: {  	_ =	swait.ge [sflag:s20], $0x2700  }
0x9f: {  	[sflag:s20] =	ssyncset.done $0x0  }
0xa0: {  	s2 =	rddreg [dreg:$0x5];
	[sflag:s20] =	ssyncadd.s32 $0xFFFFD900  }
0xa1: {  	_ = 	snop  }
.LBB2_4:
0xa2: {  	s2 =	rddreg [dreg:$0x8]  }
0xa3: {  	[hbm:s2], [sflag:s10] =	dma.local [spmem:s19], $0x2700  }
.Ltmp6:
0xa4: {  	_ = 	snop;
	(pc) =	sbr.rel @p2 .LBB2_6-.Ltmp6, $4  }
.Ltmp7:
0xa5: {  	_ = 	snop;
	(pc) =	sbr.rel @!p2 .LBB2_7-.Ltmp7, $4  }
0xa6: {  	_ =	swait.ge [sflag:s20], $0x2700  }
0xa7: {  	[sflag:s20] =	ssyncset.done $0x0  }
0xa8: {  	s2 =	rddreg [dreg:$0x4];
	[sflag:s20] =	ssyncadd.s32 $0xFFFFD900  }
0xa9: {  	_ = 	snop  }
.LBB2_8:
0xaa: {  	_ =	sfence.sel $0x180000  }
0xab: {  	[bflag:$0x0] =	sbarrier.arrive $0xFFFF  }
0xac: {  	_ =	strace $0x9000004D  }
0xad: {  	s0 =	stileid.u32;
	[bflag:$0x2] =	sbarrier.arrive $0xFFFF  }
0xae: {  	p0 =	sne.s32 s0, $0x0;
	s0 =	rddreg [dreg:$0x3]  }
0xaf: {  	s0 =	sadd.s32 @!p0 $0x100000, s0  }
0xb0: {  	[sflag:s0] =	ssyncadd.tile.s32 @!p0 $0x1;
	_ =	shalt  }
.Lfunc_end2:
_tile_overlayer_lowered:
.L_overlay_start_2:
0xb1: {  	(tag) =	ssettag $0x2  }
0xb2: {  	s0 =	rddreg [dreg:$0x0];
	s2 =	stileid.u32  }
0xb3: {  	s1 =	rddreg [dreg:$0x1];
	p0 =	sne.s32 s2, $0x0  }
0xb4: {  	s3 =	rddreg [dreg:$0x2];
	[bflag:$0x3] =	sbarrier.arrive $0xFFFF;
	s2 =	simm.s32 @!p0 $0x1C05  }
0xb5: {  	[timem:s3], [sflag:s2] =	dma.local @!p0 [hbm:s0], s1  }
0xb6: {  	s0 =	simm.s32 @!p0 $0x5  }
0xb7: {  	_ =	swait.ge @!p0 [sflag:s0], s1  }
0xb8: {  	s1 =	ssub.s32 @!p0 $0x0, s1;
	[sflag:s0] =	ssyncset.done @!p0 $0x0  }
0xb9: {  	[sflag:s0] =	ssyncadd.s32 @!p0 s1  }
0xba: {  	[bflag:$0x3] =	sbarrier.arrive $0xFFFF  }
0xbb: {  	_ =	shalt  }

// kernel: kernel.22.cloned.1.call-start
scs
__scs_entry_jumppad:
0x0: {  	(pc) =	sbr.rel $0x88, $3  }
0x1: {  	(tag) =	ssettag $0x0;
	lr =	simm.s32 $0x1  }
0x2: {  	[smem:$0x3F95] =	sst lr;
	_ =	strace $0xD0000000  }
0x3: {  	_ = 	snop  }
0x4: {  	_ = 	snop  }
0x5: {  	_ = 	snop  }
0x6: {  	_ = 	snop  }
0x7: {  	_ = 	snop  }
__scs_overlays_trampoline_lowered:
0x8: {  	[smem:$0x3FA4] =	sst s0  }
0x9: {  	[smem:$0x3FA5] =	sst s1  }
0xa: {  	[smem:$0x3FA6] =	sst s2  }
0xb: {  	[smem:$0x3FA7] =	sst s3  }
0xc: {  	[smem:$0x3FA8] =	sst s4  }
0xd: {  	[smem:$0x3FA9] =	sst s5  }
0xe: {  	[smem:$0x3FAA] =	sst s6  }
0xf: {  	[smem:$0x3FAB] =	sst s7  }
0x10: {  	[smem:$0x3FAC] =	sst s8  }
0x11: {  	[smem:$0x3FAD] =	sst s9;
	s0 =	simm.s32 @!p0 $0x0  }
0x12: {  	s1 =	sld [smem:$0x3F93];
	s0 =	simm.s32 @p0 $0x1  }
0x13: {  	[smem:$0x3FAE] =	sst s0;
	s0 =	simm.s32 @!p1 $0x0  }
0x14: {  	s2 =	sld [smem:$0x3F92];
	s0 =	simm.s32 @p1 $0x1  }
0x15: {  	[smem:$0x3FAF] =	sst s0;
	s0 =	simm.s32 @!p2 $0x0  }
0x16: {  	s3 =	sld [smem:$0x3FDB];
	s0 =	simm.s32 @p2 $0x1  }
0x17: {  	s4 =	simm.s32 $0x1BF5;
	[smem:$0x3FB1] =	sst s0  }
0x18: {  	s0 =	sld [smem:$0x3F94];
	_ =	swait.ge [sflag:s4], $0x0  }
0x19: {  	s7 =	sld [smem:$0x3F95]  }
0x1a: {  	s8 =	sadd.s32 $0xFFFFE003, lr  }
0x1b: {  	s9 =	sadd.s32 $0xFFFFFEF7, lr;
	s5 =	simm.s32 $0xFFFFFFFF;
	p2 =	slt.u32 s8, $0xFFFFF086  }
0x1c: {  	p1 =	slt.u32 s9, $0xF7A;
	s5 =	simm.s32 @!p2 $0x0  }
0x1d: {  	s5 =	simm.s32 @p1 $0x1;
	p0 =	seq.s32 s7, s2  }
0x1e: {  	s7 =	smul.u32 @!p0 $0xF7A, s2;
	p2 =	seq.s32 @!p0 s5, $0x0  }
0x1f: {  	s9 =	smul.u32 $0xF7A, s1;
	s8 =	simm.s32 @!p0 $0x1BF5;
	p2 =	por !p2, p0  }
0x20: {  	[sflag:s8] =	ssyncset.s32 @!p0 $0xFFFFF086;
	s6 =	sadd.s32 @!p0 s3, s7;
	s7 =	simm.s32 @!p0 $0x108  }
0x21: {  	s3 =	sadd.s32 s3, s9;
	s6 =	sadd.s32 @!p0 $0x88, s6;
	s7 =	simm.s32 @p2 $0x1082  }
0x22: {  	[simem:s7], [sflag:s8] =	dma.local @!p0 [hbm:s6], $0xF7A  }
0x23: {  	s9 =	sor.u32 $0xD0000000, s2;
	s6 =	simm.s32 $0x108;
	_ =	swait.ge @!p0 [sflag:s8], $0x0  }
0x24: {  	s3 =	sadd.s32 $0x88, s3;
	s6 =	simm.s32 @!p1 $0x1082;
	[sflag:s4] =	ssyncset.s32 $0xFFFFF086  }
0x25: {  	[simem:s6], [sflag:s4] =	dma.local [hbm:s3], $0xF7A  }
0x26: {  	[smem:$0x3F95] =	sst s1;
	(tag) =	ssettag s2;
	_ =	strace s9  }
0x27: {  	s1 =	sld [smem:$0x3FA5]  }
0x28: {  	s2 =	sld [smem:$0x3FA6]  }
0x29: {  	s4 =	sld [smem:$0x3FA8]  }
0x2a: {  	p0 =	seq.s32 s5, $0x0;
	s5 =	sld [smem:$0x3FA9]  }
0x2b: {  	s6 =	sld [smem:$0x3FAA]  }
0x2c: {  	s7 =	sld [smem:$0x3FAB]  }
0x2d: {  	s3 =	simm.s32 $0x108;
	s8 =	sld [smem:$0x3FAC]  }
0x2e: {  	s3 =	simm.s32 @!p0 $0x1082;
	s9 =	sld [smem:$0x3FAD]  }
0x2f: {  	lr =	sadd.s32 s0, s3;
	s0 =	sld [smem:$0x3FA4]  }
0x30: {  	s3 =	sld [smem:$0x3FA7]  }
0x31: {  	[smem:$0x3FB0] =	sst s10  }
0x32: {  	s10 =	sld [smem:$0x3FAE];
	_ =	sdelay $0x3  }
0x33: {  	p0 =	seq.s32 s10, $0x1;
	s10 =	sld [smem:$0x3FB0];
	_ =	sdelay $0x3  }
0x34: {  	[smem:$0x3FB0] =	sst s10  }
0x35: {  	s10 =	sld [smem:$0x3FAF];
	_ =	sdelay $0x3  }
0x36: {  	p1 =	seq.s32 s10, $0x1;
	s10 =	sld [smem:$0x3FB0];
	_ =	sdelay $0x3  }
0x37: {  	[smem:$0x3FB0] =	sst s10  }
0x38: {  	s10 =	sld [smem:$0x3FB1]  }
0x39: {  	_ = 	snop;
	(pc) =	sbr.ind lr, $3  }
0x3a: {  	_ = 	snop  }
0x3b: {  	_ = 	snop  }
0x3c: {  	p2 =	seq.s32 s10, $0x1;
	s10 =	sld [smem:$0x3FB0]  }
0x3d: {  	_ =	shalt  }
0x3e: {  	_ =	shalt  }
0x3f: {  	_ =	shalt  }
0x40: {  	_ =	shalt  }
0x41: {  	_ =	shalt  }
0x42: {  	_ =	shalt  }
0x43: {  	_ =	shalt  }
0x44: {  	_ =	shalt  }
0x45: {  	_ =	shalt  }
0x46: {  	_ =	shalt  }
0x47: {  	_ =	shalt  }
0x48: {  	_ =	shalt  }
0x49: {  	_ =	shalt  }
0x4a: {  	_ =	shalt  }
0x4b: {  	_ =	shalt  }
0x4c: {  	_ =	shalt  }
0x4d: {  	_ =	shalt  }
0x4e: {  	_ =	shalt  }
0x4f: {  	_ =	shalt  }
0x50: {  	_ =	shalt  }
0x51: {  	_ =	shalt  }
0x52: {  	_ =	shalt  }
0x53: {  	_ =	shalt  }
0x54: {  	_ =	shalt  }
0x55: {  	_ =	shalt  }
0x56: {  	_ =	shalt  }
0x57: {  	_ =	shalt  }
0x58: {  	_ =	shalt  }
0x59: {  	_ =	shalt  }
0x5a: {  	_ =	shalt  }
0x5b: {  	_ =	shalt  }
0x5c: {  	_ =	shalt  }
0x5d: {  	_ =	shalt  }
0x5e: {  	_ =	shalt  }
0x5f: {  	_ =	shalt  }
0x60: {  	_ =	shalt  }
0x61: {  	_ =	shalt  }
0x62: {  	_ =	shalt  }
0x63: {  	_ =	shalt  }
0x64: {  	_ =	shalt  }
0x65: {  	_ =	shalt  }
0x66: {  	_ =	shalt  }
0x67: {  	_ =	shalt  }
0x68: {  	_ =	shalt  }
0x69: {  	_ =	shalt  }
0x6a: {  	_ =	shalt  }
0x6b: {  	_ =	shalt  }
0x6c: {  	_ =	shalt  }
0x6d: {  	_ =	shalt  }
0x6e: {  	_ =	shalt  }
0x6f: {  	_ =	shalt  }
0x70: {  	_ =	shalt  }
0x71: {  	_ =	shalt  }
0x72: {  	_ =	shalt  }
0x73: {  	_ =	shalt  }
0x74: {  	_ =	shalt  }
0x75: {  	_ =	shalt  }
0x76: {  	_ =	shalt  }
0x77: {  	_ =	shalt  }
0x78: {  	_ =	shalt  }
0x79: {  	_ =	shalt  }
0x7a: {  	_ =	shalt  }
0x7b: {  	_ =	shalt  }
0x7c: {  	_ =	shalt  }
0x7d: {  	_ =	shalt  }
0x7e: {  	_ =	shalt  }
0x7f: {  	_ =	shalt  }
0x80: {  	_ =	shalt  }
0x81: {  	_ =	shalt  }
0x82: {  	_ =	shalt  }
0x83: {  	_ =	shalt  }
0x84: {  	_ =	shalt  }
0x85: {  	_ =	shalt  }
0x86: {  	_ =	shalt  }
0x87: {  	_ =	shalt  }
.Lfunc_end0:
.L_simem_size_0:
called_computation.3_lowered:
.L_overlay_start_0:
0x88: {  	s2 =	sld [smem:$0x3FD9]  }
0x89: {  	s3 =	sld [smem:$0x3FFE];
	_ =	sdelay $0x1  }
0x8a: {  	s1 =	srdreg.scid  }
0x8b: {  	s0 =	sand.u32 $0x1, s1  }
0x8c: {  	s17 =	sshll.u32 s0, $0xA;
	s2 =	sadd.s32 s3, s2  }
0x8d: {  	s2 =	sadd.s32 s2, s17  }
0x8e: {  	[smem:$0x3FBC] =	sst s2  }
0x8f: {  	_ = 	snop  }
0x90: {  	s2 =	sld [smem:$0x3FD0];
	(tm) =	ssettm $0x1  }
0x91: {  	s18 =	sld [smem:$0x3FFB];
	_ =	sdelay $0x3  }
0x92: {  	_ =	strace s18  }
0x93: {  	s3 =	sld [smem:$0x3FFC];
	_ =	sdelay $0x3  }
0x94: {  	_ =	strace s3  }
0x95: {  	s3 =	sld [smem:$0x3FFD];
	_ =	sdelay $0x3  }
0x96: {  	_ =	strace s3  }
0x97: {  	_ =	strace $0x8FFFFFFF  }
0x98: {  	s19 =	sld [smem:$0x3FDB];
	_ =	sdelay $0x1  }
0x99: {  	s4 =	simm.s32 $_scs_section_size  }
0x9a: {  	s5 =	simm.s32 $_size__tile_overlayer_lowered;
	s6 =	simm.s32 $_tile_overlayer_lowered  }
0x9b: {  	s22 =	simm.s32 $0x1BFF;
	s21 =	sshll.u32 s6, $0x1;
	s3 =	sadd.s32 s4, s19  }
0x9c: {  	s7 =	simm.s32 $0x0;
	s20 =	sshll.u32 s5, $0x1;
	s5 =	sadd.s32 s21, s3  }
0x9d: {  	[timem:s7], [sflag:s22] =	dma.local [hbm:s5], s20  }
0x9e: {  	_ =	swait.ge [sflag:s22], s20  }
0x9f: {  	s4 =	ssub.s32 $0x0, s20;
	[sflag:s22] =	ssyncset.done $0x0  }
0xa0: {  	[sflag:s22] =	ssyncadd.s32 s4;
	_ =	sdelay $0x1  }
0xa1: {  	s23 =	simm.s32 $0x1B8B  }
0xa2: {  	_ =	swait.ge [sflag:s23], $0x1  }
0xa3: {  	[sflag:s23] =	ssyncset.done $0x0  }
0xa4: {  	s25 =	simm.s32 $0x1B8E;
	s24 =	sld [smem:$0x3FFE];
	[sflag:s23] =	ssyncadd.s32 $0xFFFFFFFF  }
0xa5: {  	s26 =	simm.s32 $execute0_lowered;
	[smem:$0x3FD2] =	sst s25  }
0xa6: {  	s5 =	sshll.u32 s26, $0x1;
	_ =	strace $0x8000004F;
	[dreg:$0x1] =	wrdreg $0xFFFFFFFF  }
0xa7: {  	s28 =	simm.s32 $_size_execute0_lowered;
	s3 =	sadd.s32 s3, s5;
	[dreg:$0x0] =	wrdreg $0x0  }
0xa8: {  	s5 =	sshll.u32 s28, $0x1;
	[dreg:$0x2] =	wrdreg s3  }
0xa9: {  	[dreg:$0x3] =	wrdreg s5  }
0xaa: {  	[dreg:$0x4] =	wrdreg $0xC0  }
0xab: {  	_ =	task [dreg:s7], $0x5FFFF  }
0xac: {  	[dreg:$0x1] =	wrdreg $0xFFFFFFFF  }
0xad: {  	[dreg:$0x0] =	wrdreg $0x60  }
0xae: {  	[dreg:$0x2] =	wrdreg s2  }
0xaf: {  	[dreg:$0x3] =	wrdreg s24  }
0xb0: {  	[dreg:$0x4] =	wrdreg $0xA9000  }
0xb1: {  	[dreg:$0x5] =	wrdreg $0x9  }
0xb2: {  	_ =	task.clear_ibuf [dreg:s7], $0x6FFFF;
	_ =	strace $0x9000004F  }
0xb3: {  	s29 =	simm.s32 $0x9;
	_ =	strace $0x80000051  }
0xb4: {  	_ =	swait.ge [sflag:s29], $0x1  }
0xb5: {  	[sflag:s29] =	ssyncadd.s32 $0xFFFFFFFF  }
0xb6: {  	_ =	strace $0x90000051  }
0xb7: {  	_ =	sfence  }
0xb8: {  	s30 =	sld [smem:$0x0];
	_ =	sdelay $0x2  }
0xb9: {  	s31 =	sshll.u32 s1, $0xD;
	s1 =	sshrl.u32 s1, $0x2  }
0xba: {  	s3 =	sand.u32 $0x4000, s31;
	s1 =	sadd.s32 s1, s30  }
0xbb: {  	s0 =	sor.u32 s3, s0;
	s1 =	sshll.u32 s1, $0x11  }
0xbc: {  	s0 =	sor.u32 s1, s0  }
0xbd: {  	s0 =	sadd.s32 $0x8F2B, s0  }
0xbe: {  	[sflag:s0] =	ssyncadd.remote.s32 $0x1  }
0xbf: {  	_ =	sfence.sel $0xFFFF  }
0xc0: {  	[dreg:$0x0] =	wrdreg $0xFFFFFFFF;
	(pc) =	sbr.abs _section_cstart, $3  }
0xc1: {  	[dreg:$0x1] =	wrdreg $0xFFFFFFFF  }
0xc2: {  	_ =	task.clear_ibuf [dreg:s7], $0x2FFFF;
	_ =	strace $0x9FFFFFFF  }
0xc3: {  	(tm) =	ssettm $0x7FFFFFFF  }
tec
execute0_lowered:
.L_overlay_start_1:
0x0: {  	(tag) =	ssettag $0x1  }
0x1: {  	s0 =	srdreg.scid;
	s1 =	rddreg [dreg:$0x0]  }
0x2: {  	s2 =	rddreg [dreg:$0x1];
	s16 =	stileid.u32  }
0x3: {  	s3 =	rddreg [dreg:$0x2];
	s20 =	simm.s32 $0x5;
	s28 =	simm.s32 $0x1  }
0x4: {  	s29 =	simm.s32 $0x3;
	s30 =	simm.s32 $0x2;
	s31 =	simm.s32 $0x4  }
0x5: {  	s0 =	sand.u32 $0x1, s0;
	s6 =	sadd.s32 $0xFC00, s2;
	s9 =	smul.u32 $0x4E000, s16  }
0x6: {  	s17 =	sadd.s32 $0x19C00, s2;
	s18 =	sadd.s32 $0x9D200, s2;
	s11 =	smul.u32 $0x2700, s16  }
0x7: {  	s23 =	sshll.u32 s16, $0x6;
	s12 =	sadd.s32 $0x27000, s1;
	s4 =	sshll.u32 s0, $0x4  }
0x8: {  	p1 =	sne.s32 s16, $0xF;
	s5 =	sor.u32 s16, s4;
	s4 =	simm.s32 $0x0  }
0x9: {  	p2 =	seq.s32 s16, $0xF;
	s24 =	sadd.s32 s1, s11;
	[smem:$0x7FF] =	sst s4  }
0xa: {  	s22 =	ssub.s32 $0x2, s0;
	_ =	strace $0x80000050;
	[dreg:$0x6] =	wrdreg s24  }
0xb: {  	p0 =	seq.s32 s0, $0x1;
	s25 =	sadd.s32 s17, s11;
	[dreg:$0x4] =	wrdreg s17  }
0xc: {  	s0 =	simm.s32 $0x0;
	s10 =	sshrl.u32 s22, $0x1;
	[dreg:$0x8] =	wrdreg s25  }
0xd: {  	s9 =	sshrl.u32 s9, $0x2;
	s26 =	sadd.s32 s18, s11;
	[dreg:$0x5] =	wrdreg s18  }
0xe: {  	s15 =	sadd.s32 s9, s3;
	s9 =	sadd.s32 $0x138000, s3;
	[dreg:$0x9] =	wrdreg s26  }
0xf: {  	s5 =	smul.u32 $0x2800, s5;
	s19 =	sshrl.u32 s15, $0x3;
	[dreg:$0x7] =	wrdreg s9  }
.Ltmp0:
0x10: {  	s21 =	sshrl.u32 @!p1 s9, $0x3;
	s24 =	simm.s32 $0x80;
	(pc) =	sbr.rel .LBB2_1-.Ltmp0, $4  }
0x11: {  	s25 =	simm.s32 $0x6800;
	s26 =	simm.s32 $0xA880;
	s7 =	sshrl.u32 s5, $0x3  }
0x12: {  	s8 =	sadd.s32 s7, s2;
	s2 =	ssub.s32 s22, s10;
	s10 =	sor.u32 $0x1C05, s23  }
0x13: {  	s14 =	sadd.s32 s6, s7;
	s22 =	simm.s32 $0x2800;
	s23 =	simm.s32 $0xA800  }
0x14: {  	s13 =	sadd.s32 $0x93200, s8;
	s17 =	smax.u32 s2, $0x1;
	s18 =	sadd.s32 $0x4F0, s14  }
.LBB2_6:
0x15: {  	s7 =	rddreg [dreg:$0x7]  }
0x16: {  	s2 =	sadd.s32 $0x27000, s2;
	s7 =	sshrl.u32 s7, $0x3  }
0x17: {  	[hbm:s2], [sflag:s10] =	dma.local [spmem:s7], $0x100  }
0x18: {  	_ =	swait.ge [sflag:s20], $0x100  }
0x19: {  	[sflag:s20] =	ssyncset.done $0x0  }
0x1a: {  	[sflag:s20] =	ssyncadd.s32 $0xFFFFFF00  }
.LBB2_7:
0x1b: {  	s0 =	sadd.s32 $0x1, s0  }
0x1c: {  	p3 =	sne.s32 s0, s17  }
.Ltmp1:
0x1d: {  	_ = 	snop;
	(pc) =	sbr.rel @!p3 .LBB2_8-.Ltmp1, $1  }
0x1e: {  	_ =	sdelay $0x3  }
.LBB2_1:
0x1f: {  	s2 =	rddreg [dreg:$0x6]  }
0x20: {  	[spmem:s19], [sflag:s10] =	dma.local [hbm:s2], $0x2700  }
0x21: {  	_ =	swait.ge [sflag:s20], $0x2700  }
0x22: {  	[sflag:s20] =	ssyncset.done $0x0  }
0x23: {  	s2 =	simm.s32 @!p1 $0x5;
	[sflag:s20] =	ssyncadd.s32 $0xFFFFD900  }
0x24: {  	[spmem:s21], [sflag:s10] =	dma.local @!p1 [hbm:s12], $0x100  }
0x25: {  	_ =	swait.ge @!p1 [sflag:s2], $0x100  }
0x26: {  	[sflag:s2] =	ssyncset.done @!p1 $0x0  }
0x27: {  	[sflag:s2] =	ssyncadd.s32 @!p1 $0xFFFFFF00  }
0x28: {  	[bflag:$0x0] =	sbarrier.arrive $0xFFFF  }
0x29: {  	[tilespmem:s4], [sflag:$0x5] =	stream.linear.gather [hbm4b:s13+s4], $0x2800, $0x38;
	[tilespmem:$0x1E200] =	vst v63  }
0x2a: {  	s7 =	simm.s32 $0x0;
	_ =	swait.ge [sflag:s20], $0x2800  }
0x2b: {  	s2 =	sand.u32 $0x3C00, s7;
	s7 =	simm.s32 $0x80;
	[sflag:s20] =	ssyncset.done $0x0  }
0x2c: {  	s2 =	sadd.s32 s5, s2;
	s7 =	sand.u32 $0x380, s7;
	[sflag:s20] =	ssyncadd.s32 $0xFFFFD800  }
0x2d: {  	[tilespmem:s22], [sflag:$0x1] =	stream.indirect.gather [hbm4b:s1+s24], $0x80, s4, s24, $0xb8;
	[tilespmem:$0x1E200] =	vst v63  }
0x2e: {  	s2 =	sor.u32 s2, s7  }
0x2f: {  	[tilespmem:s23], [sflag:$0x3] =	stream.linear.gather [hbm4b:s14+s4], $0x80, $0x38;
	[tilespmem:$0x1E200] =	vst v63  }
0x30: {  	s2 =	sshrl.u32 s2, $0x3  }
0x31: {  	[tilespmem:s25], [sflag:$0x2] =	stream.indirect.gather [hbm4b:s1+s24], $0x80, s24, s24, $0xb8;
	[tilespmem:$0x1E200] =	vst v63  }
0x32: {  	s2 =	sadd.s32 s6, s2  }
0x33: {  	[tilespmem:s26], [sflag:$0x4] =	stream.linear.gather [hbm4b:s2+s4], $0x80, $0x38;
	[tilespmem:$0x1E200] =	vst v63  }
0x34: {  	_ =	swait.ge [sflag:s28], $0x4000  }
0x35: {  	[sflag:s28] =	ssyncset.done $0x0  }
0x36: {  	[sflag:s28] =	ssyncadd.s32 $0xFFFFC000  }
0x37: {  	_ =	swait.ge [sflag:s29], $0x80  }
0x38: {  	s8 =	simm.s32 $0x100;
	[sflag:s29] =	ssyncset.done $0x0  }
0x39: {  	s9 =	sand.u32 $0x7C00, s8;
	[sflag:s29] =	ssyncadd.s32 $0xFFFFFF80  }
0x3a: {  	[spmem:s3] =	stream.indirect.scatter.add.f32 [tilespmem:s22], [sflag:$0x5], $0x80, s23, s24, $0xb8;
	[tilespmem:$0x1E200] =	vst v63  }
0x3b: {  	s7 =	sadd.s32 s5, s9;
	s2 =	sand.u32 $0x300, s8;
	_ =	swait.ge [sflag:s20], $0x4000  }
0x3c: {  	s2 =	sor.u32 s2, s7;
	[sflag:s20] =	ssyncset.done $0x0  }
0x3d: {  	s8 =	simm.s32 $0x100;
	s2 =	sshrl.u32 s2, $0x3;
	[sflag:s20] =	ssyncadd.s32 $0xFFFFC000  }
0x3e: {  	[tilespmem:s22], [sflag:$0x1] =	stream.indirect.gather [hbm4b:s1+s24], $0x80, s8, s24, $0xb8;
	[tilespmem:$0x1E200] =	vst v63  }
0x3f: {  	s2 =	sadd.s32 s6, s2  }
0x40: {  	[tilespmem:s23], [sflag:$0x3] =	stream.linear.gather [hbm4b:s2+s4], $0x80, $0x38;
	[tilespmem:$0x1E200] =	vst v63  }
0x41: {  	_ =	swait.ge [sflag:s30], $0x4000  }
0x42: {  	s16 =	simm.s32 $0x200;
	s11 =	simm.s32 $0x100;
	[sflag:s30] =	ssyncset.done $0x0  }
0x43: {  	s15 =	simm.s32 $0x180;
	s7 =	simm.s32 $0x300;
	[sflag:s30] =	ssyncadd.s32 $0xFFFFC000  }
0x44: {  	s2 =	sand.u32 $0x3C00, s11;
	s11 =	simm.s32 $0x180;
	_ =	swait.ge [sflag:s31], $0x80  }
.LBB2_2:
0x45: {  	s2 =	sadd.s32 s5, s2  }
0x46: {  	s11 =	sand.u32 $0x380, s11;
	[sflag:s31] =	ssyncset.done $0x0;
	s9 =	smov.u32 s7  }
0x47: {  	s8 =	sadd.s32 $0x100, s7;
	s2 =	sor.u32 s2, s11;
	[sflag:s31] =	ssyncadd.s32 $0xFFFFFF80  }
0x48: {  	[spmem:s3] =	stream.indirect.scatter.add.f32 [tilespmem:s25], [sflag:$0x5], $0x80, s26, s24, $0xb8;
	[tilespmem:$0x1E200] =	vst v63  }
0x49: {  	p3 =	sne.s32 s7, $0x2700;
	s2 =	sshrl.u32 s2, $0x3;
	_ =	swait.ge [sflag:s20], $0x4000  }
0x4a: {  	[sflag:s20] =	ssyncset.done $0x0  }
0x4b: {  	[sflag:s20] =	ssyncadd.s32 $0xFFFFC000  }
0x4c: {  	[tilespmem:s25], [sflag:$0x2] =	stream.indirect.gather [hbm4b:s1+s24], $0x80, s15, s24, $0xb8;
	[tilespmem:$0x1E200] =	vst v63  }
0x4d: {  	s2 =	sadd.s32 s6, s2  }
0x4e: {  	[tilespmem:s26], [sflag:$0x4] =	stream.linear.gather [hbm4b:s2+s4], $0x80, $0x38;
	[tilespmem:$0x1E200] =	vst v63  }
0x4f: {  	_ =	swait.ge [sflag:s28], $0x4000  }
0x50: {  	[sflag:s28] =	ssyncset.done $0x0  }
0x51: {  	[sflag:s28] =	ssyncadd.s32 $0xFFFFC000  }
0x52: {  	_ =	swait.ge [sflag:s29], $0x80  }
0x53: {  	[sflag:s29] =	ssyncset.done $0x0  }
0x54: {  	[sflag:s29] =	ssyncadd.s32 $0xFFFFFF80  }
0x55: {  	[spmem:s3] =	stream.indirect.scatter.add.f32 [tilespmem:s22], [sflag:$0x5], $0x80, s23, s24, $0xb8;
	[tilespmem:$0x1E200] =	vst v63  }
0x56: {  	s2 =	sand.u32 $0x7C00, s16;
	_ =	swait.ge [sflag:s20], $0x4000  }
0x57: {  	s7 =	sand.u32 $0x300, s16;
	s2 =	sadd.s32 s5, s2;
	[sflag:s20] =	ssyncset.done $0x0  }
0x58: {  	s11 =	sadd.s32 $0x80, s15;
	s2 =	sor.u32 s7, s2;
	[sflag:s20] =	ssyncadd.s32 $0xFFFFC000  }
0x59: {  	[tilespmem:s22], [sflag:$0x1] =	stream.indirect.gather [hbm4b:s1+s24], $0x80, s11, s24, $0xb8;
	[tilespmem:$0x1E200] =	vst v63  }
0x5a: {  	s16 =	smov.u32 s9;
	s2 =	sshrl.u32 s2, $0x3  }
0x5b: {  	s2 =	sadd.s32 s6, s2  }
0x5c: {  	[tilespmem:s23], [sflag:$0x3] =	stream.linear.gather [hbm4b:s2+s4], $0x80, $0x38;
	[tilespmem:$0x1E200] =	vst v63  }
.Ltmp2:
0x5d: {  	_ = 	snop;
	(pc) =	sbr.rel @p3 .LBB2_2-.Ltmp2, $4  }
0x5e: {  	_ =	swait.ge [sflag:s30], $0x4000  }
0x5f: {  	s15 =	sadd.s32 $0x100, s15;
	[sflag:s30] =	ssyncset.done $0x0  }
0x60: {  	s7 =	smov.u32 s8;
	s2 =	sadd.s32 $0xFFFFFF00, s16;
	[sflag:s30] =	ssyncadd.s32 $0xFFFFC000  }
0x61: {  	s11 =	sadd.s32 $0xFFFFFF80, s16;
	s2 =	sand.u32 $0x3C00, s2;
	_ =	swait.ge [sflag:s31], $0x80  }
0x62: {  	[sflag:s31] =	ssyncset.done $0x0  }
0x63: {  	[sflag:s31] =	ssyncadd.s32 $0xFFFFFF80  }
0x64: {  	[spmem:s3] =	stream.indirect.scatter.add.f32 [tilespmem:s25], [sflag:$0x5], $0x80, s26, s24, $0xb8;
	[tilespmem:$0x1E200] =	vst v63  }
0x65: {  	s2 =	sadd.s32 s5, s2;
	s7 =	sand.u32 $0x380, s11;
	_ =	swait.ge [sflag:s20], $0x4000  }
0x66: {  	s2 =	sor.u32 s2, s7;
	[sflag:s20] =	ssyncset.done $0x0  }
0x67: {  	s2 =	sshrl.u32 s2, $0x3;
	[sflag:s20] =	ssyncadd.s32 $0xFFFFC000  }
0x68: {  	[tilespmem:s25], [sflag:$0x2] =	stream.indirect.gather [hbm4b:s1+s24], $0x80, s15, s24, $0xb8;
	[tilespmem:$0x1E200] =	vst v63  }
0x69: {  	s2 =	sadd.s32 s6, s2  }
0x6a: {  	[tilespmem:s26], [sflag:$0x4] =	stream.linear.gather [hbm4b:s2+s4], $0x80, $0x38;
	[tilespmem:$0x1E200] =	vst v63  }
0x6b: {  	_ =	swait.ge [sflag:s28], $0x4000  }
0x6c: {  	[sflag:s28] =	ssyncset.done $0x0  }
0x6d: {  	[sflag:s28] =	ssyncadd.s32 $0xFFFFC000  }
0x6e: {  	_ =	swait.ge [sflag:s29], $0x80  }
0x6f: {  	[sflag:s29] =	ssyncset.done $0x0  }
0x70: {  	s9 =	sand.u32 $0x7C00, s16;
	[sflag:s29] =	ssyncadd.s32 $0xFFFFFF80  }
0x71: {  	[spmem:s3] =	stream.indirect.scatter.add.f32 [tilespmem:s22], [sflag:$0x5], $0x80, s23, s24, $0xb8;
	[tilespmem:$0x1E200] =	vst v63  }
0x72: {  	s11 =	sand.u32 $0x300, s16;
	s2 =	sadd.s32 s5, s9;
	_ =	swait.ge [sflag:s20], $0x4000  }
0x73: {  	s2 =	sor.u32 s11, s2;
	[sflag:s20] =	ssyncset.done $0x0  }
0x74: {  	s8 =	sadd.s32 $0x80, s15;
	s2 =	sshrl.u32 s2, $0x3;
	[sflag:s20] =	ssyncadd.s32 $0xFFFFC000  }
0x75: {  	[tilespmem:s22], [sflag:$0x1] =	stream.indirect.gather [hbm4b:s1+s24], $0x80, s8, s24, $0xb8;
	[tilespmem:$0x1E200] =	vst v63  }
0x76: {  	s2 =	sadd.s32 s6, s2  }
0x77: {  	[tilespmem:s23], [sflag:$0x3] =	stream.linear.gather [hbm4b:s2+s4], $0x80, $0x38;
	[tilespmem:$0x1E200] =	vst v63  }
0x78: {  	_ =	swait.ge [sflag:s30], $0x4000  }
0x79: {  	[sflag:s30] =	ssyncset.done $0x0  }
0x7a: {  	[sflag:s30] =	ssyncadd.s32 $0xFFFFC000  }
0x7b: {  	_ =	swait.ge [sflag:s31], $0x80  }
0x7c: {  	[sflag:s31] =	ssyncset.done $0x0  }
0x7d: {  	[sflag:s31] =	ssyncadd.s32 $0xFFFFFF80  }
0x7e: {  	[spmem:s3] =	stream.indirect.scatter.add.f32 [tilespmem:s25], [sflag:$0x5], $0x80, s26, s24, $0xb8;
	[tilespmem:$0x1E200] =	vst v63  }
0x7f: {  	_ =	swait.ge [sflag:s20], $0x4000  }
0x80: {  	[sflag:s20] =	ssyncset.done $0x0  }
0x81: {  	s16 =	simm.s32 $0x2780;
	[sflag:s20] =	ssyncadd.s32 $0xFFFFC000  }
0x82: {  	[tilespmem:s25], [sflag:$0x2] =	stream.indirect.gather [hbm4b:s1+s24], $0x80, s16, s24, $0xb8;
	[tilespmem:$0x1E200] =	vst v63  }
0x83: {  	_ = 	snop  }
0x84: {  	[tilespmem:s26], [sflag:$0x4] =	stream.linear.gather [hbm4b:s18+s4], $0x80, $0x38;
	[tilespmem:$0x1E200] =	vst v63  }
0x85: {  	_ =	swait.ge [sflag:s28], $0x4000  }
0x86: {  	[sflag:s28] =	ssyncset.done $0x0  }
0x87: {  	[sflag:s28] =	ssyncadd.s32 $0xFFFFC000  }
0x88: {  	_ =	swait.ge [sflag:s29], $0x80  }
0x89: {  	[sflag:s29] =	ssyncset.done $0x0  }
0x8a: {  	[sflag:s29] =	ssyncadd.s32 $0xFFFFFF80  }
0x8b: {  	[spmem:s3] =	stream.indirect.scatter.add.f32 [tilespmem:s22], [sflag:$0x5], $0x80, s23, s24, $0xb8;
	[tilespmem:$0x1E200] =	vst v63  }
0x8c: {  	_ =	swait.ge [sflag:s20], $0x4000  }
0x8d: {  	[sflag:s20] =	ssyncset.done $0x0  }
0x8e: {  	[sflag:s20] =	ssyncadd.s32 $0xFFFFC000  }
0x8f: {  	_ =	swait.ge [sflag:s30], $0x4000  }
0x90: {  	[sflag:s30] =	ssyncset.done $0x0  }
0x91: {  	[sflag:s30] =	ssyncadd.s32 $0xFFFFC000  }
0x92: {  	_ =	swait.ge [sflag:s31], $0x80  }
0x93: {  	[sflag:s31] =	ssyncset.done $0x0  }
0x94: {  	[sflag:s31] =	ssyncadd.s32 $0xFFFFFF80  }
0x95: {  	[spmem:s3] =	stream.indirect.scatter.add.f32 [tilespmem:s25], [sflag:$0x5], $0x80, s26, s24, $0xb8;
	[tilespmem:$0x1E200] =	vst v63  }
.Ltmp3:
0x96: {  	_ =	swait.ge [sflag:s20], $0x4000;
	(pc) =	sbr.rel @!p0 .LBB2_4-.Ltmp3, $3  }
0x97: {  	[sflag:s20] =	ssyncset.done $0x0  }
0x98: {  	[sflag:s20] =	ssyncadd.s32 $0xFFFFC000  }
0x99: {  	[bflag:$0x0] =	sbarrier.arrive $0xFFFF;
	_ =	sdelay $0x1  }
0x9a: {  	s2 =	rddreg [dreg:$0x9]  }
0x9b: {  	[hbm:s2], [sflag:s10] =	dma.local [spmem:s19], $0x2700  }
.Ltmp4:
0x9c: {  	_ = 	snop;
	(pc) =	sbr.rel @p1 .LBB2_7-.Ltmp4, $4  }
.Ltmp5:
0x9d: {  	_ = 	snop;
	(pc) =	sbr.rel @!p1 .LBB2_6-.Ltmp5, $4  }
0x9e: {  	_ =	swait.ge [sflag:s20], $0x2700  }
0x9f: {  	[sflag:s20] =	ssyncset.done $0x0  }
0xa0: {  	s2 =	rddreg [dreg:$0x5];
	[sflag:s20] =	ssyncadd.s32 $0xFFFFD900  }
0xa1: {  	_ = 	snop  }
.LBB2_4:
0xa2: {  	s2 =	rddreg [dreg:$0x8]  }
0xa3: {  	[hbm:s2], [sflag:s10] =	dma.local [spmem:s19], $0x2700  }
.Ltmp6:
0xa4: {  	_ = 	snop;
	(pc) =	sbr.rel @p2 .LBB2_6-.Ltmp6, $4  }
.Ltmp7:
0xa5: {  	_ = 	snop;
	(pc) =	sbr.rel @!p2 .LBB2_7-.Ltmp7, $4  }
0xa6: {  	_ =	swait.ge [sflag:s20], $0x2700  }
0xa7: {  	[sflag:s20] =	ssyncset.done $0x0  }
0xa8: {  	s2 =	rddreg [dreg:$0x4];
	[sflag:s20] =	ssyncadd.s32 $0xFFFFD900  }
0xa9: {  	_ = 	snop  }
.LBB2_8:
0xaa: {  	_ =	sfence.sel $0x180000  }
0xab: {  	[bflag:$0x0] =	sbarrier.arrive $0xFFFF  }
0xac: {  	_ =	strace $0x90000050  }
0xad: {  	s0 =	stileid.u32;
	[bflag:$0x2] =	sbarrier.arrive $0xFFFF  }
0xae: {  	p0 =	sne.s32 s0, $0x0;
	s0 =	rddreg [dreg:$0x3]  }
0xaf: {  	s0 =	sadd.s32 @!p0 $0x100000, s0  }
0xb0: {  	[sflag:s0] =	ssyncadd.tile.s32 @!p0 $0x1;
	_ =	shalt  }
.Lfunc_end2:
_tile_overlayer_lowered:
.L_overlay_start_2:
0xb1: {  	(tag) =	ssettag $0x2  }
0xb2: {  	s0 =	rddreg [dreg:$0x0];
	s2 =	stileid.u32  }
0xb3: {  	s1 =	rddreg [dreg:$0x1];
	p0 =	sne.s32 s2, $0x0  }
0xb4: {  	s3 =	rddreg [dreg:$0x2];
	[bflag:$0x3] =	sbarrier.arrive $0xFFFF;
	s2 =	simm.s32 @!p0 $0x1C05  }
0xb5: {  	[timem:s3], [sflag:s2] =	dma.local @!p0 [hbm:s0], s1  }
0xb6: {  	s0 =	simm.s32 @!p0 $0x5  }
0xb7: {  	_ =	swait.ge @!p0 [sflag:s0], s1  }
0xb8: {  	s1 =	ssub.s32 @!p0 $0x0, s1;
	[sflag:s0] =	ssyncset.done @!p0 $0x0  }
0xb9: {  	[sflag:s0] =	ssyncadd.s32 @!p0 s1  }
0xba: {  	[bflag:$0x3] =	sbarrier.arrive $0xFFFF  }
0xbb: {  	_ =	shalt  }

</sc_bundles>
